<compile_context>
chip_gen: v7x
topology: tpu7x:2x2x1
jax: 0.10.2.dev20260603
libtpu: 0.0.44.dev20260713+nightly
codegen_flags: <defaults>
</compile_context>

<pallas_src>
import functools

import jax
import jax.numpy as jnp
from jax import lax
from jax.experimental import pallas as pl
from jax.experimental.pallas import tpu as pltpu
from jax.experimental.pallas import tpu_sc as plsc

VOCAB = 1000000
SEQ_LEN = 200
EMBED_DIM = 32
BATCH = 4096

NC = 2
NS = 16
NW = NC * NS

ST = SEQ_LEN // 8
BT = BATCH // 128
NCHUNKS = ST
ROWS = 8 * 128


def _body(idx_hbm, tok_hbm, pos_hbm, out_hbm,
          idx0, idx1, gbuf0, gbuf1, tbuf, pos_v, si0, si1, sg0, sg1, ss):
    w = lax.axis_index("s") * NC + lax.axis_index("c")
    pltpu.sync_copy(pos_hbm, pos_v)

    idxs, gbufs = (idx0, idx1), (gbuf0, gbuf1)
    sis, sgs = (si0, si1), (sg0, sg1)

    lane = lax.iota(jnp.int32, 16)
    dhi0 = lane // 8
    dhi1 = dhi0 + 2
    dlin = (lane % 8) * 128

    def start_idx(g, b):
        ts = jnp.minimum(g, ST - 1)
        pltpu.async_copy(idx_hbm.at[ts, w], idxs[b], sis[b])

    def wait_idx(b):
        pltpu.make_async_copy(idx_hbm.at[0, 0], idxs[b], sis[b]).wait()

    def fire_gather(b):
        for sl in range(8):
            pltpu.async_copy(
                tok_hbm.at[idxs[b].at[sl]],
                gbufs[b].at[pl.ds(sl * 128, 128)],
                sgs[b],
            )

    def wait_gather(b):
        pltpu.make_async_copy(tok_hbm.at[pl.ds(0, ROWS)], gbufs[b], sgs[b]).wait()

    def start_store(g):
        pltpu.async_copy(tbuf, out_hbm.at[g, :, w, :], ss)

    def wait_store():
        pltpu.make_async_copy(tbuf, out_hbm.at[0, :, 0, :], ss).wait()

    def work(g, b):
        gv = gbufs[b]

        def persl(sl, c):
            s = g * 8 + sl
            pos0 = pos_v[s, pl.ds(0, 16)]
            pos1 = pos_v[s, pl.ds(16, 16)]
            row0 = dhi0 + sl * 4
            row1 = dhi1 + sl * 4
            t0 = sl * 128

            @plsc.parallel_loop(0, 128, unroll=16, carry=dlin)
            def token(bl, col):
                t = t0 + bl
                plsc.store_scatter(tbuf, [row0, col], gv[t, pl.ds(0, 16)] + pos0)
                plsc.store_scatter(tbuf, [row1, col], gv[t, pl.ds(16, 16)] + pos1)
                return col + 1

            return c

        lax.fori_loop(0, 8, persl, 0)

    start_idx(0, 0)
    wait_idx(0)
    fire_gather(0)
    start_idx(1, 1)
    wait_idx(1)
    fire_gather(1)
    wait_gather(0)
    start_idx(2, 0)
    work(0, 0)
    start_store(0)

    @pl.loop(1, NCHUNKS - 2, step=2)
    def _(g0):
        for b, g_off in ((1, 0), (0, 1)):
            g = g0 + g_off
            ob = 1 - b
            wait_idx(ob)
            fire_gather(ob)
            wait_gather(b)
            start_idx(g + 2, b)
            wait_store()
            work(g, b)
            start_store(g)

    wait_idx(0)
    fire_gather(0)
    wait_gather(1)
    wait_store()
    work(NCHUNKS - 2, 1)
    start_store(NCHUNKS - 2)

    wait_gather(0)
    wait_store()
    work(NCHUNKS - 1, 0)
    start_store(NCHUNKS - 1)
    wait_store()


@jax.jit
def _run(idx4, token_table, pos_table):
    mesh = plsc.VectorSubcoreMesh(
        core_axis_name="c", subcore_axis_name="s", num_cores=NC, num_subcores=NS
    )
    return pl.kernel(
        _body,
        out_type=jax.ShapeDtypeStruct((ST, 32, BT, 1024), jnp.float32),
        mesh=mesh,
        scratch_types=[
            pltpu.VMEM((8, 128), jnp.int32),
            pltpu.VMEM((8, 128), jnp.int32),
            pltpu.VMEM((ROWS, EMBED_DIM), jnp.float32),
            pltpu.VMEM((ROWS, EMBED_DIM), jnp.float32),
            pltpu.VMEM((32, 1024), jnp.float32),
            pltpu.VMEM((SEQ_LEN, EMBED_DIM), jnp.float32),
            pltpu.SemaphoreType.DMA,
            pltpu.SemaphoreType.DMA,
            pltpu.SemaphoreType.DMA,
            pltpu.SemaphoreType.DMA,
            pltpu.SemaphoreType.DMA,
        ],
        compiler_params=pltpu.CompilerParams(use_tc_tiling_on_sc=False, needs_layout_passes=False),
    )(idx4, token_table, pos_table)


def kernel(inputs, token_table, pos_table):
    idx4 = (inputs.T.reshape(ST, 8, BT, 128).transpose(0, 2, 1, 3)
            .astype(jnp.int32))
    out5 = _run(idx4, token_table, pos_table)
    out = (out5.reshape(ST, 8, 4, BT, 8, 128)
           .transpose(3, 5, 0, 1, 2, 4)
           .reshape(BATCH, SEQ_LEN, EMBED_DIM))
    return out

# --- scband reference (transcript-rebuilt; emitter-appended) ---
"""Pipeline reference for scband-positional-embedding-49203145343204 (READ-ONLY COPY).

The authoritative reference and input builder live on the scoring server;
editing this copy changes nothing except your own understanding.
"""

import jax, jax.numpy as jnp
import numpy as np

VOCAB = 1000000
SEQ_LEN = 200
EMBED_DIM = 32
BATCH = 4096

def setup_inputs(seed: int = 0) -> dict:
    key = jax.random.key(seed)
    k1, k2, k3 = jax.random.split(key, 3)
    inputs = jax.random.randint(k1, (BATCH, SEQ_LEN), 0, VOCAB, dtype=jnp.int64 if jax.config.jax_enable_x64 else jnp.int32)
    token_table = jax.random.normal(k2, (VOCAB, EMBED_DIM), dtype=jnp.float32) * 0.02
    pos_table = jax.random.normal(k3, (SEQ_LEN, EMBED_DIM), dtype=jnp.float32) * 0.02
    return {"inputs": inputs, "token_table": token_table, "pos_table": pos_table}

def reference(inputs, token_table, pos_table):
    length = inputs.shape[-1]
    positions = jnp.arange(0, length, 1)
    embedded_tokens = jnp.take(token_table, inputs, axis=0)
    embedded_positions = jnp.take(pos_table, positions, axis=0)
    return embedded_tokens + embedded_positions

if __name__ == "__main__":
    import jax
    _d = setup_inputs()
    print(jax.jit(kernel)(*tuple(_d.values())))

</pallas_src>

<mosaic_0001>
#map = affine_map<(d0, d1) -> (0, 0, 0, 0)>
#map1 = affine_map<(d0, d1) -> (0, 0)>
module attributes {stable_mosaic.version = 14 : i64} {
  func.func @_body(%arg0: i32, %arg1: i32, %arg2: memref<25x32x8x128xi32, #tpu.memory_space<hbm>>, %arg3: memref<1000000x32xf32, #tpu.memory_space<hbm>>, %arg4: memref<200x32xf32, #tpu.memory_space<hbm>>, %arg5: memref<25x32x32x1024xf32, #tpu.memory_space<hbm>>, %arg6: memref<8x128xi32, #tpu.memory_space<vmem>>, %arg7: memref<8x128xi32, #tpu.memory_space<vmem>>, %arg8: memref<1024x32xf32, #tpu.memory_space<vmem>>, %arg9: memref<1024x32xf32, #tpu.memory_space<vmem>>, %arg10: memref<32x1024xf32, #tpu.memory_space<vmem>>, %arg11: memref<200x32xf32, #tpu.memory_space<vmem>>, %arg12: memref<!tpu.dma_semaphore, #tpu.memory_space<semaphore_mem>>, %arg13: memref<!tpu.dma_semaphore, #tpu.memory_space<semaphore_mem>>, %arg14: memref<!tpu.dma_semaphore, #tpu.memory_space<semaphore_mem>>, %arg15: memref<!tpu.dma_semaphore, #tpu.memory_space<semaphore_mem>>, %arg16: memref<!tpu.dma_semaphore, #tpu.memory_space<semaphore_mem>>) attributes {dimension_semantics = [#tpu.dimension_semantics<core_parallel>, #tpu.dimension_semantics<subcore_parallel>], iteration_bounds = array<i64: 2, 16>, scalar_prefetch = 0 : i64, scratch_operands = 11 : i64, tpu.core_type = #tpu.core_type<sc_vector_subcore>, window_params = [{transform_indices = #map}, {transform_indices = #map1}, {transform_indices = #map1}, {transform_indices = #map}]} {
    %mul3A = arith.constant 2 : i32
    %mul3A_0 = arith.muli %arg1, %mul3A : i32
    %add3A = arith.addi %mul3A_0, %arg0 : i32
    "tpu.region"() ({
      %run_scoped3A = tpu.sem_alloc : memref<!tpu.dma_semaphore, #tpu.memory_space<semaphore_mem>>
      tpu.enqueue_dma source(%arg4 : memref<200x32xf32, #tpu.memory_space<hbm>>) target(%arg11 : memref<200x32xf32, #tpu.memory_space<vmem>>) target_semaphore(%run_scoped3A : memref<!tpu.dma_semaphore, #tpu.memory_space<semaphore_mem>>)
      tpu.wait_dma2 semaphore(%run_scoped3A : memref<!tpu.dma_semaphore, #tpu.memory_space<semaphore_mem>>) src(%arg4 : memref<200x32xf32, #tpu.memory_space<hbm>>) dst(%arg11 : memref<200x32xf32, #tpu.memory_space<vmem>>)
      tpu.yield
    }) : () -> ()
    %iota3A = tpu.iota {dimensions = array<i32: 0>} : vector<16xi32>
    %jit3A = arith.constant 8 : i32
    %div3A = vector.broadcast %jit3A : i32 to vector<16xi32>
    %div3A_1 = arith.divsi %iota3A, %div3A : vector<16xi32>
    %sign3A = arith.constant 0 : i32
    %sign3A_2 = vector.broadcast %sign3A : i32 to vector<16xi32>
    %sign3A_3 = arith.cmpi sgt, %iota3A, %sign3A_2 : vector<16xi32>
    %sign3A_4 = arith.extui %sign3A_3 : vector<16xi1> to vector<16xi32>
    %sign3A_5 = arith.constant 0 : i32
    %sign3A_6 = vector.broadcast %sign3A_5 : i32 to vector<16xi32>
    %sign3A_7 = arith.cmpi slt, %iota3A, %sign3A_6 : vector<16xi32>
    %sign3A_8 = arith.extui %sign3A_7 : vector<16xi1> to vector<16xi32>
    %sign3A_9 = arith.subi %sign3A_4, %sign3A_8 : vector<16xi32>
    %sign3A_10 = arith.constant 0 : i32
    %sign3A_11 = arith.cmpi sgt, %jit3A, %sign3A_10 : i32
    %sign3A_12 = arith.extui %sign3A_11 : i1 to i32
    %sign3A_13 = arith.constant 0 : i32
    %sign3A_14 = arith.cmpi slt, %jit3A, %sign3A_13 : i32
    %sign3A_15 = arith.extui %sign3A_14 : i1 to i32
    %sign3A_16 = arith.subi %sign3A_12, %sign3A_15 : i32
    %ne3A = vector.broadcast %sign3A_16 : i32 to vector<16xi32>
    %ne3A_17 = arith.cmpi ne, %sign3A_9, %ne3A : vector<16xi32>
    %rem3A = vector.broadcast %jit3A : i32 to vector<16xi32>
    %rem3A_18 = arith.remsi %iota3A, %rem3A : vector<16xi32>
    %ne3A_19 = arith.constant 0 : i32
    %ne3A_20 = vector.broadcast %ne3A_19 : i32 to vector<16xi32>
    %ne3A_21 = arith.cmpi ne, %rem3A_18, %ne3A_20 : vector<16xi32>
    %and3A = arith.andi %ne3A_17, %ne3A_21 : vector<16xi1>
    %sub3A = arith.constant 1 : i32
    %sub3A_22 = vector.broadcast %sub3A : i32 to vector<16xi32>
    %sub3A_23 = arith.subi %div3A_1, %sub3A_22 : vector<16xi32>
    %select_n3A = arith.select %and3A, %sub3A_23, %div3A_1 : vector<16xi1>, vector<16xi32>
    %add3A_24 = arith.constant 2 : i32
    %add3A_25 = vector.broadcast %add3A_24 : i32 to vector<16xi32>
    %add3A_26 = arith.addi %select_n3A, %add3A_25 : vector<16xi32>
    %jit3A_27 = arith.constant 8 : i32
    %eq3A = arith.constant 0 : i32
    %eq3A_28 = arith.cmpi eq, %jit3A_27, %eq3A : i32
    %jit3A_29 = arith.constant 1 : i32
    %select_n3A_30 = arith.select %eq3A_28, %jit3A_29, %jit3A_27 : i32
    %rem3A_31 = vector.broadcast %select_n3A_30 : i32 to vector<16xi32>
    %rem3A_32 = arith.remsi %iota3A, %rem3A_31 : vector<16xi32>
    %ne3A_33 = arith.constant 0 : i32
    %ne3A_34 = vector.broadcast %ne3A_33 : i32 to vector<16xi32>
    %ne3A_35 = arith.cmpi ne, %rem3A_32, %ne3A_34 : vector<16xi32>
    %lt3A = arith.constant 0 : i32
    %lt3A_36 = vector.broadcast %lt3A : i32 to vector<16xi32>
    %lt3A_37 = arith.cmpi slt, %rem3A_32, %lt3A_36 : vector<16xi32>
    %lt3A_38 = arith.constant 0 : i32
    %lt3A_39 = arith.cmpi slt, %select_n3A_30, %lt3A_38 : i32
    %ne3A_40 = vector.broadcast %lt3A_39 : i1 to vector<16xi1>
    %ne3A_41 = vector.broadcast %ne3A_40 : vector<16xi1> to vector<16xi1>
    %ne3A_42 = arith.xori %lt3A_37, %ne3A_41 : vector<16xi1>
    %and3A_43 = arith.andi %ne3A_42, %ne3A_35 : vector<16xi1>
    %add3A_44 = vector.broadcast %select_n3A_30 : i32 to vector<16xi32>
    %add3A_45 = arith.addi %rem3A_32, %add3A_44 : vector<16xi32>
    %select_n3A_46 = arith.select %and3A_43, %add3A_45, %rem3A_32 : vector<16xi1>, vector<16xi32>
    %mul3A_47 = arith.constant 128 : i32
    %mul3A_48 = vector.broadcast %mul3A_47 : i32 to vector<16xi32>
    %mul3A_49 = arith.muli %select_n3A_46, %mul3A_48 : vector<16xi32>
    %min3A = arith.constant 0 : i32
    %min3A_50 = arith.constant 24 : i32
    %min3A_51 = arith.minsi %min3A, %min3A_50 : i32
    %dma_start3A = arith.constant 0 : i32
    %dma_start3A_52 = arith.constant 0 : i32
    %dma_start3A_53 = tpu.memref_slice %arg2[%min3A_51, %add3A, %dma_start3A, %dma_start3A_52] : memref<25x32x8x128xi32, #tpu.memory_space<hbm>> -> memref<1x1x8x128xi32, #tpu.memory_space<hbm>>
    %dma_start3A_54 = tpu.memref_squeeze %dma_start3A_53 : memref<1x1x8x128xi32, #tpu.memory_space<hbm>> -> memref<8x128xi32, #tpu.memory_space<hbm>>
    %dma_start3A_55 = arith.constant 0 : i32
    %dma_start3A_56 = arith.constant 0 : i32
    %dma_start3A_57 = tpu.memref_slice %arg2[%min3A_51, %add3A, %dma_start3A_55, %dma_start3A_56] : memref<25x32x8x128xi32, #tpu.memory_space<hbm>> -> memref<1x1x8x128xi32, #tpu.memory_space<hbm>>
    %dma_start3A_58 = tpu.memref_squeeze %dma_start3A_57 : memref<1x1x8x128xi32, #tpu.memory_space<hbm>> -> memref<8x128xi32, #tpu.memory_space<hbm>>
    tpu.enqueue_dma source(%dma_start3A_58 : memref<8x128xi32, #tpu.memory_space<hbm>>) target(%arg6 : memref<8x128xi32, #tpu.memory_space<vmem>>) target_semaphore(%arg12 : memref<!tpu.dma_semaphore, #tpu.memory_space<semaphore_mem>>)
    %dma_wait3A = arith.constant 0 : i32
    %dma_wait3A_59 = arith.constant 0 : i32
    %dma_wait3A_60 = arith.constant 0 : i32
    %dma_wait3A_61 = arith.constant 0 : i32
    %dma_wait3A_62 = tpu.memref_slice %arg2[%dma_wait3A, %dma_wait3A_59, %dma_wait3A_60, %dma_wait3A_61] : memref<25x32x8x128xi32, #tpu.memory_space<hbm>> -> memref<1x1x8x128xi32, #tpu.memory_space<hbm>>
    %dma_wait3A_63 = tpu.memref_squeeze %dma_wait3A_62 : memref<1x1x8x128xi32, #tpu.memory_space<hbm>> -> memref<8x128xi32, #tpu.memory_space<hbm>>
    %dma_wait3A_64 = arith.constant 0 : i32
    %dma_wait3A_65 = arith.constant 0 : i32
    %dma_wait3A_66 = tpu.memref_slice %arg2[%dma_wait3A, %dma_wait3A_59, %dma_wait3A_64, %dma_wait3A_65] : memref<25x32x8x128xi32, #tpu.memory_space<hbm>> -> memref<1x1x8x128xi32, #tpu.memory_space<hbm>>
    %dma_wait3A_67 = tpu.memref_squeeze %dma_wait3A_66 : memref<1x1x8x128xi32, #tpu.memory_space<hbm>> -> memref<8x128xi32, #tpu.memory_space<hbm>>
    tpu.wait_dma2 semaphore(%arg12 : memref<!tpu.dma_semaphore, #tpu.memory_space<semaphore_mem>>) src(%dma_wait3A_67 : memref<8x128xi32, #tpu.memory_space<hbm>>) dst(%arg6 : memref<8x128xi32, #tpu.memory_space<vmem>>)
    %dma_start3A_68 = arith.constant 0 : i32
    %dma_start3A_69 = arith.constant 0 : i32
    %dma_start3A_70 = arith.constant 0 : i32
    %dma_start3A_71 = tpu.memref_slice %arg8[%dma_start3A_69, %dma_start3A_70] : memref<1024x32xf32, #tpu.memory_space<vmem>> -> memref<128x32xf32, #tpu.memory_space<vmem>>
    %dma_start3A_72 = arith.constant 0 : i32
    %dma_start3A_73 = tpu.memref_slice %arg6[%dma_start3A_68, %dma_start3A_72] : memref<8x128xi32, #tpu.memory_space<vmem>> -> memref<1x128xi32, #tpu.memory_space<vmem>>
    %dma_start3A_74 = tpu.memref_squeeze %dma_start3A_73 : memref<1x128xi32, #tpu.memory_space<vmem>> -> memref<128xi32, #tpu.memory_space<vmem>>
    %dma_start3A_75 = arith.constant 0 : i32
    %dma_start3A_76 = arith.constant 0 : i32
    %dma_start3A_77 = tpu.memref_slice %arg3[%dma_start3A_75, %dma_start3A_76] : memref<1000000x32xf32, #tpu.memory_space<hbm>> -> memref<1000000x32xf32, #tpu.memory_space<hbm>>
    tpu.enqueue_indirect_dma source(%dma_start3A_77 : memref<1000000x32xf32, #tpu.memory_space<hbm>>) target(%dma_start3A_71 : memref<128x32xf32, #tpu.memory_space<vmem>>) offsets(%dma_start3A_74 : memref<128xi32, #tpu.memory_space<vmem>>) semaphore(%arg14 : memref<!tpu.dma_semaphore, #tpu.memory_space<semaphore_mem>>)
    %dma_start3A_78 = arith.constant 1 : i32
    %dma_start3A_79 = arith.constant 128 : i32
    %dma_start3A_80 = arith.constant 0 : i32
    %dma_start3A_81 = tpu.memref_slice %arg8[%dma_start3A_79, %dma_start3A_80] : memref<1024x32xf32, #tpu.memory_space<vmem>> -> memref<128x32xf32, #tpu.memory_space<vmem>>
    %dma_start3A_82 = arith.constant 0 : i32
    %dma_start3A_83 = tpu.memref_slice %arg6[%dma_start3A_78, %dma_start3A_82] : memref<8x128xi32, #tpu.memory_space<vmem>> -> memref<1x128xi32, #tpu.memory_space<vmem>>
    %dma_start3A_84 = tpu.memref_squeeze %dma_start3A_83 : memref<1x128xi32, #tpu.memory_space<vmem>> -> memref<128xi32, #tpu.memory_space<vmem>>
    %dma_start3A_85 = arith.constant 0 : i32
    %dma_start3A_86 = arith.constant 0 : i32
    %dma_start3A_87 = tpu.memref_slice %arg3[%dma_start3A_85, %dma_start3A_86] : memref<1000000x32xf32, #tpu.memory_space<hbm>> -> memref<1000000x32xf32, #tpu.memory_space<hbm>>
    tpu.enqueue_indirect_dma source(%dma_start3A_87 : memref<1000000x32xf32, #tpu.memory_space<hbm>>) target(%dma_start3A_81 : memref<128x32xf32, #tpu.memory_space<vmem>>) offsets(%dma_start3A_84 : memref<128xi32, #tpu.memory_space<vmem>>) semaphore(%arg14 : memref<!tpu.dma_semaphore, #tpu.memory_space<semaphore_mem>>)
    %dma_start3A_88 = arith.constant 2 : i32
    %dma_start3A_89 = arith.constant 256 : i32
    %dma_start3A_90 = arith.constant 0 : i32
    %dma_start3A_91 = tpu.memref_slice %arg8[%dma_start3A_89, %dma_start3A_90] : memref<1024x32xf32, #tpu.memory_space<vmem>> -> memref<128x32xf32, #tpu.memory_space<vmem>>
    %dma_start3A_92 = arith.constant 0 : i32
    %dma_start3A_93 = tpu.memref_slice %arg6[%dma_start3A_88, %dma_start3A_92] : memref<8x128xi32, #tpu.memory_space<vmem>> -> memref<1x128xi32, #tpu.memory_space<vmem>>
    %dma_start3A_94 = tpu.memref_squeeze %dma_start3A_93 : memref<1x128xi32, #tpu.memory_space<vmem>> -> memref<128xi32, #tpu.memory_space<vmem>>
    %dma_start3A_95 = arith.constant 0 : i32
    %dma_start3A_96 = arith.constant 0 : i32
    %dma_start3A_97 = tpu.memref_slice %arg3[%dma_start3A_95, %dma_start3A_96] : memref<1000000x32xf32, #tpu.memory_space<hbm>> -> memref<1000000x32xf32, #tpu.memory_space<hbm>>
    tpu.enqueue_indirect_dma source(%dma_start3A_97 : memref<1000000x32xf32, #tpu.memory_space<hbm>>) target(%dma_start3A_91 : memref<128x32xf32, #tpu.memory_space<vmem>>) offsets(%dma_start3A_94 : memref<128xi32, #tpu.memory_space<vmem>>) semaphore(%arg14 : memref<!tpu.dma_semaphore, #tpu.memory_space<semaphore_mem>>)
    %dma_start3A_98 = arith.constant 3 : i32
    %dma_start3A_99 = arith.constant 384 : i32
    %dma_start3A_100 = arith.constant 0 : i32
    %dma_start3A_101 = tpu.memref_slice %arg8[%dma_start3A_99, %dma_start3A_100] : memref<1024x32xf32, #tpu.memory_space<vmem>> -> memref<128x32xf32, #tpu.memory_space<vmem>>
    %dma_start3A_102 = arith.constant 0 : i32
    %dma_start3A_103 = tpu.memref_slice %arg6[%dma_start3A_98, %dma_start3A_102] : memref<8x128xi32, #tpu.memory_space<vmem>> -> memref<1x128xi32, #tpu.memory_space<vmem>>
    %dma_start3A_104 = tpu.memref_squeeze %dma_start3A_103 : memref<1x128xi32, #tpu.memory_space<vmem>> -> memref<128xi32, #tpu.memory_space<vmem>>
    %dma_start3A_105 = arith.constant 0 : i32
    %dma_start3A_106 = arith.constant 0 : i32
    %dma_start3A_107 = tpu.memref_slice %arg3[%dma_start3A_105, %dma_start3A_106] : memref<1000000x32xf32, #tpu.memory_space<hbm>> -> memref<1000000x32xf32, #tpu.memory_space<hbm>>
    tpu.enqueue_indirect_dma source(%dma_start3A_107 : memref<1000000x32xf32, #tpu.memory_space<hbm>>) target(%dma_start3A_101 : memref<128x32xf32, #tpu.memory_space<vmem>>) offsets(%dma_start3A_104 : memref<128xi32, #tpu.memory_space<vmem>>) semaphore(%arg14 : memref<!tpu.dma_semaphore, #tpu.memory_space<semaphore_mem>>)
    %dma_start3A_108 = arith.constant 4 : i32
    %dma_start3A_109 = arith.constant 512 : i32
    %dma_start3A_110 = arith.constant 0 : i32
    %dma_start3A_111 = tpu.memref_slice %arg8[%dma_start3A_109, %dma_start3A_110] : memref<1024x32xf32, #tpu.memory_space<vmem>> -> memref<128x32xf32, #tpu.memory_space<vmem>>
    %dma_start3A_112 = arith.constant 0 : i32
    %dma_start3A_113 = tpu.memref_slice %arg6[%dma_start3A_108, %dma_start3A_112] : memref<8x128xi32, #tpu.memory_space<vmem>> -> memref<1x128xi32, #tpu.memory_space<vmem>>
    %dma_start3A_114 = tpu.memref_squeeze %dma_start3A_113 : memref<1x128xi32, #tpu.memory_space<vmem>> -> memref<128xi32, #tpu.memory_space<vmem>>
    %dma_start3A_115 = arith.constant 0 : i32
    %dma_start3A_116 = arith.constant 0 : i32
    %dma_start3A_117 = tpu.memref_slice %arg3[%dma_start3A_115, %dma_start3A_116] : memref<1000000x32xf32, #tpu.memory_space<hbm>> -> memref<1000000x32xf32, #tpu.memory_space<hbm>>
    tpu.enqueue_indirect_dma source(%dma_start3A_117 : memref<1000000x32xf32, #tpu.memory_space<hbm>>) target(%dma_start3A_111 : memref<128x32xf32, #tpu.memory_space<vmem>>) offsets(%dma_start3A_114 : memref<128xi32, #tpu.memory_space<vmem>>) semaphore(%arg14 : memref<!tpu.dma_semaphore, #tpu.memory_space<semaphore_mem>>)
    %dma_start3A_118 = arith.constant 5 : i32
    %dma_start3A_119 = arith.constant 640 : i32
    %dma_start3A_120 = arith.constant 0 : i32
    %dma_start3A_121 = tpu.memref_slice %arg8[%dma_start3A_119, %dma_start3A_120] : memref<1024x32xf32, #tpu.memory_space<vmem>> -> memref<128x32xf32, #tpu.memory_space<vmem>>
    %dma_start3A_122 = arith.constant 0 : i32
    %dma_start3A_123 = tpu.memref_slice %arg6[%dma_start3A_118, %dma_start3A_122] : memref<8x128xi32, #tpu.memory_space<vmem>> -> memref<1x128xi32, #tpu.memory_space<vmem>>
    %dma_start3A_124 = tpu.memref_squeeze %dma_start3A_123 : memref<1x128xi32, #tpu.memory_space<vmem>> -> memref<128xi32, #tpu.memory_space<vmem>>
    %dma_start3A_125 = arith.constant 0 : i32
    %dma_start3A_126 = arith.constant 0 : i32
    %dma_start3A_127 = tpu.memref_slice %arg3[%dma_start3A_125, %dma_start3A_126] : memref<1000000x32xf32, #tpu.memory_space<hbm>> -> memref<1000000x32xf32, #tpu.memory_space<hbm>>
    tpu.enqueue_indirect_dma source(%dma_start3A_127 : memref<1000000x32xf32, #tpu.memory_space<hbm>>) target(%dma_start3A_121 : memref<128x32xf32, #tpu.memory_space<vmem>>) offsets(%dma_start3A_124 : memref<128xi32, #tpu.memory_space<vmem>>) semaphore(%arg14 : memref<!tpu.dma_semaphore, #tpu.memory_space<semaphore_mem>>)
    %dma_start3A_128 = arith.constant 6 : i32
    %dma_start3A_129 = arith.constant 768 : i32
    %dma_start3A_130 = arith.constant 0 : i32
    %dma_start3A_131 = tpu.memref_slice %arg8[%dma_start3A_129, %dma_start3A_130] : memref<1024x32xf32, #tpu.memory_space<vmem>> -> memref<128x32xf32, #tpu.memory_space<vmem>>
    %dma_start3A_132 = arith.constant 0 : i32
    %dma_start3A_133 = tpu.memref_slice %arg6[%dma_start3A_128, %dma_start3A_132] : memref<8x128xi32, #tpu.memory_space<vmem>> -> memref<1x128xi32, #tpu.memory_space<vmem>>
    %dma_start3A_134 = tpu.memref_squeeze %dma_start3A_133 : memref<1x128xi32, #tpu.memory_space<vmem>> -> memref<128xi32, #tpu.memory_space<vmem>>
    %dma_start3A_135 = arith.constant 0 : i32
    %dma_start3A_136 = arith.constant 0 : i32
    %dma_start3A_137 = tpu.memref_slice %arg3[%dma_start3A_135, %dma_start3A_136] : memref<1000000x32xf32, #tpu.memory_space<hbm>> -> memref<1000000x32xf32, #tpu.memory_space<hbm>>
    tpu.enqueue_indirect_dma source(%dma_start3A_137 : memref<1000000x32xf32, #tpu.memory_space<hbm>>) target(%dma_start3A_131 : memref<128x32xf32, #tpu.memory_space<vmem>>) offsets(%dma_start3A_134 : memref<128xi32, #tpu.memory_space<vmem>>) semaphore(%arg14 : memref<!tpu.dma_semaphore, #tpu.memory_space<semaphore_mem>>)
    %dma_start3A_138 = arith.constant 7 : i32
    %dma_start3A_139 = arith.constant 896 : i32
    %dma_start3A_140 = arith.constant 0 : i32
    %dma_start3A_141 = tpu.memref_slice %arg8[%dma_start3A_139, %dma_start3A_140] : memref<1024x32xf32, #tpu.memory_space<vmem>> -> memref<128x32xf32, #tpu.memory_space<vmem>>
    %dma_start3A_142 = arith.constant 0 : i32
    %dma_start3A_143 = tpu.memref_slice %arg6[%dma_start3A_138, %dma_start3A_142] : memref<8x128xi32, #tpu.memory_space<vmem>> -> memref<1x128xi32, #tpu.memory_space<vmem>>
    %dma_start3A_144 = tpu.memref_squeeze %dma_start3A_143 : memref<1x128xi32, #tpu.memory_space<vmem>> -> memref<128xi32, #tpu.memory_space<vmem>>
    %dma_start3A_145 = arith.constant 0 : i32
    %dma_start3A_146 = arith.constant 0 : i32
    %dma_start3A_147 = tpu.memref_slice %arg3[%dma_start3A_145, %dma_start3A_146] : memref<1000000x32xf32, #tpu.memory_space<hbm>> -> memref<1000000x32xf32, #tpu.memory_space<hbm>>
    tpu.enqueue_indirect_dma source(%dma_start3A_147 : memref<1000000x32xf32, #tpu.memory_space<hbm>>) target(%dma_start3A_141 : memref<128x32xf32, #tpu.memory_space<vmem>>) offsets(%dma_start3A_144 : memref<128xi32, #tpu.memory_space<vmem>>) semaphore(%arg14 : memref<!tpu.dma_semaphore, #tpu.memory_space<semaphore_mem>>)
    %min3A_148 = arith.constant 1 : i32
    %min3A_149 = arith.constant 24 : i32
    %min3A_150 = arith.minsi %min3A_148, %min3A_149 : i32
    %dma_start3A_151 = arith.constant 0 : i32
    %dma_start3A_152 = arith.constant 0 : i32
    %dma_start3A_153 = tpu.memref_slice %arg2[%min3A_150, %add3A, %dma_start3A_151, %dma_start3A_152] : memref<25x32x8x128xi32, #tpu.memory_space<hbm>> -> memref<1x1x8x128xi32, #tpu.memory_space<hbm>>
    %dma_start3A_154 = tpu.memref_squeeze %dma_start3A_153 : memref<1x1x8x128xi32, #tpu.memory_space<hbm>> -> memref<8x128xi32, #tpu.memory_space<hbm>>
    %dma_start3A_155 = arith.constant 0 : i32
    %dma_start3A_156 = arith.constant 0 : i32
    %dma_start3A_157 = tpu.memref_slice %arg2[%min3A_150, %add3A, %dma_start3A_155, %dma_start3A_156] : memref<25x32x8x128xi32, #tpu.memory_space<hbm>> -> memref<1x1x8x128xi32, #tpu.memory_space<hbm>>
    %dma_start3A_158 = tpu.memref_squeeze %dma_start3A_157 : memref<1x1x8x128xi32, #tpu.memory_space<hbm>> -> memref<8x128xi32, #tpu.memory_space<hbm>>
    tpu.enqueue_dma source(%dma_start3A_158 : memref<8x128xi32, #tpu.memory_space<hbm>>) target(%arg7 : memref<8x128xi32, #tpu.memory_space<vmem>>) target_semaphore(%arg13 : memref<!tpu.dma_semaphore, #tpu.memory_space<semaphore_mem>>)
    %dma_wait3A_159 = arith.constant 0 : i32
    %dma_wait3A_160 = arith.constant 0 : i32
    %dma_wait3A_161 = arith.constant 0 : i32
    %dma_wait3A_162 = arith.constant 0 : i32
    %dma_wait3A_163 = tpu.memref_slice %arg2[%dma_wait3A_159, %dma_wait3A_160, %dma_wait3A_161, %dma_wait3A_162] : memref<25x32x8x128xi32, #tpu.memory_space<hbm>> -> memref<1x1x8x128xi32, #tpu.memory_space<hbm>>
    %dma_wait3A_164 = tpu.memref_squeeze %dma_wait3A_163 : memref<1x1x8x128xi32, #tpu.memory_space<hbm>> -> memref<8x128xi32, #tpu.memory_space<hbm>>
    %dma_wait3A_165 = arith.constant 0 : i32
    %dma_wait3A_166 = arith.constant 0 : i32
    %dma_wait3A_167 = tpu.memref_slice %arg2[%dma_wait3A_159, %dma_wait3A_160, %dma_wait3A_165, %dma_wait3A_166] : memref<25x32x8x128xi32, #tpu.memory_space<hbm>> -> memref<1x1x8x128xi32, #tpu.memory_space<hbm>>
    %dma_wait3A_168 = tpu.memref_squeeze %dma_wait3A_167 : memref<1x1x8x128xi32, #tpu.memory_space<hbm>> -> memref<8x128xi32, #tpu.memory_space<hbm>>
    tpu.wait_dma2 semaphore(%arg13 : memref<!tpu.dma_semaphore, #tpu.memory_space<semaphore_mem>>) src(%dma_wait3A_168 : memref<8x128xi32, #tpu.memory_space<hbm>>) dst(%arg7 : memref<8x128xi32, #tpu.memory_space<vmem>>)
    %dma_start3A_169 = arith.constant 0 : i32
    %dma_start3A_170 = arith.constant 0 : i32
    %dma_start3A_171 = arith.constant 0 : i32
    %dma_start3A_172 = tpu.memref_slice %arg9[%dma_start3A_170, %dma_start3A_171] : memref<1024x32xf32, #tpu.memory_space<vmem>> -> memref<128x32xf32, #tpu.memory_space<vmem>>
    %dma_start3A_173 = arith.constant 0 : i32
    %dma_start3A_174 = tpu.memref_slice %arg7[%dma_start3A_169, %dma_start3A_173] : memref<8x128xi32, #tpu.memory_space<vmem>> -> memref<1x128xi32, #tpu.memory_space<vmem>>
    %dma_start3A_175 = tpu.memref_squeeze %dma_start3A_174 : memref<1x128xi32, #tpu.memory_space<vmem>> -> memref<128xi32, #tpu.memory_space<vmem>>
    %dma_start3A_176 = arith.constant 0 : i32
    %dma_start3A_177 = arith.constant 0 : i32
    %dma_start3A_178 = tpu.memref_slice %arg3[%dma_start3A_176, %dma_start3A_177] : memref<1000000x32xf32, #tpu.memory_space<hbm>> -> memref<1000000x32xf32, #tpu.memory_space<hbm>>
    tpu.enqueue_indirect_dma source(%dma_start3A_178 : memref<1000000x32xf32, #tpu.memory_space<hbm>>) target(%dma_start3A_172 : memref<128x32xf32, #tpu.memory_space<vmem>>) offsets(%dma_start3A_175 : memref<128xi32, #tpu.memory_space<vmem>>) semaphore(%arg15 : memref<!tpu.dma_semaphore, #tpu.memory_space<semaphore_mem>>)
    %dma_start3A_179 = arith.constant 1 : i32
    %dma_start3A_180 = arith.constant 128 : i32
    %dma_start3A_181 = arith.constant 0 : i32
    %dma_start3A_182 = tpu.memref_slice %arg9[%dma_start3A_180, %dma_start3A_181] : memref<1024x32xf32, #tpu.memory_space<vmem>> -> memref<128x32xf32, #tpu.memory_space<vmem>>
    %dma_start3A_183 = arith.constant 0 : i32
    %dma_start3A_184 = tpu.memref_slice %arg7[%dma_start3A_179, %dma_start3A_183] : memref<8x128xi32, #tpu.memory_space<vmem>> -> memref<1x128xi32, #tpu.memory_space<vmem>>
    %dma_start3A_185 = tpu.memref_squeeze %dma_start3A_184 : memref<1x128xi32, #tpu.memory_space<vmem>> -> memref<128xi32, #tpu.memory_space<vmem>>
    %dma_start3A_186 = arith.constant 0 : i32
    %dma_start3A_187 = arith.constant 0 : i32
    %dma_start3A_188 = tpu.memref_slice %arg3[%dma_start3A_186, %dma_start3A_187] : memref<1000000x32xf32, #tpu.memory_space<hbm>> -> memref<1000000x32xf32, #tpu.memory_space<hbm>>
    tpu.enqueue_indirect_dma source(%dma_start3A_188 : memref<1000000x32xf32, #tpu.memory_space<hbm>>) target(%dma_start3A_182 : memref<128x32xf32, #tpu.memory_space<vmem>>) offsets(%dma_start3A_185 : memref<128xi32, #tpu.memory_space<vmem>>) semaphore(%arg15 : memref<!tpu.dma_semaphore, #tpu.memory_space<semaphore_mem>>)
    %dma_start3A_189 = arith.constant 2 : i32
    %dma_start3A_190 = arith.constant 256 : i32
    %dma_start3A_191 = arith.constant 0 : i32
    %dma_start3A_192 = tpu.memref_slice %arg9[%dma_start3A_190, %dma_start3A_191] : memref<1024x32xf32, #tpu.memory_space<vmem>> -> memref<128x32xf32, #tpu.memory_space<vmem>>
    %dma_start3A_193 = arith.constant 0 : i32
    %dma_start3A_194 = tpu.memref_slice %arg7[%dma_start3A_189, %dma_start3A_193] : memref<8x128xi32, #tpu.memory_space<vmem>> -> memref<1x128xi32, #tpu.memory_space<vmem>>
    %dma_start3A_195 = tpu.memref_squeeze %dma_start3A_194 : memref<1x128xi32, #tpu.memory_space<vmem>> -> memref<128xi32, #tpu.memory_space<vmem>>
    %dma_start3A_196 = arith.constant 0 : i32
    %dma_start3A_197 = arith.constant 0 : i32
    %dma_start3A_198 = tpu.memref_slice %arg3[%dma_start3A_196, %dma_start3A_197] : memref<1000000x32xf32, #tpu.memory_space<hbm>> -> memref<1000000x32xf32, #tpu.memory_space<hbm>>
    tpu.enqueue_indirect_dma source(%dma_start3A_198 : memref<1000000x32xf32, #tpu.memory_space<hbm>>) target(%dma_start3A_192 : memref<128x32xf32, #tpu.memory_space<vmem>>) offsets(%dma_start3A_195 : memref<128xi32, #tpu.memory_space<vmem>>) semaphore(%arg15 : memref<!tpu.dma_semaphore, #tpu.memory_space<semaphore_mem>>)
    %dma_start3A_199 = arith.constant 3 : i32
    %dma_start3A_200 = arith.constant 384 : i32
    %dma_start3A_201 = arith.constant 0 : i32
    %dma_start3A_202 = tpu.memref_slice %arg9[%dma_start3A_200, %dma_start3A_201] : memref<1024x32xf32, #tpu.memory_space<vmem>> -> memref<128x32xf32, #tpu.memory_space<vmem>>
    %dma_start3A_203 = arith.constant 0 : i32
    %dma_start3A_204 = tpu.memref_slice %arg7[%dma_start3A_199, %dma_start3A_203] : memref<8x128xi32, #tpu.memory_space<vmem>> -> memref<1x128xi32, #tpu.memory_space<vmem>>
    %dma_start3A_205 = tpu.memref_squeeze %dma_start3A_204 : memref<1x128xi32, #tpu.memory_space<vmem>> -> memref<128xi32, #tpu.memory_space<vmem>>
    %dma_start3A_206 = arith.constant 0 : i32
    %dma_start3A_207 = arith.constant 0 : i32
    %dma_start3A_208 = tpu.memref_slice %arg3[%dma_start3A_206, %dma_start3A_207] : memref<1000000x32xf32, #tpu.memory_space<hbm>> -> memref<1000000x32xf32, #tpu.memory_space<hbm>>
    tpu.enqueue_indirect_dma source(%dma_start3A_208 : memref<1000000x32xf32, #tpu.memory_space<hbm>>) target(%dma_start3A_202 : memref<128x32xf32, #tpu.memory_space<vmem>>) offsets(%dma_start3A_205 : memref<128xi32, #tpu.memory_space<vmem>>) semaphore(%arg15 : memref<!tpu.dma_semaphore, #tpu.memory_space<semaphore_mem>>)
    %dma_start3A_209 = arith.constant 4 : i32
    %dma_start3A_210 = arith.constant 512 : i32
    %dma_start3A_211 = arith.constant 0 : i32
    %dma_start3A_212 = tpu.memref_slice %arg9[%dma_start3A_210, %dma_start3A_211] : memref<1024x32xf32, #tpu.memory_space<vmem>> -> memref<128x32xf32, #tpu.memory_space<vmem>>
    %dma_start3A_213 = arith.constant 0 : i32
    %dma_start3A_214 = tpu.memref_slice %arg7[%dma_start3A_209, %dma_start3A_213] : memref<8x128xi32, #tpu.memory_space<vmem>> -> memref<1x128xi32, #tpu.memory_space<vmem>>
    %dma_start3A_215 = tpu.memref_squeeze %dma_start3A_214 : memref<1x128xi32, #tpu.memory_space<vmem>> -> memref<128xi32, #tpu.memory_space<vmem>>
    %dma_start3A_216 = arith.constant 0 : i32
    %dma_start3A_217 = arith.constant 0 : i32
    %dma_start3A_218 = tpu.memref_slice %arg3[%dma_start3A_216, %dma_start3A_217] : memref<1000000x32xf32, #tpu.memory_space<hbm>> -> memref<1000000x32xf32, #tpu.memory_space<hbm>>
    tpu.enqueue_indirect_dma source(%dma_start3A_218 : memref<1000000x32xf32, #tpu.memory_space<hbm>>) target(%dma_start3A_212 : memref<128x32xf32, #tpu.memory_space<vmem>>) offsets(%dma_start3A_215 : memref<128xi32, #tpu.memory_space<vmem>>) semaphore(%arg15 : memref<!tpu.dma_semaphore, #tpu.memory_space<semaphore_mem>>)
    %dma_start3A_219 = arith.constant 5 : i32
    %dma_start3A_220 = arith.constant 640 : i32
    %dma_start3A_221 = arith.constant 0 : i32
    %dma_start3A_222 = tpu.memref_slice %arg9[%dma_start3A_220, %dma_start3A_221] : memref<1024x32xf32, #tpu.memory_space<vmem>> -> memref<128x32xf32, #tpu.memory_space<vmem>>
    %dma_start3A_223 = arith.constant 0 : i32
    %dma_start3A_224 = tpu.memref_slice %arg7[%dma_start3A_219, %dma_start3A_223] : memref<8x128xi32, #tpu.memory_space<vmem>> -> memref<1x128xi32, #tpu.memory_space<vmem>>
    %dma_start3A_225 = tpu.memref_squeeze %dma_start3A_224 : memref<1x128xi32, #tpu.memory_space<vmem>> -> memref<128xi32, #tpu.memory_space<vmem>>
    %dma_start3A_226 = arith.constant 0 : i32
    %dma_start3A_227 = arith.constant 0 : i32
    %dma_start3A_228 = tpu.memref_slice %arg3[%dma_start3A_226, %dma_start3A_227] : memref<1000000x32xf32, #tpu.memory_space<hbm>> -> memref<1000000x32xf32, #tpu.memory_space<hbm>>
    tpu.enqueue_indirect_dma source(%dma_start3A_228 : memref<1000000x32xf32, #tpu.memory_space<hbm>>) target(%dma_start3A_222 : memref<128x32xf32, #tpu.memory_space<vmem>>) offsets(%dma_start3A_225 : memref<128xi32, #tpu.memory_space<vmem>>) semaphore(%arg15 : memref<!tpu.dma_semaphore, #tpu.memory_space<semaphore_mem>>)
    %dma_start3A_229 = arith.constant 6 : i32
    %dma_start3A_230 = arith.constant 768 : i32
    %dma_start3A_231 = arith.constant 0 : i32
    %dma_start3A_232 = tpu.memref_slice %arg9[%dma_start3A_230, %dma_start3A_231] : memref<1024x32xf32, #tpu.memory_space<vmem>> -> memref<128x32xf32, #tpu.memory_space<vmem>>
    %dma_start3A_233 = arith.constant 0 : i32
    %dma_start3A_234 = tpu.memref_slice %arg7[%dma_start3A_229, %dma_start3A_233] : memref<8x128xi32, #tpu.memory_space<vmem>> -> memref<1x128xi32, #tpu.memory_space<vmem>>
    %dma_start3A_235 = tpu.memref_squeeze %dma_start3A_234 : memref<1x128xi32, #tpu.memory_space<vmem>> -> memref<128xi32, #tpu.memory_space<vmem>>
    %dma_start3A_236 = arith.constant 0 : i32
    %dma_start3A_237 = arith.constant 0 : i32
    %dma_start3A_238 = tpu.memref_slice %arg3[%dma_start3A_236, %dma_start3A_237] : memref<1000000x32xf32, #tpu.memory_space<hbm>> -> memref<1000000x32xf32, #tpu.memory_space<hbm>>
    tpu.enqueue_indirect_dma source(%dma_start3A_238 : memref<1000000x32xf32, #tpu.memory_space<hbm>>) target(%dma_start3A_232 : memref<128x32xf32, #tpu.memory_space<vmem>>) offsets(%dma_start3A_235 : memref<128xi32, #tpu.memory_space<vmem>>) semaphore(%arg15 : memref<!tpu.dma_semaphore, #tpu.memory_space<semaphore_mem>>)
    %dma_start3A_239 = arith.constant 7 : i32
    %dma_start3A_240 = arith.constant 896 : i32
    %dma_start3A_241 = arith.constant 0 : i32
    %dma_start3A_242 = tpu.memref_slice %arg9[%dma_start3A_240, %dma_start3A_241] : memref<1024x32xf32, #tpu.memory_space<vmem>> -> memref<128x32xf32, #tpu.memory_space<vmem>>
    %dma_start3A_243 = arith.constant 0 : i32
    %dma_start3A_244 = tpu.memref_slice %arg7[%dma_start3A_239, %dma_start3A_243] : memref<8x128xi32, #tpu.memory_space<vmem>> -> memref<1x128xi32, #tpu.memory_space<vmem>>
    %dma_start3A_245 = tpu.memref_squeeze %dma_start3A_244 : memref<1x128xi32, #tpu.memory_space<vmem>> -> memref<128xi32, #tpu.memory_space<vmem>>
    %dma_start3A_246 = arith.constant 0 : i32
    %dma_start3A_247 = arith.constant 0 : i32
    %dma_start3A_248 = tpu.memref_slice %arg3[%dma_start3A_246, %dma_start3A_247] : memref<1000000x32xf32, #tpu.memory_space<hbm>> -> memref<1000000x32xf32, #tpu.memory_space<hbm>>
    tpu.enqueue_indirect_dma source(%dma_start3A_248 : memref<1000000x32xf32, #tpu.memory_space<hbm>>) target(%dma_start3A_242 : memref<128x32xf32, #tpu.memory_space<vmem>>) offsets(%dma_start3A_245 : memref<128xi32, #tpu.memory_space<vmem>>) semaphore(%arg15 : memref<!tpu.dma_semaphore, #tpu.memory_space<semaphore_mem>>)
    %dma_wait3A_249 = arith.constant 0 : i32
    %dma_wait3A_250 = arith.constant 0 : i32
    %dma_wait3A_251 = tpu.memref_slice %arg3[%dma_wait3A_249, %dma_wait3A_250] : memref<1000000x32xf32, #tpu.memory_space<hbm>> -> memref<1024x32xf32, #tpu.memory_space<hbm>>
    %dma_wait3A_252 = arith.constant 0 : i32
    %dma_wait3A_253 = arith.constant 0 : i32
    %dma_wait3A_254 = tpu.memref_slice %arg3[%dma_wait3A_252, %dma_wait3A_253] : memref<1000000x32xf32, #tpu.memory_space<hbm>> -> memref<1024x32xf32, #tpu.memory_space<hbm>>
    tpu.wait_dma2 semaphore(%arg14 : memref<!tpu.dma_semaphore, #tpu.memory_space<semaphore_mem>>) src(%dma_wait3A_254 : memref<1024x32xf32, #tpu.memory_space<hbm>>) dst(%arg8 : memref<1024x32xf32, #tpu.memory_space<vmem>>)
    %min3A_255 = arith.constant 2 : i32
    %min3A_256 = arith.constant 24 : i32
    %min3A_257 = arith.minsi %min3A_255, %min3A_256 : i32
    %dma_start3A_258 = arith.constant 0 : i32
    %dma_start3A_259 = arith.constant 0 : i32
    %dma_start3A_260 = tpu.memref_slice %arg2[%min3A_257, %add3A, %dma_start3A_258, %dma_start3A_259] : memref<25x32x8x128xi32, #tpu.memory_space<hbm>> -> memref<1x1x8x128xi32, #tpu.memory_space<hbm>>
    %dma_start3A_261 = tpu.memref_squeeze %dma_start3A_260 : memref<1x1x8x128xi32, #tpu.memory_space<hbm>> -> memref<8x128xi32, #tpu.memory_space<hbm>>
    %dma_start3A_262 = arith.constant 0 : i32
    %dma_start3A_263 = arith.constant 0 : i32
    %dma_start3A_264 = tpu.memref_slice %arg2[%min3A_257, %add3A, %dma_start3A_262, %dma_start3A_263] : memref<25x32x8x128xi32, #tpu.memory_space<hbm>> -> memref<1x1x8x128xi32, #tpu.memory_space<hbm>>
    %dma_start3A_265 = tpu.memref_squeeze %dma_start3A_264 : memref<1x1x8x128xi32, #tpu.memory_space<hbm>> -> memref<8x128xi32, #tpu.memory_space<hbm>>
    tpu.enqueue_dma source(%dma_start3A_265 : memref<8x128xi32, #tpu.memory_space<hbm>>) target(%arg6 : memref<8x128xi32, #tpu.memory_space<vmem>>) target_semaphore(%arg12 : memref<!tpu.dma_semaphore, #tpu.memory_space<semaphore_mem>>)
    %scan3A = arith.constant 0 : i32
    %scan3A_266 = arith.constant 0 : i32
    %scan3A_267 = arith.constant 8 : i32
    %scan3A_268 = arith.addi %scan3A_266, %scan3A_267 : i32
    %scan3A_269 = arith.constant 1 : i32
    scf.for %scan3A_447 = %scan3A_266 to %scan3A_268 step %scan3A_269  : i32 {
      %add3A_448 = arith.constant 0 : i32
      %add3A_449 = arith.addi %add3A_448, %scan3A_447 : i32
      %get3A = arith.index_cast %add3A_449 : i32 to index
      %get3A_450 = arith.constant 0 : index
      %get3A_451 = tpu.vector_load %arg11[%get3A, %get3A_450] {strides = array<i32>} : memref<200x32xf32, #tpu.memory_space<vmem>>, vector<16xf32>,
      %get3A_452 = arith.index_cast %add3A_449 : i32 to index
      %get3A_453 = arith.constant 16 : index
      %get3A_454 = tpu.vector_load %arg11[%get3A_452, %get3A_453] {strides = array<i32>} : memref<200x32xf32, #tpu.memory_space<vmem>>, vector<16xf32>,
      %mul3A_455 = arith.constant 4 : i32
      %mul3A_456 = arith.muli %scan3A_447, %mul3A_455 : i32
      %add3A_457 = vector.broadcast %mul3A_456 : i32 to vector<16xi32>
      %add3A_458 = arith.addi %select_n3A, %add3A_457 : vector<16xi32>
      %mul3A_459 = arith.constant 4 : i32
      %mul3A_460 = arith.muli %scan3A_447, %mul3A_459 : i32
      %add3A_461 = vector.broadcast %mul3A_460 : i32 to vector<16xi32>
      %add3A_462 = arith.addi %add3A_26, %add3A_461 : vector<16xi32>
      %mul3A_463 = arith.constant 128 : i32
      %mul3A_464 = arith.muli %scan3A_447, %mul3A_463 : i32
      %parallel_loop3A = arith.constant 0 : i32
      %parallel_loop3A_465 = arith.constant 128 : i32
      %parallel_loop3A_466 = arith.constant 1 : i32
      %parallel_loop3A_467 = scf.for %parallel_loop3A_468 = %parallel_loop3A to %parallel_loop3A_465 step %parallel_loop3A_466 iter_args(%parallel_loop3A_469 = %mul3A_49) -> (vector<16xi32>)  : i32 {
        %parallel_loop3A_470 = arith.addi %mul3A_464, %parallel_loop3A_468 : i32
        %parallel_loop3A_471 = arith.index_cast %parallel_loop3A_470 : i32 to index
        %parallel_loop3A_472 = arith.constant 0 : index
        %parallel_loop3A_473 = tpu.vector_load %arg8[%parallel_loop3A_471, %parallel_loop3A_472] {strides = array<i32>} : memref<1024x32xf32, #tpu.memory_space<vmem>>, vector<16xf32>,
        %parallel_loop3A_474 = arith.addf %parallel_loop3A_473, %get3A_451 : vector<16xf32>
        tpu.vector_store_idx %arg10[%add3A_458, %parallel_loop3A_469], %parallel_loop3A_474 : memref<32x1024xf32, #tpu.memory_space<vmem>>[vector<16xi32>, vector<16xi32>], vector<16xf32>,
        %parallel_loop3A_475 = arith.index_cast %parallel_loop3A_470 : i32 to index
        %parallel_loop3A_476 = arith.constant 16 : index
        %parallel_loop3A_477 = tpu.vector_load %arg8[%parallel_loop3A_475, %parallel_loop3A_476] {strides = array<i32>} : memref<1024x32xf32, #tpu.memory_space<vmem>>, vector<16xf32>,
        %parallel_loop3A_478 = arith.addf %parallel_loop3A_477, %get3A_454 : vector<16xf32>
        tpu.vector_store_idx %arg10[%add3A_462, %parallel_loop3A_469], %parallel_loop3A_478 : memref<32x1024xf32, #tpu.memory_space<vmem>>[vector<16xi32>, vector<16xi32>], vector<16xf32>,
        %parallel_loop3A_479 = arith.constant 1 : i32
        %parallel_loop3A_480 = vector.broadcast %parallel_loop3A_479 : i32 to vector<16xi32>
        %parallel_loop3A_481 = arith.addi %parallel_loop3A_469, %parallel_loop3A_480 : vector<16xi32>
        scf.yield %parallel_loop3A_481 : vector<16xi32>
      } {sc.loop_unroll_factor = 16 : i64, sc.parallel_access}
    }
    %scan3A_270 = arith.constant 8 : i32
    %dma_start3A_271 = arith.constant 0 : i32
    %dma_start3A_272 = arith.constant 0 : i32
    %dma_start3A_273 = arith.constant 0 : i32
    %dma_start3A_274 = tpu.memref_slice %arg5[%dma_start3A_271, %dma_start3A_272, %add3A, %dma_start3A_273] : memref<25x32x32x1024xf32, #tpu.memory_space<hbm>> -> memref<1x32x1x1024xf32, #tpu.memory_space<hbm>>
    %dma_start3A_275 = tpu.memref_squeeze %dma_start3A_274 : memref<1x32x1x1024xf32, #tpu.memory_space<hbm>> -> memref<32x1024xf32, #tpu.memory_space<hbm>>
    %dma_start3A_276 = arith.constant 0 : i32
    %dma_start3A_277 = arith.constant 0 : i32
    %dma_start3A_278 = tpu.memref_slice %arg5[%dma_start3A_271, %dma_start3A_276, %add3A, %dma_start3A_277] : memref<25x32x32x1024xf32, #tpu.memory_space<hbm>> -> memref<1x32x1x1024xf32, #tpu.memory_space<hbm>>
    %dma_start3A_279 = tpu.memref_squeeze %dma_start3A_278 : memref<1x32x1x1024xf32, #tpu.memory_space<hbm>> -> memref<32x1024xf32, #tpu.memory_space<hbm>>
    tpu.enqueue_dma source(%arg10 : memref<32x1024xf32, #tpu.memory_space<vmem>>) target(%dma_start3A_279 : memref<32x1024xf32, #tpu.memory_space<hbm>>) target_semaphore(%arg16 : memref<!tpu.dma_semaphore, #tpu.memory_space<semaphore_mem>>)
    %scan3A_280 = arith.constant 0 : i32
    %scan3A_281 = arith.constant 11 : i32
    %scan3A_282 = arith.addi %scan3A_280, %scan3A_281 : i32
    %scan3A_283 = arith.constant 1 : i32
    scf.for %scan3A_447 = %scan3A_280 to %scan3A_282 step %scan3A_283  : i32 {
      %mul3A_448 = arith.constant 2 : i32
      %mul3A_449 = arith.muli %scan3A_447, %mul3A_448 : i32
      %add3A_450 = arith.constant 1 : i32
      %add3A_451 = arith.addi %add3A_450, %mul3A_449 : i32
      %add3A_452 = arith.constant 0 : i32
      %add3A_453 = arith.addi %add3A_451, %add3A_452 : i32
      %dma_wait3A_454 = arith.constant 0 : i32
      %dma_wait3A_455 = arith.constant 0 : i32
      %dma_wait3A_456 = arith.constant 0 : i32
      %dma_wait3A_457 = arith.constant 0 : i32
      %dma_wait3A_458 = tpu.memref_slice %arg2[%dma_wait3A_454, %dma_wait3A_455, %dma_wait3A_456, %dma_wait3A_457] : memref<25x32x8x128xi32, #tpu.memory_space<hbm>> -> memref<1x1x8x128xi32, #tpu.memory_space<hbm>>
      %dma_wait3A_459 = tpu.memref_squeeze %dma_wait3A_458 : memref<1x1x8x128xi32, #tpu.memory_space<hbm>> -> memref<8x128xi32, #tpu.memory_space<hbm>>
      %dma_wait3A_460 = arith.constant 0 : i32
      %dma_wait3A_461 = arith.constant 0 : i32
      %dma_wait3A_462 = tpu.memref_slice %arg2[%dma_wait3A_454, %dma_wait3A_455, %dma_wait3A_460, %dma_wait3A_461] : memref<25x32x8x128xi32, #tpu.memory_space<hbm>> -> memref<1x1x8x128xi32, #tpu.memory_space<hbm>>
      %dma_wait3A_463 = tpu.memref_squeeze %dma_wait3A_462 : memref<1x1x8x128xi32, #tpu.memory_space<hbm>> -> memref<8x128xi32, #tpu.memory_space<hbm>>
      tpu.wait_dma2 semaphore(%arg12 : memref<!tpu.dma_semaphore, #tpu.memory_space<semaphore_mem>>) src(%dma_wait3A_463 : memref<8x128xi32, #tpu.memory_space<hbm>>) dst(%arg6 : memref<8x128xi32, #tpu.memory_space<vmem>>)
      %dma_start3A_464 = arith.constant 0 : i32
      %dma_start3A_465 = arith.constant 0 : i32
      %dma_start3A_466 = arith.constant 0 : i32
      %dma_start3A_467 = tpu.memref_slice %arg8[%dma_start3A_465, %dma_start3A_466] : memref<1024x32xf32, #tpu.memory_space<vmem>> -> memref<128x32xf32, #tpu.memory_space<vmem>>
      %dma_start3A_468 = arith.constant 0 : i32
      %dma_start3A_469 = tpu.memref_slice %arg6[%dma_start3A_464, %dma_start3A_468] : memref<8x128xi32, #tpu.memory_space<vmem>> -> memref<1x128xi32, #tpu.memory_space<vmem>>
      %dma_start3A_470 = tpu.memref_squeeze %dma_start3A_469 : memref<1x128xi32, #tpu.memory_space<vmem>> -> memref<128xi32, #tpu.memory_space<vmem>>
      %dma_start3A_471 = arith.constant 0 : i32
      %dma_start3A_472 = arith.constant 0 : i32
      %dma_start3A_473 = tpu.memref_slice %arg3[%dma_start3A_471, %dma_start3A_472] : memref<1000000x32xf32, #tpu.memory_space<hbm>> -> memref<1000000x32xf32, #tpu.memory_space<hbm>>
      tpu.enqueue_indirect_dma source(%dma_start3A_473 : memref<1000000x32xf32, #tpu.memory_space<hbm>>) target(%dma_start3A_467 : memref<128x32xf32, #tpu.memory_space<vmem>>) offsets(%dma_start3A_470 : memref<128xi32, #tpu.memory_space<vmem>>) semaphore(%arg14 : memref<!tpu.dma_semaphore, #tpu.memory_space<semaphore_mem>>)
      %dma_start3A_474 = arith.constant 1 : i32
      %dma_start3A_475 = arith.constant 128 : i32
      %dma_start3A_476 = arith.constant 0 : i32
      %dma_start3A_477 = tpu.memref_slice %arg8[%dma_start3A_475, %dma_start3A_476] : memref<1024x32xf32, #tpu.memory_space<vmem>> -> memref<128x32xf32, #tpu.memory_space<vmem>>
      %dma_start3A_478 = arith.constant 0 : i32
      %dma_start3A_479 = tpu.memref_slice %arg6[%dma_start3A_474, %dma_start3A_478] : memref<8x128xi32, #tpu.memory_space<vmem>> -> memref<1x128xi32, #tpu.memory_space<vmem>>
      %dma_start3A_480 = tpu.memref_squeeze %dma_start3A_479 : memref<1x128xi32, #tpu.memory_space<vmem>> -> memref<128xi32, #tpu.memory_space<vmem>>
      %dma_start3A_481 = arith.constant 0 : i32
      %dma_start3A_482 = arith.constant 0 : i32
      %dma_start3A_483 = tpu.memref_slice %arg3[%dma_start3A_481, %dma_start3A_482] : memref<1000000x32xf32, #tpu.memory_space<hbm>> -> memref<1000000x32xf32, #tpu.memory_space<hbm>>
      tpu.enqueue_indirect_dma source(%dma_start3A_483 : memref<1000000x32xf32, #tpu.memory_space<hbm>>) target(%dma_start3A_477 : memref<128x32xf32, #tpu.memory_space<vmem>>) offsets(%dma_start3A_480 : memref<128xi32, #tpu.memory_space<vmem>>) semaphore(%arg14 : memref<!tpu.dma_semaphore, #tpu.memory_space<semaphore_mem>>)
      %dma_start3A_484 = arith.constant 2 : i32
      %dma_start3A_485 = arith.constant 256 : i32
      %dma_start3A_486 = arith.constant 0 : i32
      %dma_start3A_487 = tpu.memref_slice %arg8[%dma_start3A_485, %dma_start3A_486] : memref<1024x32xf32, #tpu.memory_space<vmem>> -> memref<128x32xf32, #tpu.memory_space<vmem>>
      %dma_start3A_488 = arith.constant 0 : i32
      %dma_start3A_489 = tpu.memref_slice %arg6[%dma_start3A_484, %dma_start3A_488] : memref<8x128xi32, #tpu.memory_space<vmem>> -> memref<1x128xi32, #tpu.memory_space<vmem>>
      %dma_start3A_490 = tpu.memref_squeeze %dma_start3A_489 : memref<1x128xi32, #tpu.memory_space<vmem>> -> memref<128xi32, #tpu.memory_space<vmem>>
      %dma_start3A_491 = arith.constant 0 : i32
      %dma_start3A_492 = arith.constant 0 : i32
      %dma_start3A_493 = tpu.memref_slice %arg3[%dma_start3A_491, %dma_start3A_492] : memref<1000000x32xf32, #tpu.memory_space<hbm>> -> memref<1000000x32xf32, #tpu.memory_space<hbm>>
      tpu.enqueue_indirect_dma source(%dma_start3A_493 : memref<1000000x32xf32, #tpu.memory_space<hbm>>) target(%dma_start3A_487 : memref<128x32xf32, #tpu.memory_space<vmem>>) offsets(%dma_start3A_490 : memref<128xi32, #tpu.memory_space<vmem>>) semaphore(%arg14 : memref<!tpu.dma_semaphore, #tpu.memory_space<semaphore_mem>>)
      %dma_start3A_494 = arith.constant 3 : i32
      %dma_start3A_495 = arith.constant 384 : i32
      %dma_start3A_496 = arith.constant 0 : i32
      %dma_start3A_497 = tpu.memref_slice %arg8[%dma_start3A_495, %dma_start3A_496] : memref<1024x32xf32, #tpu.memory_space<vmem>> -> memref<128x32xf32, #tpu.memory_space<vmem>>
      %dma_start3A_498 = arith.constant 0 : i32
      %dma_start3A_499 = tpu.memref_slice %arg6[%dma_start3A_494, %dma_start3A_498] : memref<8x128xi32, #tpu.memory_space<vmem>> -> memref<1x128xi32, #tpu.memory_space<vmem>>
      %dma_start3A_500 = tpu.memref_squeeze %dma_start3A_499 : memref<1x128xi32, #tpu.memory_space<vmem>> -> memref<128xi32, #tpu.memory_space<vmem>>
      %dma_start3A_501 = arith.constant 0 : i32
      %dma_start3A_502 = arith.constant 0 : i32
      %dma_start3A_503 = tpu.memref_slice %arg3[%dma_start3A_501, %dma_start3A_502] : memref<1000000x32xf32, #tpu.memory_space<hbm>> -> memref<1000000x32xf32, #tpu.memory_space<hbm>>
      tpu.enqueue_indirect_dma source(%dma_start3A_503 : memref<1000000x32xf32, #tpu.memory_space<hbm>>) target(%dma_start3A_497 : memref<128x32xf32, #tpu.memory_space<vmem>>) offsets(%dma_start3A_500 : memref<128xi32, #tpu.memory_space<vmem>>) semaphore(%arg14 : memref<!tpu.dma_semaphore, #tpu.memory_space<semaphore_mem>>)
      %dma_start3A_504 = arith.constant 4 : i32
      %dma_start3A_505 = arith.constant 512 : i32
      %dma_start3A_506 = arith.constant 0 : i32
      %dma_start3A_507 = tpu.memref_slice %arg8[%dma_start3A_505, %dma_start3A_506] : memref<1024x32xf32, #tpu.memory_space<vmem>> -> memref<128x32xf32, #tpu.memory_space<vmem>>
      %dma_start3A_508 = arith.constant 0 : i32
      %dma_start3A_509 = tpu.memref_slice %arg6[%dma_start3A_504, %dma_start3A_508] : memref<8x128xi32, #tpu.memory_space<vmem>> -> memref<1x128xi32, #tpu.memory_space<vmem>>
      %dma_start3A_510 = tpu.memref_squeeze %dma_start3A_509 : memref<1x128xi32, #tpu.memory_space<vmem>> -> memref<128xi32, #tpu.memory_space<vmem>>
      %dma_start3A_511 = arith.constant 0 : i32
      %dma_start3A_512 = arith.constant 0 : i32
      %dma_start3A_513 = tpu.memref_slice %arg3[%dma_start3A_511, %dma_start3A_512] : memref<1000000x32xf32, #tpu.memory_space<hbm>> -> memref<1000000x32xf32, #tpu.memory_space<hbm>>
      tpu.enqueue_indirect_dma source(%dma_start3A_513 : memref<1000000x32xf32, #tpu.memory_space<hbm>>) target(%dma_start3A_507 : memref<128x32xf32, #tpu.memory_space<vmem>>) offsets(%dma_start3A_510 : memref<128xi32, #tpu.memory_space<vmem>>) semaphore(%arg14 : memref<!tpu.dma_semaphore, #tpu.memory_space<semaphore_mem>>)
      %dma_start3A_514 = arith.constant 5 : i32
      %dma_start3A_515 = arith.constant 640 : i32
      %dma_start3A_516 = arith.constant 0 : i32
      %dma_start3A_517 = tpu.memref_slice %arg8[%dma_start3A_515, %dma_start3A_516] : memref<1024x32xf32, #tpu.memory_space<vmem>> -> memref<128x32xf32, #tpu.memory_space<vmem>>
      %dma_start3A_518 = arith.constant 0 : i32
      %dma_start3A_519 = tpu.memref_slice %arg6[%dma_start3A_514, %dma_start3A_518] : memref<8x128xi32, #tpu.memory_space<vmem>> -> memref<1x128xi32, #tpu.memory_space<vmem>>
      %dma_start3A_520 = tpu.memref_squeeze %dma_start3A_519 : memref<1x128xi32, #tpu.memory_space<vmem>> -> memref<128xi32, #tpu.memory_space<vmem>>
      %dma_start3A_521 = arith.constant 0 : i32
      %dma_start3A_522 = arith.constant 0 : i32
      %dma_start3A_523 = tpu.memref_slice %arg3[%dma_start3A_521, %dma_start3A_522] : memref<1000000x32xf32, #tpu.memory_space<hbm>> -> memref<1000000x32xf32, #tpu.memory_space<hbm>>
      tpu.enqueue_indirect_dma source(%dma_start3A_523 : memref<1000000x32xf32, #tpu.memory_space<hbm>>) target(%dma_start3A_517 : memref<128x32xf32, #tpu.memory_space<vmem>>) offsets(%dma_start3A_520 : memref<128xi32, #tpu.memory_space<vmem>>) semaphore(%arg14 : memref<!tpu.dma_semaphore, #tpu.memory_space<semaphore_mem>>)
      %dma_start3A_524 = arith.constant 6 : i32
      %dma_start3A_525 = arith.constant 768 : i32
      %dma_start3A_526 = arith.constant 0 : i32
      %dma_start3A_527 = tpu.memref_slice %arg8[%dma_start3A_525, %dma_start3A_526] : memref<1024x32xf32, #tpu.memory_space<vmem>> -> memref<128x32xf32, #tpu.memory_space<vmem>>
      %dma_start3A_528 = arith.constant 0 : i32
      %dma_start3A_529 = tpu.memref_slice %arg6[%dma_start3A_524, %dma_start3A_528] : memref<8x128xi32, #tpu.memory_space<vmem>> -> memref<1x128xi32, #tpu.memory_space<vmem>>
      %dma_start3A_530 = tpu.memref_squeeze %dma_start3A_529 : memref<1x128xi32, #tpu.memory_space<vmem>> -> memref<128xi32, #tpu.memory_space<vmem>>
      %dma_start3A_531 = arith.constant 0 : i32
      %dma_start3A_532 = arith.constant 0 : i32
      %dma_start3A_533 = tpu.memref_slice %arg3[%dma_start3A_531, %dma_start3A_532] : memref<1000000x32xf32, #tpu.memory_space<hbm>> -> memref<1000000x32xf32, #tpu.memory_space<hbm>>
      tpu.enqueue_indirect_dma source(%dma_start3A_533 : memref<1000000x32xf32, #tpu.memory_space<hbm>>) target(%dma_start3A_527 : memref<128x32xf32, #tpu.memory_space<vmem>>) offsets(%dma_start3A_530 : memref<128xi32, #tpu.memory_space<vmem>>) semaphore(%arg14 : memref<!tpu.dma_semaphore, #tpu.memory_space<semaphore_mem>>)
      %dma_start3A_534 = arith.constant 7 : i32
      %dma_start3A_535 = arith.constant 896 : i32
      %dma_start3A_536 = arith.constant 0 : i32
      %dma_start3A_537 = tpu.memref_slice %arg8[%dma_start3A_535, %dma_start3A_536] : memref<1024x32xf32, #tpu.memory_space<vmem>> -> memref<128x32xf32, #tpu.memory_space<vmem>>
      %dma_start3A_538 = arith.constant 0 : i32
      %dma_start3A_539 = tpu.memref_slice %arg6[%dma_start3A_534, %dma_start3A_538] : memref<8x128xi32, #tpu.memory_space<vmem>> -> memref<1x128xi32, #tpu.memory_space<vmem>>
      %dma_start3A_540 = tpu.memref_squeeze %dma_start3A_539 : memref<1x128xi32, #tpu.memory_space<vmem>> -> memref<128xi32, #tpu.memory_space<vmem>>
      %dma_start3A_541 = arith.constant 0 : i32
      %dma_start3A_542 = arith.constant 0 : i32
      %dma_start3A_543 = tpu.memref_slice %arg3[%dma_start3A_541, %dma_start3A_542] : memref<1000000x32xf32, #tpu.memory_space<hbm>> -> memref<1000000x32xf32, #tpu.memory_space<hbm>>
      tpu.enqueue_indirect_dma source(%dma_start3A_543 : memref<1000000x32xf32, #tpu.memory_space<hbm>>) target(%dma_start3A_537 : memref<128x32xf32, #tpu.memory_space<vmem>>) offsets(%dma_start3A_540 : memref<128xi32, #tpu.memory_space<vmem>>) semaphore(%arg14 : memref<!tpu.dma_semaphore, #tpu.memory_space<semaphore_mem>>)
      %dma_wait3A_544 = arith.constant 0 : i32
      %dma_wait3A_545 = arith.constant 0 : i32
      %dma_wait3A_546 = tpu.memref_slice %arg3[%dma_wait3A_544, %dma_wait3A_545] : memref<1000000x32xf32, #tpu.memory_space<hbm>> -> memref<1024x32xf32, #tpu.memory_space<hbm>>
      %dma_wait3A_547 = arith.constant 0 : i32
      %dma_wait3A_548 = arith.constant 0 : i32
      %dma_wait3A_549 = tpu.memref_slice %arg3[%dma_wait3A_547, %dma_wait3A_548] : memref<1000000x32xf32, #tpu.memory_space<hbm>> -> memref<1024x32xf32, #tpu.memory_space<hbm>>
      tpu.wait_dma2 semaphore(%arg15 : memref<!tpu.dma_semaphore, #tpu.memory_space<semaphore_mem>>) src(%dma_wait3A_549 : memref<1024x32xf32, #tpu.memory_space<hbm>>) dst(%arg9 : memref<1024x32xf32, #tpu.memory_space<vmem>>)
      %add3A_550 = arith.constant 2 : i32
      %add3A_551 = arith.addi %add3A_453, %add3A_550 : i32
      %min3A_552 = arith.constant 24 : i32
      %min3A_553 = arith.minsi %add3A_551, %min3A_552 : i32
      %dma_start3A_554 = arith.constant 0 : i32
      %dma_start3A_555 = arith.constant 0 : i32
      %dma_start3A_556 = tpu.memref_slice %arg2[%min3A_553, %add3A, %dma_start3A_554, %dma_start3A_555] : memref<25x32x8x128xi32, #tpu.memory_space<hbm>> -> memref<1x1x8x128xi32, #tpu.memory_space<hbm>>
      %dma_start3A_557 = tpu.memref_squeeze %dma_start3A_556 : memref<1x1x8x128xi32, #tpu.memory_space<hbm>> -> memref<8x128xi32, #tpu.memory_space<hbm>>
      %dma_start3A_558 = arith.constant 0 : i32
      %dma_start3A_559 = arith.constant 0 : i32
      %dma_start3A_560 = tpu.memref_slice %arg2[%min3A_553, %add3A, %dma_start3A_558, %dma_start3A_559] : memref<25x32x8x128xi32, #tpu.memory_space<hbm>> -> memref<1x1x8x128xi32, #tpu.memory_space<hbm>>
      %dma_start3A_561 = tpu.memref_squeeze %dma_start3A_560 : memref<1x1x8x128xi32, #tpu.memory_space<hbm>> -> memref<8x128xi32, #tpu.memory_space<hbm>>
      tpu.enqueue_dma source(%dma_start3A_561 : memref<8x128xi32, #tpu.memory_space<hbm>>) target(%arg7 : memref<8x128xi32, #tpu.memory_space<vmem>>) target_semaphore(%arg13 : memref<!tpu.dma_semaphore, #tpu.memory_space<semaphore_mem>>)
      %dma_wait3A_562 = arith.constant 0 : i32
      %dma_wait3A_563 = arith.constant 0 : i32
      %dma_wait3A_564 = arith.constant 0 : i32
      %dma_wait3A_565 = arith.constant 0 : i32
      %dma_wait3A_566 = tpu.memref_slice %arg5[%dma_wait3A_562, %dma_wait3A_564, %dma_wait3A_563, %dma_wait3A_565] : memref<25x32x32x1024xf32, #tpu.memory_space<hbm>> -> memref<1x32x1x1024xf32, #tpu.memory_space<hbm>>
      %dma_wait3A_567 = tpu.memref_squeeze %dma_wait3A_566 : memref<1x32x1x1024xf32, #tpu.memory_space<hbm>> -> memref<32x1024xf32, #tpu.memory_space<hbm>>
      %dma_wait3A_568 = arith.constant 0 : i32
      %dma_wait3A_569 = arith.constant 0 : i32
      %dma_wait3A_570 = tpu.memref_slice %arg5[%dma_wait3A_562, %dma_wait3A_568, %dma_wait3A_563, %dma_wait3A_569] : memref<25x32x32x1024xf32, #tpu.memory_space<hbm>> -> memref<1x32x1x1024xf32, #tpu.memory_space<hbm>>
      %dma_wait3A_571 = tpu.memref_squeeze %dma_wait3A_570 : memref<1x32x1x1024xf32, #tpu.memory_space<hbm>> -> memref<32x1024xf32, #tpu.memory_space<hbm>>
      tpu.wait_dma2 semaphore(%arg16 : memref<!tpu.dma_semaphore, #tpu.memory_space<semaphore_mem>>) src(%arg10 : memref<32x1024xf32, #tpu.memory_space<vmem>>) dst(%dma_wait3A_571 : memref<32x1024xf32, #tpu.memory_space<hbm>>)
      %scan3A_572 = arith.constant 0 : i32
      %scan3A_573 = arith.constant 0 : i32
      %scan3A_574 = arith.constant 8 : i32
      %scan3A_575 = arith.addi %scan3A_573, %scan3A_574 : i32
      %scan3A_576 = arith.constant 1 : i32
      scf.for %scan3A_720 = %scan3A_573 to %scan3A_575 step %scan3A_576  : i32 {
        %mul3A_721 = arith.constant 8 : i32
        %mul3A_722 = arith.muli %add3A_453, %mul3A_721 : i32
        %add3A_723 = arith.addi %mul3A_722, %scan3A_720 : i32
        %get3A = arith.index_cast %add3A_723 : i32 to index
        %get3A_724 = arith.constant 0 : index
        %get3A_725 = tpu.vector_load %arg11[%get3A, %get3A_724] {strides = array<i32>} : memref<200x32xf32, #tpu.memory_space<vmem>>, vector<16xf32>,
        %get3A_726 = arith.index_cast %add3A_723 : i32 to index
        %get3A_727 = arith.constant 16 : index
        %get3A_728 = tpu.vector_load %arg11[%get3A_726, %get3A_727] {strides = array<i32>} : memref<200x32xf32, #tpu.memory_space<vmem>>, vector<16xf32>,
        %mul3A_729 = arith.constant 4 : i32
        %mul3A_730 = arith.muli %scan3A_720, %mul3A_729 : i32
        %add3A_731 = vector.broadcast %mul3A_730 : i32 to vector<16xi32>
        %add3A_732 = arith.addi %select_n3A, %add3A_731 : vector<16xi32>
        %mul3A_733 = arith.constant 4 : i32
        %mul3A_734 = arith.muli %scan3A_720, %mul3A_733 : i32
        %add3A_735 = vector.broadcast %mul3A_734 : i32 to vector<16xi32>
        %add3A_736 = arith.addi %add3A_26, %add3A_735 : vector<16xi32>
        %mul3A_737 = arith.constant 128 : i32
        %mul3A_738 = arith.muli %scan3A_720, %mul3A_737 : i32
        %parallel_loop3A = arith.constant 0 : i32
        %parallel_loop3A_739 = arith.constant 128 : i32
        %parallel_loop3A_740 = arith.constant 1 : i32
        %parallel_loop3A_741 = scf.for %parallel_loop3A_742 = %parallel_loop3A to %parallel_loop3A_739 step %parallel_loop3A_740 iter_args(%parallel_loop3A_743 = %mul3A_49) -> (vector<16xi32>)  : i32 {
          %parallel_loop3A_744 = arith.addi %mul3A_738, %parallel_loop3A_742 : i32
          %parallel_loop3A_745 = arith.index_cast %parallel_loop3A_744 : i32 to index
          %parallel_loop3A_746 = arith.constant 0 : index
          %parallel_loop3A_747 = tpu.vector_load %arg9[%parallel_loop3A_745, %parallel_loop3A_746] {strides = array<i32>} : memref<1024x32xf32, #tpu.memory_space<vmem>>, vector<16xf32>,
          %parallel_loop3A_748 = arith.addf %parallel_loop3A_747, %get3A_725 : vector<16xf32>
          tpu.vector_store_idx %arg10[%add3A_732, %parallel_loop3A_743], %parallel_loop3A_748 : memref<32x1024xf32, #tpu.memory_space<vmem>>[vector<16xi32>, vector<16xi32>], vector<16xf32>,
          %parallel_loop3A_749 = arith.index_cast %parallel_loop3A_744 : i32 to index
          %parallel_loop3A_750 = arith.constant 16 : index
          %parallel_loop3A_751 = tpu.vector_load %arg9[%parallel_loop3A_749, %parallel_loop3A_750] {strides = array<i32>} : memref<1024x32xf32, #tpu.memory_space<vmem>>, vector<16xf32>,
          %parallel_loop3A_752 = arith.addf %parallel_loop3A_751, %get3A_728 : vector<16xf32>
          tpu.vector_store_idx %arg10[%add3A_736, %parallel_loop3A_743], %parallel_loop3A_752 : memref<32x1024xf32, #tpu.memory_space<vmem>>[vector<16xi32>, vector<16xi32>], vector<16xf32>,
          %parallel_loop3A_753 = arith.constant 1 : i32
          %parallel_loop3A_754 = vector.broadcast %parallel_loop3A_753 : i32 to vector<16xi32>
          %parallel_loop3A_755 = arith.addi %parallel_loop3A_743, %parallel_loop3A_754 : vector<16xi32>
          scf.yield %parallel_loop3A_755 : vector<16xi32>
        } {sc.loop_unroll_factor = 16 : i64, sc.parallel_access}
      }
      %scan3A_577 = arith.constant 8 : i32
      %dma_start3A_578 = arith.constant 0 : i32
      %dma_start3A_579 = arith.constant 0 : i32
      %dma_start3A_580 = tpu.memref_slice %arg5[%add3A_453, %dma_start3A_578, %add3A, %dma_start3A_579] : memref<25x32x32x1024xf32, #tpu.memory_space<hbm>> -> memref<1x32x1x1024xf32, #tpu.memory_space<hbm>>
      %dma_start3A_581 = tpu.memref_squeeze %dma_start3A_580 : memref<1x32x1x1024xf32, #tpu.memory_space<hbm>> -> memref<32x1024xf32, #tpu.memory_space<hbm>>
      %dma_start3A_582 = arith.constant 0 : i32
      %dma_start3A_583 = arith.constant 0 : i32
      %dma_start3A_584 = tpu.memref_slice %arg5[%add3A_453, %dma_start3A_582, %add3A, %dma_start3A_583] : memref<25x32x32x1024xf32, #tpu.memory_space<hbm>> -> memref<1x32x1x1024xf32, #tpu.memory_space<hbm>>
      %dma_start3A_585 = tpu.memref_squeeze %dma_start3A_584 : memref<1x32x1x1024xf32, #tpu.memory_space<hbm>> -> memref<32x1024xf32, #tpu.memory_space<hbm>>
      tpu.enqueue_dma source(%arg10 : memref<32x1024xf32, #tpu.memory_space<vmem>>) target(%dma_start3A_585 : memref<32x1024xf32, #tpu.memory_space<hbm>>) target_semaphore(%arg16 : memref<!tpu.dma_semaphore, #tpu.memory_space<semaphore_mem>>)
      %add3A_586 = arith.constant 1 : i32
      %add3A_587 = arith.addi %add3A_451, %add3A_586 : i32
      %dma_wait3A_588 = arith.constant 0 : i32
      %dma_wait3A_589 = arith.constant 0 : i32
      %dma_wait3A_590 = arith.constant 0 : i32
      %dma_wait3A_591 = arith.constant 0 : i32
      %dma_wait3A_592 = tpu.memref_slice %arg2[%dma_wait3A_588, %dma_wait3A_589, %dma_wait3A_590, %dma_wait3A_591] : memref<25x32x8x128xi32, #tpu.memory_space<hbm>> -> memref<1x1x8x128xi32, #tpu.memory_space<hbm>>
      %dma_wait3A_593 = tpu.memref_squeeze %dma_wait3A_592 : memref<1x1x8x128xi32, #tpu.memory_space<hbm>> -> memref<8x128xi32, #tpu.memory_space<hbm>>
      %dma_wait3A_594 = arith.constant 0 : i32
      %dma_wait3A_595 = arith.constant 0 : i32
      %dma_wait3A_596 = tpu.memref_slice %arg2[%dma_wait3A_588, %dma_wait3A_589, %dma_wait3A_594, %dma_wait3A_595] : memref<25x32x8x128xi32, #tpu.memory_space<hbm>> -> memref<1x1x8x128xi32, #tpu.memory_space<hbm>>
      %dma_wait3A_597 = tpu.memref_squeeze %dma_wait3A_596 : memref<1x1x8x128xi32, #tpu.memory_space<hbm>> -> memref<8x128xi32, #tpu.memory_space<hbm>>
      tpu.wait_dma2 semaphore(%arg13 : memref<!tpu.dma_semaphore, #tpu.memory_space<semaphore_mem>>) src(%dma_wait3A_597 : memref<8x128xi32, #tpu.memory_space<hbm>>) dst(%arg7 : memref<8x128xi32, #tpu.memory_space<vmem>>)
      %dma_start3A_598 = arith.constant 0 : i32
      %dma_start3A_599 = arith.constant 0 : i32
      %dma_start3A_600 = arith.constant 0 : i32
      %dma_start3A_601 = tpu.memref_slice %arg9[%dma_start3A_599, %dma_start3A_600] : memref<1024x32xf32, #tpu.memory_space<vmem>> -> memref<128x32xf32, #tpu.memory_space<vmem>>
      %dma_start3A_602 = arith.constant 0 : i32
      %dma_start3A_603 = tpu.memref_slice %arg7[%dma_start3A_598, %dma_start3A_602] : memref<8x128xi32, #tpu.memory_space<vmem>> -> memref<1x128xi32, #tpu.memory_space<vmem>>
      %dma_start3A_604 = tpu.memref_squeeze %dma_start3A_603 : memref<1x128xi32, #tpu.memory_space<vmem>> -> memref<128xi32, #tpu.memory_space<vmem>>
      %dma_start3A_605 = arith.constant 0 : i32
      %dma_start3A_606 = arith.constant 0 : i32
      %dma_start3A_607 = tpu.memref_slice %arg3[%dma_start3A_605, %dma_start3A_606] : memref<1000000x32xf32, #tpu.memory_space<hbm>> -> memref<1000000x32xf32, #tpu.memory_space<hbm>>
      tpu.enqueue_indirect_dma source(%dma_start3A_607 : memref<1000000x32xf32, #tpu.memory_space<hbm>>) target(%dma_start3A_601 : memref<128x32xf32, #tpu.memory_space<vmem>>) offsets(%dma_start3A_604 : memref<128xi32, #tpu.memory_space<vmem>>) semaphore(%arg15 : memref<!tpu.dma_semaphore, #tpu.memory_space<semaphore_mem>>)
      %dma_start3A_608 = arith.constant 1 : i32
      %dma_start3A_609 = arith.constant 128 : i32
      %dma_start3A_610 = arith.constant 0 : i32
      %dma_start3A_611 = tpu.memref_slice %arg9[%dma_start3A_609, %dma_start3A_610] : memref<1024x32xf32, #tpu.memory_space<vmem>> -> memref<128x32xf32, #tpu.memory_space<vmem>>
      %dma_start3A_612 = arith.constant 0 : i32
      %dma_start3A_613 = tpu.memref_slice %arg7[%dma_start3A_608, %dma_start3A_612] : memref<8x128xi32, #tpu.memory_space<vmem>> -> memref<1x128xi32, #tpu.memory_space<vmem>>
      %dma_start3A_614 = tpu.memref_squeeze %dma_start3A_613 : memref<1x128xi32, #tpu.memory_space<vmem>> -> memref<128xi32, #tpu.memory_space<vmem>>
      %dma_start3A_615 = arith.constant 0 : i32
      %dma_start3A_616 = arith.constant 0 : i32
      %dma_start3A_617 = tpu.memref_slice %arg3[%dma_start3A_615, %dma_start3A_616] : memref<1000000x32xf32, #tpu.memory_space<hbm>> -> memref<1000000x32xf32, #tpu.memory_space<hbm>>
      tpu.enqueue_indirect_dma source(%dma_start3A_617 : memref<1000000x32xf32, #tpu.memory_space<hbm>>) target(%dma_start3A_611 : memref<128x32xf32, #tpu.memory_space<vmem>>) offsets(%dma_start3A_614 : memref<128xi32, #tpu.memory_space<vmem>>) semaphore(%arg15 : memref<!tpu.dma_semaphore, #tpu.memory_space<semaphore_mem>>)
      %dma_start3A_618 = arith.constant 2 : i32
      %dma_start3A_619 = arith.constant 256 : i32
      %dma_start3A_620 = arith.constant 0 : i32
      %dma_start3A_621 = tpu.memref_slice %arg9[%dma_start3A_619, %dma_start3A_620] : memref<1024x32xf32, #tpu.memory_space<vmem>> -> memref<128x32xf32, #tpu.memory_space<vmem>>
      %dma_start3A_622 = arith.constant 0 : i32
      %dma_start3A_623 = tpu.memref_slice %arg7[%dma_start3A_618, %dma_start3A_622] : memref<8x128xi32, #tpu.memory_space<vmem>> -> memref<1x128xi32, #tpu.memory_space<vmem>>
      %dma_start3A_624 = tpu.memref_squeeze %dma_start3A_623 : memref<1x128xi32, #tpu.memory_space<vmem>> -> memref<128xi32, #tpu.memory_space<vmem>>
      %dma_start3A_625 = arith.constant 0 : i32
      %dma_start3A_626 = arith.constant 0 : i32
      %dma_start3A_627 = tpu.memref_slice %arg3[%dma_start3A_625, %dma_start3A_626] : memref<1000000x32xf32, #tpu.memory_space<hbm>> -> memref<1000000x32xf32, #tpu.memory_space<hbm>>
      tpu.enqueue_indirect_dma source(%dma_start3A_627 : memref<1000000x32xf32, #tpu.memory_space<hbm>>) target(%dma_start3A_621 : memref<128x32xf32, #tpu.memory_space<vmem>>) offsets(%dma_start3A_624 : memref<128xi32, #tpu.memory_space<vmem>>) semaphore(%arg15 : memref<!tpu.dma_semaphore, #tpu.memory_space<semaphore_mem>>)
      %dma_start3A_628 = arith.constant 3 : i32
      %dma_start3A_629 = arith.constant 384 : i32
      %dma_start3A_630 = arith.constant 0 : i32
      %dma_start3A_631 = tpu.memref_slice %arg9[%dma_start3A_629, %dma_start3A_630] : memref<1024x32xf32, #tpu.memory_space<vmem>> -> memref<128x32xf32, #tpu.memory_space<vmem>>
      %dma_start3A_632 = arith.constant 0 : i32
      %dma_start3A_633 = tpu.memref_slice %arg7[%dma_start3A_628, %dma_start3A_632] : memref<8x128xi32, #tpu.memory_space<vmem>> -> memref<1x128xi32, #tpu.memory_space<vmem>>
      %dma_start3A_634 = tpu.memref_squeeze %dma_start3A_633 : memref<1x128xi32, #tpu.memory_space<vmem>> -> memref<128xi32, #tpu.memory_space<vmem>>
      %dma_start3A_635 = arith.constant 0 : i32
      %dma_start3A_636 = arith.constant 0 : i32
      %dma_start3A_637 = tpu.memref_slice %arg3[%dma_start3A_635, %dma_start3A_636] : memref<1000000x32xf32, #tpu.memory_space<hbm>> -> memref<1000000x32xf32, #tpu.memory_space<hbm>>
      tpu.enqueue_indirect_dma source(%dma_start3A_637 : memref<1000000x32xf32, #tpu.memory_space<hbm>>) target(%dma_start3A_631 : memref<128x32xf32, #tpu.memory_space<vmem>>) offsets(%dma_start3A_634 : memref<128xi32, #tpu.memory_space<vmem>>) semaphore(%arg15 : memref<!tpu.dma_semaphore, #tpu.memory_space<semaphore_mem>>)
      %dma_start3A_638 = arith.constant 4 : i32
      %dma_start3A_639 = arith.constant 512 : i32
      %dma_start3A_640 = arith.constant 0 : i32
      %dma_start3A_641 = tpu.memref_slice %arg9[%dma_start3A_639, %dma_start3A_640] : memref<1024x32xf32, #tpu.memory_space<vmem>> -> memref<128x32xf32, #tpu.memory_space<vmem>>
      %dma_start3A_642 = arith.constant 0 : i32
      %dma_start3A_643 = tpu.memref_slice %arg7[%dma_start3A_638, %dma_start3A_642] : memref<8x128xi32, #tpu.memory_space<vmem>> -> memref<1x128xi32, #tpu.memory_space<vmem>>
      %dma_start3A_644 = tpu.memref_squeeze %dma_start3A_643 : memref<1x128xi32, #tpu.memory_space<vmem>> -> memref<128xi32, #tpu.memory_space<vmem>>
      %dma_start3A_645 = arith.constant 0 : i32
      %dma_start3A_646 = arith.constant 0 : i32
      %dma_start3A_647 = tpu.memref_slice %arg3[%dma_start3A_645, %dma_start3A_646] : memref<1000000x32xf32, #tpu.memory_space<hbm>> -> memref<1000000x32xf32, #tpu.memory_space<hbm>>
      tpu.enqueue_indirect_dma source(%dma_start3A_647 : memref<1000000x32xf32, #tpu.memory_space<hbm>>) target(%dma_start3A_641 : memref<128x32xf32, #tpu.memory_space<vmem>>) offsets(%dma_start3A_644 : memref<128xi32, #tpu.memory_space<vmem>>) semaphore(%arg15 : memref<!tpu.dma_semaphore, #tpu.memory_space<semaphore_mem>>)
      %dma_start3A_648 = arith.constant 5 : i32
      %dma_start3A_649 = arith.constant 640 : i32
      %dma_start3A_650 = arith.constant 0 : i32
      %dma_start3A_651 = tpu.memref_slice %arg9[%dma_start3A_649, %dma_start3A_650] : memref<1024x32xf32, #tpu.memory_space<vmem>> -> memref<128x32xf32, #tpu.memory_space<vmem>>
      %dma_start3A_652 = arith.constant 0 : i32
      %dma_start3A_653 = tpu.memref_slice %arg7[%dma_start3A_648, %dma_start3A_652] : memref<8x128xi32, #tpu.memory_space<vmem>> -> memref<1x128xi32, #tpu.memory_space<vmem>>
      %dma_start3A_654 = tpu.memref_squeeze %dma_start3A_653 : memref<1x128xi32, #tpu.memory_space<vmem>> -> memref<128xi32, #tpu.memory_space<vmem>>
      %dma_start3A_655 = arith.constant 0 : i32
      %dma_start3A_656 = arith.constant 0 : i32
      %dma_start3A_657 = tpu.memref_slice %arg3[%dma_start3A_655, %dma_start3A_656] : memref<1000000x32xf32, #tpu.memory_space<hbm>> -> memref<1000000x32xf32, #tpu.memory_space<hbm>>
      tpu.enqueue_indirect_dma source(%dma_start3A_657 : memref<1000000x32xf32, #tpu.memory_space<hbm>>) target(%dma_start3A_651 : memref<128x32xf32, #tpu.memory_space<vmem>>) offsets(%dma_start3A_654 : memref<128xi32, #tpu.memory_space<vmem>>) semaphore(%arg15 : memref<!tpu.dma_semaphore, #tpu.memory_space<semaphore_mem>>)
      %dma_start3A_658 = arith.constant 6 : i32
      %dma_start3A_659 = arith.constant 768 : i32
      %dma_start3A_660 = arith.constant 0 : i32
      %dma_start3A_661 = tpu.memref_slice %arg9[%dma_start3A_659, %dma_start3A_660] : memref<1024x32xf32, #tpu.memory_space<vmem>> -> memref<128x32xf32, #tpu.memory_space<vmem>>
      %dma_start3A_662 = arith.constant 0 : i32
      %dma_start3A_663 = tpu.memref_slice %arg7[%dma_start3A_658, %dma_start3A_662] : memref<8x128xi32, #tpu.memory_space<vmem>> -> memref<1x128xi32, #tpu.memory_space<vmem>>
      %dma_start3A_664 = tpu.memref_squeeze %dma_start3A_663 : memref<1x128xi32, #tpu.memory_space<vmem>> -> memref<128xi32, #tpu.memory_space<vmem>>
      %dma_start3A_665 = arith.constant 0 : i32
      %dma_start3A_666 = arith.constant 0 : i32
      %dma_start3A_667 = tpu.memref_slice %arg3[%dma_start3A_665, %dma_start3A_666] : memref<1000000x32xf32, #tpu.memory_space<hbm>> -> memref<1000000x32xf32, #tpu.memory_space<hbm>>
      tpu.enqueue_indirect_dma source(%dma_start3A_667 : memref<1000000x32xf32, #tpu.memory_space<hbm>>) target(%dma_start3A_661 : memref<128x32xf32, #tpu.memory_space<vmem>>) offsets(%dma_start3A_664 : memref<128xi32, #tpu.memory_space<vmem>>) semaphore(%arg15 : memref<!tpu.dma_semaphore, #tpu.memory_space<semaphore_mem>>)
      %dma_start3A_668 = arith.constant 7 : i32
      %dma_start3A_669 = arith.constant 896 : i32
      %dma_start3A_670 = arith.constant 0 : i32
      %dma_start3A_671 = tpu.memref_slice %arg9[%dma_start3A_669, %dma_start3A_670] : memref<1024x32xf32, #tpu.memory_space<vmem>> -> memref<128x32xf32, #tpu.memory_space<vmem>>
      %dma_start3A_672 = arith.constant 0 : i32
      %dma_start3A_673 = tpu.memref_slice %arg7[%dma_start3A_668, %dma_start3A_672] : memref<8x128xi32, #tpu.memory_space<vmem>> -> memref<1x128xi32, #tpu.memory_space<vmem>>
      %dma_start3A_674 = tpu.memref_squeeze %dma_start3A_673 : memref<1x128xi32, #tpu.memory_space<vmem>> -> memref<128xi32, #tpu.memory_space<vmem>>
      %dma_start3A_675 = arith.constant 0 : i32
      %dma_start3A_676 = arith.constant 0 : i32
      %dma_start3A_677 = tpu.memref_slice %arg3[%dma_start3A_675, %dma_start3A_676] : memref<1000000x32xf32, #tpu.memory_space<hbm>> -> memref<1000000x32xf32, #tpu.memory_space<hbm>>
      tpu.enqueue_indirect_dma source(%dma_start3A_677 : memref<1000000x32xf32, #tpu.memory_space<hbm>>) target(%dma_start3A_671 : memref<128x32xf32, #tpu.memory_space<vmem>>) offsets(%dma_start3A_674 : memref<128xi32, #tpu.memory_space<vmem>>) semaphore(%arg15 : memref<!tpu.dma_semaphore, #tpu.memory_space<semaphore_mem>>)
      %dma_wait3A_678 = arith.constant 0 : i32
      %dma_wait3A_679 = arith.constant 0 : i32
      %dma_wait3A_680 = tpu.memref_slice %arg3[%dma_wait3A_678, %dma_wait3A_679] : memref<1000000x32xf32, #tpu.memory_space<hbm>> -> memref<1024x32xf32, #tpu.memory_space<hbm>>
      %dma_wait3A_681 = arith.constant 0 : i32
      %dma_wait3A_682 = arith.constant 0 : i32
      %dma_wait3A_683 = tpu.memref_slice %arg3[%dma_wait3A_681, %dma_wait3A_682] : memref<1000000x32xf32, #tpu.memory_space<hbm>> -> memref<1024x32xf32, #tpu.memory_space<hbm>>
      tpu.wait_dma2 semaphore(%arg14 : memref<!tpu.dma_semaphore, #tpu.memory_space<semaphore_mem>>) src(%dma_wait3A_683 : memref<1024x32xf32, #tpu.memory_space<hbm>>) dst(%arg8 : memref<1024x32xf32, #tpu.memory_space<vmem>>)
      %add3A_684 = arith.constant 2 : i32
      %add3A_685 = arith.addi %add3A_587, %add3A_684 : i32
      %min3A_686 = arith.constant 24 : i32
      %min3A_687 = arith.minsi %add3A_685, %min3A_686 : i32
      %dma_start3A_688 = arith.constant 0 : i32
      %dma_start3A_689 = arith.constant 0 : i32
      %dma_start3A_690 = tpu.memref_slice %arg2[%min3A_687, %add3A, %dma_start3A_688, %dma_start3A_689] : memref<25x32x8x128xi32, #tpu.memory_space<hbm>> -> memref<1x1x8x128xi32, #tpu.memory_space<hbm>>
      %dma_start3A_691 = tpu.memref_squeeze %dma_start3A_690 : memref<1x1x8x128xi32, #tpu.memory_space<hbm>> -> memref<8x128xi32, #tpu.memory_space<hbm>>
      %dma_start3A_692 = arith.constant 0 : i32
      %dma_start3A_693 = arith.constant 0 : i32
      %dma_start3A_694 = tpu.memref_slice %arg2[%min3A_687, %add3A, %dma_start3A_692, %dma_start3A_693] : memref<25x32x8x128xi32, #tpu.memory_space<hbm>> -> memref<1x1x8x128xi32, #tpu.memory_space<hbm>>
      %dma_start3A_695 = tpu.memref_squeeze %dma_start3A_694 : memref<1x1x8x128xi32, #tpu.memory_space<hbm>> -> memref<8x128xi32, #tpu.memory_space<hbm>>
      tpu.enqueue_dma source(%dma_start3A_695 : memref<8x128xi32, #tpu.memory_space<hbm>>) target(%arg6 : memref<8x128xi32, #tpu.memory_space<vmem>>) target_semaphore(%arg12 : memref<!tpu.dma_semaphore, #tpu.memory_space<semaphore_mem>>)
      %dma_wait3A_696 = arith.constant 0 : i32
      %dma_wait3A_697 = arith.constant 0 : i32
      %dma_wait3A_698 = arith.constant 0 : i32
      %dma_wait3A_699 = arith.constant 0 : i32
      %dma_wait3A_700 = tpu.memref_slice %arg5[%dma_wait3A_696, %dma_wait3A_698, %dma_wait3A_697, %dma_wait3A_699] : memref<25x32x32x1024xf32, #tpu.memory_space<hbm>> -> memref<1x32x1x1024xf32, #tpu.memory_space<hbm>>
      %dma_wait3A_701 = tpu.memref_squeeze %dma_wait3A_700 : memref<1x32x1x1024xf32, #tpu.memory_space<hbm>> -> memref<32x1024xf32, #tpu.memory_space<hbm>>
      %dma_wait3A_702 = arith.constant 0 : i32
      %dma_wait3A_703 = arith.constant 0 : i32
      %dma_wait3A_704 = tpu.memref_slice %arg5[%dma_wait3A_696, %dma_wait3A_702, %dma_wait3A_697, %dma_wait3A_703] : memref<25x32x32x1024xf32, #tpu.memory_space<hbm>> -> memref<1x32x1x1024xf32, #tpu.memory_space<hbm>>
      %dma_wait3A_705 = tpu.memref_squeeze %dma_wait3A_704 : memref<1x32x1x1024xf32, #tpu.memory_space<hbm>> -> memref<32x1024xf32, #tpu.memory_space<hbm>>
      tpu.wait_dma2 semaphore(%arg16 : memref<!tpu.dma_semaphore, #tpu.memory_space<semaphore_mem>>) src(%arg10 : memref<32x1024xf32, #tpu.memory_space<vmem>>) dst(%dma_wait3A_705 : memref<32x1024xf32, #tpu.memory_space<hbm>>)
      %scan3A_706 = arith.constant 0 : i32
      %scan3A_707 = arith.constant 0 : i32
      %scan3A_708 = arith.constant 8 : i32
      %scan3A_709 = arith.addi %scan3A_707, %scan3A_708 : i32
      %scan3A_710 = arith.constant 1 : i32
      scf.for %scan3A_720 = %scan3A_707 to %scan3A_709 step %scan3A_710  : i32 {
        %mul3A_721 = arith.constant 8 : i32
        %mul3A_722 = arith.muli %add3A_587, %mul3A_721 : i32
        %add3A_723 = arith.addi %mul3A_722, %scan3A_720 : i32
        %get3A = arith.index_cast %add3A_723 : i32 to index
        %get3A_724 = arith.constant 0 : index
        %get3A_725 = tpu.vector_load %arg11[%get3A, %get3A_724] {strides = array<i32>} : memref<200x32xf32, #tpu.memory_space<vmem>>, vector<16xf32>,
        %get3A_726 = arith.index_cast %add3A_723 : i32 to index
        %get3A_727 = arith.constant 16 : index
        %get3A_728 = tpu.vector_load %arg11[%get3A_726, %get3A_727] {strides = array<i32>} : memref<200x32xf32, #tpu.memory_space<vmem>>, vector<16xf32>,
        %mul3A_729 = arith.constant 4 : i32
        %mul3A_730 = arith.muli %scan3A_720, %mul3A_729 : i32
        %add3A_731 = vector.broadcast %mul3A_730 : i32 to vector<16xi32>
        %add3A_732 = arith.addi %select_n3A, %add3A_731 : vector<16xi32>
        %mul3A_733 = arith.constant 4 : i32
        %mul3A_734 = arith.muli %scan3A_720, %mul3A_733 : i32
        %add3A_735 = vector.broadcast %mul3A_734 : i32 to vector<16xi32>
        %add3A_736 = arith.addi %add3A_26, %add3A_735 : vector<16xi32>
        %mul3A_737 = arith.constant 128 : i32
        %mul3A_738 = arith.muli %scan3A_720, %mul3A_737 : i32
        %parallel_loop3A = arith.constant 0 : i32
        %parallel_loop3A_739 = arith.constant 128 : i32
        %parallel_loop3A_740 = arith.constant 1 : i32
        %parallel_loop3A_741 = scf.for %parallel_loop3A_742 = %parallel_loop3A to %parallel_loop3A_739 step %parallel_loop3A_740 iter_args(%parallel_loop3A_743 = %mul3A_49) -> (vector<16xi32>)  : i32 {
          %parallel_loop3A_744 = arith.addi %mul3A_738, %parallel_loop3A_742 : i32
          %parallel_loop3A_745 = arith.index_cast %parallel_loop3A_744 : i32 to index
          %parallel_loop3A_746 = arith.constant 0 : index
          %parallel_loop3A_747 = tpu.vector_load %arg8[%parallel_loop3A_745, %parallel_loop3A_746] {strides = array<i32>} : memref<1024x32xf32, #tpu.memory_space<vmem>>, vector<16xf32>,
          %parallel_loop3A_748 = arith.addf %parallel_loop3A_747, %get3A_725 : vector<16xf32>
          tpu.vector_store_idx %arg10[%add3A_732, %parallel_loop3A_743], %parallel_loop3A_748 : memref<32x1024xf32, #tpu.memory_space<vmem>>[vector<16xi32>, vector<16xi32>], vector<16xf32>,
          %parallel_loop3A_749 = arith.index_cast %parallel_loop3A_744 : i32 to index
          %parallel_loop3A_750 = arith.constant 16 : index
          %parallel_loop3A_751 = tpu.vector_load %arg8[%parallel_loop3A_749, %parallel_loop3A_750] {strides = array<i32>} : memref<1024x32xf32, #tpu.memory_space<vmem>>, vector<16xf32>,
          %parallel_loop3A_752 = arith.addf %parallel_loop3A_751, %get3A_728 : vector<16xf32>
          tpu.vector_store_idx %arg10[%add3A_736, %parallel_loop3A_743], %parallel_loop3A_752 : memref<32x1024xf32, #tpu.memory_space<vmem>>[vector<16xi32>, vector<16xi32>], vector<16xf32>,
          %parallel_loop3A_753 = arith.constant 1 : i32
          %parallel_loop3A_754 = vector.broadcast %parallel_loop3A_753 : i32 to vector<16xi32>
          %parallel_loop3A_755 = arith.addi %parallel_loop3A_743, %parallel_loop3A_754 : vector<16xi32>
          scf.yield %parallel_loop3A_755 : vector<16xi32>
        } {sc.loop_unroll_factor = 16 : i64, sc.parallel_access}
      }
      %scan3A_711 = arith.constant 8 : i32
      %dma_start3A_712 = arith.constant 0 : i32
      %dma_start3A_713 = arith.constant 0 : i32
      %dma_start3A_714 = tpu.memref_slice %arg5[%add3A_587, %dma_start3A_712, %add3A, %dma_start3A_713] : memref<25x32x32x1024xf32, #tpu.memory_space<hbm>> -> memref<1x32x1x1024xf32, #tpu.memory_space<hbm>>
      %dma_start3A_715 = tpu.memref_squeeze %dma_start3A_714 : memref<1x32x1x1024xf32, #tpu.memory_space<hbm>> -> memref<32x1024xf32, #tpu.memory_space<hbm>>
      %dma_start3A_716 = arith.constant 0 : i32
      %dma_start3A_717 = arith.constant 0 : i32
      %dma_start3A_718 = tpu.memref_slice %arg5[%add3A_587, %dma_start3A_716, %add3A, %dma_start3A_717] : memref<25x32x32x1024xf32, #tpu.memory_space<hbm>> -> memref<1x32x1x1024xf32, #tpu.memory_space<hbm>>
      %dma_start3A_719 = tpu.memref_squeeze %dma_start3A_718 : memref<1x32x1x1024xf32, #tpu.memory_space<hbm>> -> memref<32x1024xf32, #tpu.memory_space<hbm>>
      tpu.enqueue_dma source(%arg10 : memref<32x1024xf32, #tpu.memory_space<vmem>>) target(%dma_start3A_719 : memref<32x1024xf32, #tpu.memory_space<hbm>>) target_semaphore(%arg16 : memref<!tpu.dma_semaphore, #tpu.memory_space<semaphore_mem>>)
    }
    %scan3A_284 = arith.constant 11 : i32
    %dma_wait3A_285 = arith.constant 0 : i32
    %dma_wait3A_286 = arith.constant 0 : i32
    %dma_wait3A_287 = arith.constant 0 : i32
    %dma_wait3A_288 = arith.constant 0 : i32
    %dma_wait3A_289 = tpu.memref_slice %arg2[%dma_wait3A_285, %dma_wait3A_286, %dma_wait3A_287, %dma_wait3A_288] : memref<25x32x8x128xi32, #tpu.memory_space<hbm>> -> memref<1x1x8x128xi32, #tpu.memory_space<hbm>>
    %dma_wait3A_290 = tpu.memref_squeeze %dma_wait3A_289 : memref<1x1x8x128xi32, #tpu.memory_space<hbm>> -> memref<8x128xi32, #tpu.memory_space<hbm>>
    %dma_wait3A_291 = arith.constant 0 : i32
    %dma_wait3A_292 = arith.constant 0 : i32
    %dma_wait3A_293 = tpu.memref_slice %arg2[%dma_wait3A_285, %dma_wait3A_286, %dma_wait3A_291, %dma_wait3A_292] : memref<25x32x8x128xi32, #tpu.memory_space<hbm>> -> memref<1x1x8x128xi32, #tpu.memory_space<hbm>>
    %dma_wait3A_294 = tpu.memref_squeeze %dma_wait3A_293 : memref<1x1x8x128xi32, #tpu.memory_space<hbm>> -> memref<8x128xi32, #tpu.memory_space<hbm>>
    tpu.wait_dma2 semaphore(%arg12 : memref<!tpu.dma_semaphore, #tpu.memory_space<semaphore_mem>>) src(%dma_wait3A_294 : memref<8x128xi32, #tpu.memory_space<hbm>>) dst(%arg6 : memref<8x128xi32, #tpu.memory_space<vmem>>)
    %dma_start3A_295 = arith.constant 0 : i32
    %dma_start3A_296 = arith.constant 0 : i32
    %dma_start3A_297 = arith.constant 0 : i32
    %dma_start3A_298 = tpu.memref_slice %arg8[%dma_start3A_296, %dma_start3A_297] : memref<1024x32xf32, #tpu.memory_space<vmem>> -> memref<128x32xf32, #tpu.memory_space<vmem>>
    %dma_start3A_299 = arith.constant 0 : i32
    %dma_start3A_300 = tpu.memref_slice %arg6[%dma_start3A_295, %dma_start3A_299] : memref<8x128xi32, #tpu.memory_space<vmem>> -> memref<1x128xi32, #tpu.memory_space<vmem>>
    %dma_start3A_301 = tpu.memref_squeeze %dma_start3A_300 : memref<1x128xi32, #tpu.memory_space<vmem>> -> memref<128xi32, #tpu.memory_space<vmem>>
    %dma_start3A_302 = arith.constant 0 : i32
    %dma_start3A_303 = arith.constant 0 : i32
    %dma_start3A_304 = tpu.memref_slice %arg3[%dma_start3A_302, %dma_start3A_303] : memref<1000000x32xf32, #tpu.memory_space<hbm>> -> memref<1000000x32xf32, #tpu.memory_space<hbm>>
    tpu.enqueue_indirect_dma source(%dma_start3A_304 : memref<1000000x32xf32, #tpu.memory_space<hbm>>) target(%dma_start3A_298 : memref<128x32xf32, #tpu.memory_space<vmem>>) offsets(%dma_start3A_301 : memref<128xi32, #tpu.memory_space<vmem>>) semaphore(%arg14 : memref<!tpu.dma_semaphore, #tpu.memory_space<semaphore_mem>>)
    %dma_start3A_305 = arith.constant 1 : i32
    %dma_start3A_306 = arith.constant 128 : i32
    %dma_start3A_307 = arith.constant 0 : i32
    %dma_start3A_308 = tpu.memref_slice %arg8[%dma_start3A_306, %dma_start3A_307] : memref<1024x32xf32, #tpu.memory_space<vmem>> -> memref<128x32xf32, #tpu.memory_space<vmem>>
    %dma_start3A_309 = arith.constant 0 : i32
    %dma_start3A_310 = tpu.memref_slice %arg6[%dma_start3A_305, %dma_start3A_309] : memref<8x128xi32, #tpu.memory_space<vmem>> -> memref<1x128xi32, #tpu.memory_space<vmem>>
    %dma_start3A_311 = tpu.memref_squeeze %dma_start3A_310 : memref<1x128xi32, #tpu.memory_space<vmem>> -> memref<128xi32, #tpu.memory_space<vmem>>
    %dma_start3A_312 = arith.constant 0 : i32
    %dma_start3A_313 = arith.constant 0 : i32
    %dma_start3A_314 = tpu.memref_slice %arg3[%dma_start3A_312, %dma_start3A_313] : memref<1000000x32xf32, #tpu.memory_space<hbm>> -> memref<1000000x32xf32, #tpu.memory_space<hbm>>
    tpu.enqueue_indirect_dma source(%dma_start3A_314 : memref<1000000x32xf32, #tpu.memory_space<hbm>>) target(%dma_start3A_308 : memref<128x32xf32, #tpu.memory_space<vmem>>) offsets(%dma_start3A_311 : memref<128xi32, #tpu.memory_space<vmem>>) semaphore(%arg14 : memref<!tpu.dma_semaphore, #tpu.memory_space<semaphore_mem>>)
    %dma_start3A_315 = arith.constant 2 : i32
    %dma_start3A_316 = arith.constant 256 : i32
    %dma_start3A_317 = arith.constant 0 : i32
    %dma_start3A_318 = tpu.memref_slice %arg8[%dma_start3A_316, %dma_start3A_317] : memref<1024x32xf32, #tpu.memory_space<vmem>> -> memref<128x32xf32, #tpu.memory_space<vmem>>
    %dma_start3A_319 = arith.constant 0 : i32
    %dma_start3A_320 = tpu.memref_slice %arg6[%dma_start3A_315, %dma_start3A_319] : memref<8x128xi32, #tpu.memory_space<vmem>> -> memref<1x128xi32, #tpu.memory_space<vmem>>
    %dma_start3A_321 = tpu.memref_squeeze %dma_start3A_320 : memref<1x128xi32, #tpu.memory_space<vmem>> -> memref<128xi32, #tpu.memory_space<vmem>>
    %dma_start3A_322 = arith.constant 0 : i32
    %dma_start3A_323 = arith.constant 0 : i32
    %dma_start3A_324 = tpu.memref_slice %arg3[%dma_start3A_322, %dma_start3A_323] : memref<1000000x32xf32, #tpu.memory_space<hbm>> -> memref<1000000x32xf32, #tpu.memory_space<hbm>>
    tpu.enqueue_indirect_dma source(%dma_start3A_324 : memref<1000000x32xf32, #tpu.memory_space<hbm>>) target(%dma_start3A_318 : memref<128x32xf32, #tpu.memory_space<vmem>>) offsets(%dma_start3A_321 : memref<128xi32, #tpu.memory_space<vmem>>) semaphore(%arg14 : memref<!tpu.dma_semaphore, #tpu.memory_space<semaphore_mem>>)
    %dma_start3A_325 = arith.constant 3 : i32
    %dma_start3A_326 = arith.constant 384 : i32
    %dma_start3A_327 = arith.constant 0 : i32
    %dma_start3A_328 = tpu.memref_slice %arg8[%dma_start3A_326, %dma_start3A_327] : memref<1024x32xf32, #tpu.memory_space<vmem>> -> memref<128x32xf32, #tpu.memory_space<vmem>>
    %dma_start3A_329 = arith.constant 0 : i32
    %dma_start3A_330 = tpu.memref_slice %arg6[%dma_start3A_325, %dma_start3A_329] : memref<8x128xi32, #tpu.memory_space<vmem>> -> memref<1x128xi32, #tpu.memory_space<vmem>>
    %dma_start3A_331 = tpu.memref_squeeze %dma_start3A_330 : memref<1x128xi32, #tpu.memory_space<vmem>> -> memref<128xi32, #tpu.memory_space<vmem>>
    %dma_start3A_332 = arith.constant 0 : i32
    %dma_start3A_333 = arith.constant 0 : i32
    %dma_start3A_334 = tpu.memref_slice %arg3[%dma_start3A_332, %dma_start3A_333] : memref<1000000x32xf32, #tpu.memory_space<hbm>> -> memref<1000000x32xf32, #tpu.memory_space<hbm>>
    tpu.enqueue_indirect_dma source(%dma_start3A_334 : memref<1000000x32xf32, #tpu.memory_space<hbm>>) target(%dma_start3A_328 : memref<128x32xf32, #tpu.memory_space<vmem>>) offsets(%dma_start3A_331 : memref<128xi32, #tpu.memory_space<vmem>>) semaphore(%arg14 : memref<!tpu.dma_semaphore, #tpu.memory_space<semaphore_mem>>)
    %dma_start3A_335 = arith.constant 4 : i32
    %dma_start3A_336 = arith.constant 512 : i32
    %dma_start3A_337 = arith.constant 0 : i32
    %dma_start3A_338 = tpu.memref_slice %arg8[%dma_start3A_336, %dma_start3A_337] : memref<1024x32xf32, #tpu.memory_space<vmem>> -> memref<128x32xf32, #tpu.memory_space<vmem>>
    %dma_start3A_339 = arith.constant 0 : i32
    %dma_start3A_340 = tpu.memref_slice %arg6[%dma_start3A_335, %dma_start3A_339] : memref<8x128xi32, #tpu.memory_space<vmem>> -> memref<1x128xi32, #tpu.memory_space<vmem>>
    %dma_start3A_341 = tpu.memref_squeeze %dma_start3A_340 : memref<1x128xi32, #tpu.memory_space<vmem>> -> memref<128xi32, #tpu.memory_space<vmem>>
    %dma_start3A_342 = arith.constant 0 : i32
    %dma_start3A_343 = arith.constant 0 : i32
    %dma_start3A_344 = tpu.memref_slice %arg3[%dma_start3A_342, %dma_start3A_343] : memref<1000000x32xf32, #tpu.memory_space<hbm>> -> memref<1000000x32xf32, #tpu.memory_space<hbm>>
    tpu.enqueue_indirect_dma source(%dma_start3A_344 : memref<1000000x32xf32, #tpu.memory_space<hbm>>) target(%dma_start3A_338 : memref<128x32xf32, #tpu.memory_space<vmem>>) offsets(%dma_start3A_341 : memref<128xi32, #tpu.memory_space<vmem>>) semaphore(%arg14 : memref<!tpu.dma_semaphore, #tpu.memory_space<semaphore_mem>>)
    %dma_start3A_345 = arith.constant 5 : i32
    %dma_start3A_346 = arith.constant 640 : i32
    %dma_start3A_347 = arith.constant 0 : i32
    %dma_start3A_348 = tpu.memref_slice %arg8[%dma_start3A_346, %dma_start3A_347] : memref<1024x32xf32, #tpu.memory_space<vmem>> -> memref<128x32xf32, #tpu.memory_space<vmem>>
    %dma_start3A_349 = arith.constant 0 : i32
    %dma_start3A_350 = tpu.memref_slice %arg6[%dma_start3A_345, %dma_start3A_349] : memref<8x128xi32, #tpu.memory_space<vmem>> -> memref<1x128xi32, #tpu.memory_space<vmem>>
    %dma_start3A_351 = tpu.memref_squeeze %dma_start3A_350 : memref<1x128xi32, #tpu.memory_space<vmem>> -> memref<128xi32, #tpu.memory_space<vmem>>
    %dma_start3A_352 = arith.constant 0 : i32
    %dma_start3A_353 = arith.constant 0 : i32
    %dma_start3A_354 = tpu.memref_slice %arg3[%dma_start3A_352, %dma_start3A_353] : memref<1000000x32xf32, #tpu.memory_space<hbm>> -> memref<1000000x32xf32, #tpu.memory_space<hbm>>
    tpu.enqueue_indirect_dma source(%dma_start3A_354 : memref<1000000x32xf32, #tpu.memory_space<hbm>>) target(%dma_start3A_348 : memref<128x32xf32, #tpu.memory_space<vmem>>) offsets(%dma_start3A_351 : memref<128xi32, #tpu.memory_space<vmem>>) semaphore(%arg14 : memref<!tpu.dma_semaphore, #tpu.memory_space<semaphore_mem>>)
    %dma_start3A_355 = arith.constant 6 : i32
    %dma_start3A_356 = arith.constant 768 : i32
    %dma_start3A_357 = arith.constant 0 : i32
    %dma_start3A_358 = tpu.memref_slice %arg8[%dma_start3A_356, %dma_start3A_357] : memref<1024x32xf32, #tpu.memory_space<vmem>> -> memref<128x32xf32, #tpu.memory_space<vmem>>
    %dma_start3A_359 = arith.constant 0 : i32
    %dma_start3A_360 = tpu.memref_slice %arg6[%dma_start3A_355, %dma_start3A_359] : memref<8x128xi32, #tpu.memory_space<vmem>> -> memref<1x128xi32, #tpu.memory_space<vmem>>
    %dma_start3A_361 = tpu.memref_squeeze %dma_start3A_360 : memref<1x128xi32, #tpu.memory_space<vmem>> -> memref<128xi32, #tpu.memory_space<vmem>>
    %dma_start3A_362 = arith.constant 0 : i32
    %dma_start3A_363 = arith.constant 0 : i32
    %dma_start3A_364 = tpu.memref_slice %arg3[%dma_start3A_362, %dma_start3A_363] : memref<1000000x32xf32, #tpu.memory_space<hbm>> -> memref<1000000x32xf32, #tpu.memory_space<hbm>>
    tpu.enqueue_indirect_dma source(%dma_start3A_364 : memref<1000000x32xf32, #tpu.memory_space<hbm>>) target(%dma_start3A_358 : memref<128x32xf32, #tpu.memory_space<vmem>>) offsets(%dma_start3A_361 : memref<128xi32, #tpu.memory_space<vmem>>) semaphore(%arg14 : memref<!tpu.dma_semaphore, #tpu.memory_space<semaphore_mem>>)
    %dma_start3A_365 = arith.constant 7 : i32
    %dma_start3A_366 = arith.constant 896 : i32
    %dma_start3A_367 = arith.constant 0 : i32
    %dma_start3A_368 = tpu.memref_slice %arg8[%dma_start3A_366, %dma_start3A_367] : memref<1024x32xf32, #tpu.memory_space<vmem>> -> memref<128x32xf32, #tpu.memory_space<vmem>>
    %dma_start3A_369 = arith.constant 0 : i32
    %dma_start3A_370 = tpu.memref_slice %arg6[%dma_start3A_365, %dma_start3A_369] : memref<8x128xi32, #tpu.memory_space<vmem>> -> memref<1x128xi32, #tpu.memory_space<vmem>>
    %dma_start3A_371 = tpu.memref_squeeze %dma_start3A_370 : memref<1x128xi32, #tpu.memory_space<vmem>> -> memref<128xi32, #tpu.memory_space<vmem>>
    %dma_start3A_372 = arith.constant 0 : i32
    %dma_start3A_373 = arith.constant 0 : i32
    %dma_start3A_374 = tpu.memref_slice %arg3[%dma_start3A_372, %dma_start3A_373] : memref<1000000x32xf32, #tpu.memory_space<hbm>> -> memref<1000000x32xf32, #tpu.memory_space<hbm>>
    tpu.enqueue_indirect_dma source(%dma_start3A_374 : memref<1000000x32xf32, #tpu.memory_space<hbm>>) target(%dma_start3A_368 : memref<128x32xf32, #tpu.memory_space<vmem>>) offsets(%dma_start3A_371 : memref<128xi32, #tpu.memory_space<vmem>>) semaphore(%arg14 : memref<!tpu.dma_semaphore, #tpu.memory_space<semaphore_mem>>)
    %dma_wait3A_375 = arith.constant 0 : i32
    %dma_wait3A_376 = arith.constant 0 : i32
    %dma_wait3A_377 = tpu.memref_slice %arg3[%dma_wait3A_375, %dma_wait3A_376] : memref<1000000x32xf32, #tpu.memory_space<hbm>> -> memref<1024x32xf32, #tpu.memory_space<hbm>>
    %dma_wait3A_378 = arith.constant 0 : i32
    %dma_wait3A_379 = arith.constant 0 : i32
    %dma_wait3A_380 = tpu.memref_slice %arg3[%dma_wait3A_378, %dma_wait3A_379] : memref<1000000x32xf32, #tpu.memory_space<hbm>> -> memref<1024x32xf32, #tpu.memory_space<hbm>>
    tpu.wait_dma2 semaphore(%arg15 : memref<!tpu.dma_semaphore, #tpu.memory_space<semaphore_mem>>) src(%dma_wait3A_380 : memref<1024x32xf32, #tpu.memory_space<hbm>>) dst(%arg9 : memref<1024x32xf32, #tpu.memory_space<vmem>>)
    %dma_wait3A_381 = arith.constant 0 : i32
    %dma_wait3A_382 = arith.constant 0 : i32
    %dma_wait3A_383 = arith.constant 0 : i32
    %dma_wait3A_384 = arith.constant 0 : i32
    %dma_wait3A_385 = tpu.memref_slice %arg5[%dma_wait3A_381, %dma_wait3A_383, %dma_wait3A_382, %dma_wait3A_384] : memref<25x32x32x1024xf32, #tpu.memory_space<hbm>> -> memref<1x32x1x1024xf32, #tpu.memory_space<hbm>>
    %dma_wait3A_386 = tpu.memref_squeeze %dma_wait3A_385 : memref<1x32x1x1024xf32, #tpu.memory_space<hbm>> -> memref<32x1024xf32, #tpu.memory_space<hbm>>
    %dma_wait3A_387 = arith.constant 0 : i32
    %dma_wait3A_388 = arith.constant 0 : i32
    %dma_wait3A_389 = tpu.memref_slice %arg5[%dma_wait3A_381, %dma_wait3A_387, %dma_wait3A_382, %dma_wait3A_388] : memref<25x32x32x1024xf32, #tpu.memory_space<hbm>> -> memref<1x32x1x1024xf32, #tpu.memory_space<hbm>>
    %dma_wait3A_390 = tpu.memref_squeeze %dma_wait3A_389 : memref<1x32x1x1024xf32, #tpu.memory_space<hbm>> -> memref<32x1024xf32, #tpu.memory_space<hbm>>
    tpu.wait_dma2 semaphore(%arg16 : memref<!tpu.dma_semaphore, #tpu.memory_space<semaphore_mem>>) src(%arg10 : memref<32x1024xf32, #tpu.memory_space<vmem>>) dst(%dma_wait3A_390 : memref<32x1024xf32, #tpu.memory_space<hbm>>)
    %scan3A_391 = arith.constant 0 : i32
    %scan3A_392 = arith.constant 0 : i32
    %scan3A_393 = arith.constant 8 : i32
    %scan3A_394 = arith.addi %scan3A_392, %scan3A_393 : i32
    %scan3A_395 = arith.constant 1 : i32
    scf.for %scan3A_447 = %scan3A_392 to %scan3A_394 step %scan3A_395  : i32 {
      %add3A_448 = arith.constant 184 : i32
      %add3A_449 = arith.addi %add3A_448, %scan3A_447 : i32
      %get3A = arith.index_cast %add3A_449 : i32 to index
      %get3A_450 = arith.constant 0 : index
      %get3A_451 = tpu.vector_load %arg11[%get3A, %get3A_450] {strides = array<i32>} : memref<200x32xf32, #tpu.memory_space<vmem>>, vector<16xf32>,
      %get3A_452 = arith.index_cast %add3A_449 : i32 to index
      %get3A_453 = arith.constant 16 : index
      %get3A_454 = tpu.vector_load %arg11[%get3A_452, %get3A_453] {strides = array<i32>} : memref<200x32xf32, #tpu.memory_space<vmem>>, vector<16xf32>,
      %mul3A_455 = arith.constant 4 : i32
      %mul3A_456 = arith.muli %scan3A_447, %mul3A_455 : i32
      %add3A_457 = vector.broadcast %mul3A_456 : i32 to vector<16xi32>
      %add3A_458 = arith.addi %select_n3A, %add3A_457 : vector<16xi32>
      %mul3A_459 = arith.constant 4 : i32
      %mul3A_460 = arith.muli %scan3A_447, %mul3A_459 : i32
      %add3A_461 = vector.broadcast %mul3A_460 : i32 to vector<16xi32>
      %add3A_462 = arith.addi %add3A_26, %add3A_461 : vector<16xi32>
      %mul3A_463 = arith.constant 128 : i32
      %mul3A_464 = arith.muli %scan3A_447, %mul3A_463 : i32
      %parallel_loop3A = arith.constant 0 : i32
      %parallel_loop3A_465 = arith.constant 128 : i32
      %parallel_loop3A_466 = arith.constant 1 : i32
      %parallel_loop3A_467 = scf.for %parallel_loop3A_468 = %parallel_loop3A to %parallel_loop3A_465 step %parallel_loop3A_466 iter_args(%parallel_loop3A_469 = %mul3A_49) -> (vector<16xi32>)  : i32 {
        %parallel_loop3A_470 = arith.addi %mul3A_464, %parallel_loop3A_468 : i32
        %parallel_loop3A_471 = arith.index_cast %parallel_loop3A_470 : i32 to index
        %parallel_loop3A_472 = arith.constant 0 : index
        %parallel_loop3A_473 = tpu.vector_load %arg9[%parallel_loop3A_471, %parallel_loop3A_472] {strides = array<i32>} : memref<1024x32xf32, #tpu.memory_space<vmem>>, vector<16xf32>,
        %parallel_loop3A_474 = arith.addf %parallel_loop3A_473, %get3A_451 : vector<16xf32>
        tpu.vector_store_idx %arg10[%add3A_458, %parallel_loop3A_469], %parallel_loop3A_474 : memref<32x1024xf32, #tpu.memory_space<vmem>>[vector<16xi32>, vector<16xi32>], vector<16xf32>,
        %parallel_loop3A_475 = arith.index_cast %parallel_loop3A_470 : i32 to index
        %parallel_loop3A_476 = arith.constant 16 : index
        %parallel_loop3A_477 = tpu.vector_load %arg9[%parallel_loop3A_475, %parallel_loop3A_476] {strides = array<i32>} : memref<1024x32xf32, #tpu.memory_space<vmem>>, vector<16xf32>,
        %parallel_loop3A_478 = arith.addf %parallel_loop3A_477, %get3A_454 : vector<16xf32>
        tpu.vector_store_idx %arg10[%add3A_462, %parallel_loop3A_469], %parallel_loop3A_478 : memref<32x1024xf32, #tpu.memory_space<vmem>>[vector<16xi32>, vector<16xi32>], vector<16xf32>,
        %parallel_loop3A_479 = arith.constant 1 : i32
        %parallel_loop3A_480 = vector.broadcast %parallel_loop3A_479 : i32 to vector<16xi32>
        %parallel_loop3A_481 = arith.addi %parallel_loop3A_469, %parallel_loop3A_480 : vector<16xi32>
        scf.yield %parallel_loop3A_481 : vector<16xi32>
      } {sc.loop_unroll_factor = 16 : i64, sc.parallel_access}
    }
    %scan3A_396 = arith.constant 8 : i32
    %dma_start3A_397 = arith.constant 23 : i32
    %dma_start3A_398 = arith.constant 0 : i32
    %dma_start3A_399 = arith.constant 0 : i32
    %dma_start3A_400 = tpu.memref_slice %arg5[%dma_start3A_397, %dma_start3A_398, %add3A, %dma_start3A_399] : memref<25x32x32x1024xf32, #tpu.memory_space<hbm>> -> memref<1x32x1x1024xf32, #tpu.memory_space<hbm>>
    %dma_start3A_401 = tpu.memref_squeeze %dma_start3A_400 : memref<1x32x1x1024xf32, #tpu.memory_space<hbm>> -> memref<32x1024xf32, #tpu.memory_space<hbm>>
    %dma_start3A_402 = arith.constant 0 : i32
    %dma_start3A_403 = arith.constant 0 : i32
    %dma_start3A_404 = tpu.memref_slice %arg5[%dma_start3A_397, %dma_start3A_402, %add3A, %dma_start3A_403] : memref<25x32x32x1024xf32, #tpu.memory_space<hbm>> -> memref<1x32x1x1024xf32, #tpu.memory_space<hbm>>
    %dma_start3A_405 = tpu.memref_squeeze %dma_start3A_404 : memref<1x32x1x1024xf32, #tpu.memory_space<hbm>> -> memref<32x1024xf32, #tpu.memory_space<hbm>>
    tpu.enqueue_dma source(%arg10 : memref<32x1024xf32, #tpu.memory_space<vmem>>) target(%dma_start3A_405 : memref<32x1024xf32, #tpu.memory_space<hbm>>) target_semaphore(%arg16 : memref<!tpu.dma_semaphore, #tpu.memory_space<semaphore_mem>>)
    %dma_wait3A_406 = arith.constant 0 : i32
    %dma_wait3A_407 = arith.constant 0 : i32
    %dma_wait3A_408 = tpu.memref_slice %arg3[%dma_wait3A_406, %dma_wait3A_407] : memref<1000000x32xf32, #tpu.memory_space<hbm>> -> memref<1024x32xf32, #tpu.memory_space<hbm>>
    %dma_wait3A_409 = arith.constant 0 : i32
    %dma_wait3A_410 = arith.constant 0 : i32
    %dma_wait3A_411 = tpu.memref_slice %arg3[%dma_wait3A_409, %dma_wait3A_410] : memref<1000000x32xf32, #tpu.memory_space<hbm>> -> memref<1024x32xf32, #tpu.memory_space<hbm>>
    tpu.wait_dma2 semaphore(%arg14 : memref<!tpu.dma_semaphore, #tpu.memory_space<semaphore_mem>>) src(%dma_wait3A_411 : memref<1024x32xf32, #tpu.memory_space<hbm>>) dst(%arg8 : memref<1024x32xf32, #tpu.memory_space<vmem>>)
    %dma_wait3A_412 = arith.constant 0 : i32
    %dma_wait3A_413 = arith.constant 0 : i32
    %dma_wait3A_414 = arith.constant 0 : i32
    %dma_wait3A_415 = arith.constant 0 : i32
    %dma_wait3A_416 = tpu.memref_slice %arg5[%dma_wait3A_412, %dma_wait3A_414, %dma_wait3A_413, %dma_wait3A_415] : memref<25x32x32x1024xf32, #tpu.memory_space<hbm>> -> memref<1x32x1x1024xf32, #tpu.memory_space<hbm>>
    %dma_wait3A_417 = tpu.memref_squeeze %dma_wait3A_416 : memref<1x32x1x1024xf32, #tpu.memory_space<hbm>> -> memref<32x1024xf32, #tpu.memory_space<hbm>>
    %dma_wait3A_418 = arith.constant 0 : i32
    %dma_wait3A_419 = arith.constant 0 : i32
    %dma_wait3A_420 = tpu.memref_slice %arg5[%dma_wait3A_412, %dma_wait3A_418, %dma_wait3A_413, %dma_wait3A_419] : memref<25x32x32x1024xf32, #tpu.memory_space<hbm>> -> memref<1x32x1x1024xf32, #tpu.memory_space<hbm>>
    %dma_wait3A_421 = tpu.memref_squeeze %dma_wait3A_420 : memref<1x32x1x1024xf32, #tpu.memory_space<hbm>> -> memref<32x1024xf32, #tpu.memory_space<hbm>>
    tpu.wait_dma2 semaphore(%arg16 : memref<!tpu.dma_semaphore, #tpu.memory_space<semaphore_mem>>) src(%arg10 : memref<32x1024xf32, #tpu.memory_space<vmem>>) dst(%dma_wait3A_421 : memref<32x1024xf32, #tpu.memory_space<hbm>>)
    %scan3A_422 = arith.constant 0 : i32
    %scan3A_423 = arith.constant 0 : i32
    %scan3A_424 = arith.constant 8 : i32
    %scan3A_425 = arith.addi %scan3A_423, %scan3A_424 : i32
    %scan3A_426 = arith.constant 1 : i32
    scf.for %scan3A_447 = %scan3A_423 to %scan3A_425 step %scan3A_426  : i32 {
      %add3A_448 = arith.constant 192 : i32
      %add3A_449 = arith.addi %add3A_448, %scan3A_447 : i32
      %get3A = arith.index_cast %add3A_449 : i32 to index
      %get3A_450 = arith.constant 0 : index
      %get3A_451 = tpu.vector_load %arg11[%get3A, %get3A_450] {strides = array<i32>} : memref<200x32xf32, #tpu.memory_space<vmem>>, vector<16xf32>,
      %get3A_452 = arith.index_cast %add3A_449 : i32 to index
      %get3A_453 = arith.constant 16 : index
      %get3A_454 = tpu.vector_load %arg11[%get3A_452, %get3A_453] {strides = array<i32>} : memref<200x32xf32, #tpu.memory_space<vmem>>, vector<16xf32>,
      %mul3A_455 = arith.constant 4 : i32
      %mul3A_456 = arith.muli %scan3A_447, %mul3A_455 : i32
      %add3A_457 = vector.broadcast %mul3A_456 : i32 to vector<16xi32>
      %add3A_458 = arith.addi %select_n3A, %add3A_457 : vector<16xi32>
      %mul3A_459 = arith.constant 4 : i32
      %mul3A_460 = arith.muli %scan3A_447, %mul3A_459 : i32
      %add3A_461 = vector.broadcast %mul3A_460 : i32 to vector<16xi32>
      %add3A_462 = arith.addi %add3A_26, %add3A_461 : vector<16xi32>
      %mul3A_463 = arith.constant 128 : i32
      %mul3A_464 = arith.muli %scan3A_447, %mul3A_463 : i32
      %parallel_loop3A = arith.constant 0 : i32
      %parallel_loop3A_465 = arith.constant 128 : i32
      %parallel_loop3A_466 = arith.constant 1 : i32
      %parallel_loop3A_467 = scf.for %parallel_loop3A_468 = %parallel_loop3A to %parallel_loop3A_465 step %parallel_loop3A_466 iter_args(%parallel_loop3A_469 = %mul3A_49) -> (vector<16xi32>)  : i32 {
        %parallel_loop3A_470 = arith.addi %mul3A_464, %parallel_loop3A_468 : i32
        %parallel_loop3A_471 = arith.index_cast %parallel_loop3A_470 : i32 to index
        %parallel_loop3A_472 = arith.constant 0 : index
        %parallel_loop3A_473 = tpu.vector_load %arg8[%parallel_loop3A_471, %parallel_loop3A_472] {strides = array<i32>} : memref<1024x32xf32, #tpu.memory_space<vmem>>, vector<16xf32>,
        %parallel_loop3A_474 = arith.addf %parallel_loop3A_473, %get3A_451 : vector<16xf32>
        tpu.vector_store_idx %arg10[%add3A_458, %parallel_loop3A_469], %parallel_loop3A_474 : memref<32x1024xf32, #tpu.memory_space<vmem>>[vector<16xi32>, vector<16xi32>], vector<16xf32>,
        %parallel_loop3A_475 = arith.index_cast %parallel_loop3A_470 : i32 to index
        %parallel_loop3A_476 = arith.constant 16 : index
        %parallel_loop3A_477 = tpu.vector_load %arg8[%parallel_loop3A_475, %parallel_loop3A_476] {strides = array<i32>} : memref<1024x32xf32, #tpu.memory_space<vmem>>, vector<16xf32>,
        %parallel_loop3A_478 = arith.addf %parallel_loop3A_477, %get3A_454 : vector<16xf32>
        tpu.vector_store_idx %arg10[%add3A_462, %parallel_loop3A_469], %parallel_loop3A_478 : memref<32x1024xf32, #tpu.memory_space<vmem>>[vector<16xi32>, vector<16xi32>], vector<16xf32>,
        %parallel_loop3A_479 = arith.constant 1 : i32
        %parallel_loop3A_480 = vector.broadcast %parallel_loop3A_479 : i32 to vector<16xi32>
        %parallel_loop3A_481 = arith.addi %parallel_loop3A_469, %parallel_loop3A_480 : vector<16xi32>
        scf.yield %parallel_loop3A_481 : vector<16xi32>
      } {sc.loop_unroll_factor = 16 : i64, sc.parallel_access}
    }
    %scan3A_427 = arith.constant 8 : i32
    %dma_start3A_428 = arith.constant 24 : i32
    %dma_start3A_429 = arith.constant 0 : i32
    %dma_start3A_430 = arith.constant 0 : i32
    %dma_start3A_431 = tpu.memref_slice %arg5[%dma_start3A_428, %dma_start3A_429, %add3A, %dma_start3A_430] : memref<25x32x32x1024xf32, #tpu.memory_space<hbm>> -> memref<1x32x1x1024xf32, #tpu.memory_space<hbm>>
    %dma_start3A_432 = tpu.memref_squeeze %dma_start3A_431 : memref<1x32x1x1024xf32, #tpu.memory_space<hbm>> -> memref<32x1024xf32, #tpu.memory_space<hbm>>
    %dma_start3A_433 = arith.constant 0 : i32
    %dma_start3A_434 = arith.constant 0 : i32
    %dma_start3A_435 = tpu.memref_slice %arg5[%dma_start3A_428, %dma_start3A_433, %add3A, %dma_start3A_434] : memref<25x32x32x1024xf32, #tpu.memory_space<hbm>> -> memref<1x32x1x1024xf32, #tpu.memory_space<hbm>>
    %dma_start3A_436 = tpu.memref_squeeze %dma_start3A_435 : memref<1x32x1x1024xf32, #tpu.memory_space<hbm>> -> memref<32x1024xf32, #tpu.memory_space<hbm>>
    tpu.enqueue_dma source(%arg10 : memref<32x1024xf32, #tpu.memory_space<vmem>>) target(%dma_start3A_436 : memref<32x1024xf32, #tpu.memory_space<hbm>>) target_semaphore(%arg16 : memref<!tpu.dma_semaphore, #tpu.memory_space<semaphore_mem>>)
    %dma_wait3A_437 = arith.constant 0 : i32
    %dma_wait3A_438 = arith.constant 0 : i32
    %dma_wait3A_439 = arith.constant 0 : i32
    %dma_wait3A_440 = arith.constant 0 : i32
    %dma_wait3A_441 = tpu.memref_slice %arg5[%dma_wait3A_437, %dma_wait3A_439, %dma_wait3A_438, %dma_wait3A_440] : memref<25x32x32x1024xf32, #tpu.memory_space<hbm>> -> memref<1x32x1x1024xf32, #tpu.memory_space<hbm>>
    %dma_wait3A_442 = tpu.memref_squeeze %dma_wait3A_441 : memref<1x32x1x1024xf32, #tpu.memory_space<hbm>> -> memref<32x1024xf32, #tpu.memory_space<hbm>>
    %dma_wait3A_443 = arith.constant 0 : i32
    %dma_wait3A_444 = arith.constant 0 : i32
    %dma_wait3A_445 = tpu.memref_slice %arg5[%dma_wait3A_437, %dma_wait3A_443, %dma_wait3A_438, %dma_wait3A_444] : memref<25x32x32x1024xf32, #tpu.memory_space<hbm>> -> memref<1x32x1x1024xf32, #tpu.memory_space<hbm>>
    %dma_wait3A_446 = tpu.memref_squeeze %dma_wait3A_445 : memref<1x32x1x1024xf32, #tpu.memory_space<hbm>> -> memref<32x1024xf32, #tpu.memory_space<hbm>>
    tpu.wait_dma2 semaphore(%arg16 : memref<!tpu.dma_semaphore, #tpu.memory_space<semaphore_mem>>) src(%arg10 : memref<32x1024xf32, #tpu.memory_space<vmem>>) dst(%dma_wait3A_446 : memref<32x1024xf32, #tpu.memory_space<hbm>>)
    return
  }
}

</mosaic_0001>

<sc_bundles>
// kernel: _run.3.cloned.1.call-start
scs
__scs_entry_jumppad:
0x0: {  	(pc) =	sbr.rel $0x88, $3  }
0x1: {  	(tag) =	ssettag $0x0;
	lr =	simm.s32 $0x1  }
0x2: {  	[smem:$0x3F9E] =	sst lr;
	_ =	strace $0xD0000000  }
0x3: {  	_ = 	snop  }
0x4: {  	_ = 	snop  }
0x5: {  	_ = 	snop  }
0x6: {  	_ = 	snop  }
0x7: {  	_ = 	snop  }
__scs_overlays_trampoline_lowered:
0x8: {  	[smem:$0x3FAD] =	sst s0  }
0x9: {  	[smem:$0x3FAE] =	sst s1  }
0xa: {  	[smem:$0x3FAF] =	sst s2  }
0xb: {  	[smem:$0x3FB0] =	sst s3  }
0xc: {  	[smem:$0x3FB1] =	sst s4  }
0xd: {  	[smem:$0x3FB2] =	sst s5  }
0xe: {  	[smem:$0x3FB3] =	sst s6  }
0xf: {  	[smem:$0x3FB4] =	sst s7  }
0x10: {  	[smem:$0x3FB5] =	sst s8  }
0x11: {  	[smem:$0x3FB6] =	sst s9;
	s0 =	simm.s32 @!p0 $0x0  }
0x12: {  	s1 =	sld [smem:$0x3F9C];
	s0 =	simm.s32 @p0 $0x1  }
0x13: {  	[smem:$0x3FB7] =	sst s0;
	s0 =	simm.s32 @!p1 $0x0  }
0x14: {  	s2 =	sld [smem:$0x3F9B];
	s0 =	simm.s32 @p1 $0x1  }
0x15: {  	[smem:$0x3FB8] =	sst s0;
	s0 =	simm.s32 @!p2 $0x0  }
0x16: {  	s3 =	sld [smem:$0x3FDB];
	s0 =	simm.s32 @p2 $0x1  }
0x17: {  	s4 =	simm.s32 $0x1BF5;
	[smem:$0x3FBA] =	sst s0  }
0x18: {  	s0 =	sld [smem:$0x3F9D];
	_ =	swait.ge [sflag:s4], $0x0  }
0x19: {  	s7 =	sld [smem:$0x3F9E]  }
0x1a: {  	s8 =	sadd.s32 $0xFFFFE003, lr  }
0x1b: {  	s9 =	sadd.s32 $0xFFFFFEF7, lr;
	s5 =	simm.s32 $0xFFFFFFFF;
	p2 =	slt.u32 s8, $0xFFFFF086  }
0x1c: {  	p1 =	slt.u32 s9, $0xF7A;
	s5 =	simm.s32 @!p2 $0x0  }
0x1d: {  	s5 =	simm.s32 @p1 $0x1;
	p0 =	seq.s32 s7, s2  }
0x1e: {  	s7 =	smul.u32 @!p0 $0xF7A, s2;
	p2 =	seq.s32 @!p0 s5, $0x0  }
0x1f: {  	s9 =	smul.u32 $0xF7A, s1;
	s8 =	simm.s32 @!p0 $0x1BF5;
	p2 =	por !p2, p0  }
0x20: {  	[sflag:s8] =	ssyncset.s32 @!p0 $0xFFFFF086;
	s6 =	sadd.s32 @!p0 s3, s7;
	s7 =	simm.s32 @!p0 $0x108  }
0x21: {  	s3 =	sadd.s32 s3, s9;
	s6 =	sadd.s32 @!p0 $0x88, s6;
	s7 =	simm.s32 @p2 $0x1082  }
0x22: {  	[simem:s7], [sflag:s8] =	dma.local @!p0 [hbm:s6], $0xF7A  }
0x23: {  	s9 =	sor.u32 $0xD0000000, s2;
	s6 =	simm.s32 $0x108;
	_ =	swait.ge @!p0 [sflag:s8], $0x0  }
0x24: {  	s3 =	sadd.s32 $0x88, s3;
	s6 =	simm.s32 @!p1 $0x1082;
	[sflag:s4] =	ssyncset.s32 $0xFFFFF086  }
0x25: {  	[simem:s6], [sflag:s4] =	dma.local [hbm:s3], $0xF7A  }
0x26: {  	[smem:$0x3F9E] =	sst s1;
	(tag) =	ssettag s2;
	_ =	strace s9  }
0x27: {  	s1 =	sld [smem:$0x3FAE]  }
0x28: {  	s2 =	sld [smem:$0x3FAF]  }
0x29: {  	s4 =	sld [smem:$0x3FB1]  }
0x2a: {  	p0 =	seq.s32 s5, $0x0;
	s5 =	sld [smem:$0x3FB2]  }
0x2b: {  	s6 =	sld [smem:$0x3FB3]  }
0x2c: {  	s7 =	sld [smem:$0x3FB4]  }
0x2d: {  	s3 =	simm.s32 $0x108;
	s8 =	sld [smem:$0x3FB5]  }
0x2e: {  	s3 =	simm.s32 @!p0 $0x1082;
	s9 =	sld [smem:$0x3FB6]  }
0x2f: {  	lr =	sadd.s32 s0, s3;
	s0 =	sld [smem:$0x3FAD]  }
0x30: {  	s3 =	sld [smem:$0x3FB0]  }
0x31: {  	[smem:$0x3FB9] =	sst s10  }
0x32: {  	s10 =	sld [smem:$0x3FB7];
	_ =	sdelay $0x3  }
0x33: {  	p0 =	seq.s32 s10, $0x1;
	s10 =	sld [smem:$0x3FB9];
	_ =	sdelay $0x3  }
0x34: {  	[smem:$0x3FB9] =	sst s10  }
0x35: {  	s10 =	sld [smem:$0x3FB8];
	_ =	sdelay $0x3  }
0x36: {  	p1 =	seq.s32 s10, $0x1;
	s10 =	sld [smem:$0x3FB9];
	_ =	sdelay $0x3  }
0x37: {  	[smem:$0x3FB9] =	sst s10  }
0x38: {  	s10 =	sld [smem:$0x3FBA]  }
0x39: {  	_ = 	snop;
	(pc) =	sbr.ind lr, $3  }
0x3a: {  	_ = 	snop  }
0x3b: {  	_ = 	snop  }
0x3c: {  	p2 =	seq.s32 s10, $0x1;
	s10 =	sld [smem:$0x3FB9]  }
0x3d: {  	_ =	shalt  }
0x3e: {  	_ =	shalt  }
0x3f: {  	_ =	shalt  }
0x40: {  	_ =	shalt  }
0x41: {  	_ =	shalt  }
0x42: {  	_ =	shalt  }
0x43: {  	_ =	shalt  }
0x44: {  	_ =	shalt  }
0x45: {  	_ =	shalt  }
0x46: {  	_ =	shalt  }
0x47: {  	_ =	shalt  }
0x48: {  	_ =	shalt  }
0x49: {  	_ =	shalt  }
0x4a: {  	_ =	shalt  }
0x4b: {  	_ =	shalt  }
0x4c: {  	_ =	shalt  }
0x4d: {  	_ =	shalt  }
0x4e: {  	_ =	shalt  }
0x4f: {  	_ =	shalt  }
0x50: {  	_ =	shalt  }
0x51: {  	_ =	shalt  }
0x52: {  	_ =	shalt  }
0x53: {  	_ =	shalt  }
0x54: {  	_ =	shalt  }
0x55: {  	_ =	shalt  }
0x56: {  	_ =	shalt  }
0x57: {  	_ =	shalt  }
0x58: {  	_ =	shalt  }
0x59: {  	_ =	shalt  }
0x5a: {  	_ =	shalt  }
0x5b: {  	_ =	shalt  }
0x5c: {  	_ =	shalt  }
0x5d: {  	_ =	shalt  }
0x5e: {  	_ =	shalt  }
0x5f: {  	_ =	shalt  }
0x60: {  	_ =	shalt  }
0x61: {  	_ =	shalt  }
0x62: {  	_ =	shalt  }
0x63: {  	_ =	shalt  }
0x64: {  	_ =	shalt  }
0x65: {  	_ =	shalt  }
0x66: {  	_ =	shalt  }
0x67: {  	_ =	shalt  }
0x68: {  	_ =	shalt  }
0x69: {  	_ =	shalt  }
0x6a: {  	_ =	shalt  }
0x6b: {  	_ =	shalt  }
0x6c: {  	_ =	shalt  }
0x6d: {  	_ =	shalt  }
0x6e: {  	_ =	shalt  }
0x6f: {  	_ =	shalt  }
0x70: {  	_ =	shalt  }
0x71: {  	_ =	shalt  }
0x72: {  	_ =	shalt  }
0x73: {  	_ =	shalt  }
0x74: {  	_ =	shalt  }
0x75: {  	_ =	shalt  }
0x76: {  	_ =	shalt  }
0x77: {  	_ =	shalt  }
0x78: {  	_ =	shalt  }
0x79: {  	_ =	shalt  }
0x7a: {  	_ =	shalt  }
0x7b: {  	_ =	shalt  }
0x7c: {  	_ =	shalt  }
0x7d: {  	_ =	shalt  }
0x7e: {  	_ =	shalt  }
0x7f: {  	_ =	shalt  }
0x80: {  	_ =	shalt  }
0x81: {  	_ =	shalt  }
0x82: {  	_ =	shalt  }
0x83: {  	_ =	shalt  }
0x84: {  	_ =	shalt  }
0x85: {  	_ =	shalt  }
0x86: {  	_ =	shalt  }
0x87: {  	_ =	shalt  }
.Lfunc_end0:
.L_simem_size_0:
called_computation_lowered:
.L_overlay_start_0:
0x88: {  	s2 =	sld [smem:$0x3FD9]  }
0x89: {  	s3 =	sld [smem:$0x3FFE];
	_ =	sdelay $0x1  }
0x8a: {  	s1 =	srdreg.scid  }
0x8b: {  	s0 =	sand.u32 $0x1, s1  }
0x8c: {  	s17 =	sshll.u32 s0, $0xA;
	s2 =	sadd.s32 s3, s2  }
0x8d: {  	s2 =	sadd.s32 s2, s17  }
0x8e: {  	[smem:$0x3FC5] =	sst s2  }
0x8f: {  	_ = 	snop  }
0x90: {  	s2 =	sld [smem:$0x3FC9]  }
0x91: {  	s18 =	sld [smem:$0x3FD0];
	(tm) =	ssettm $0x1  }
0x92: {  	s4 =	sld [smem:$0x3FFB];
	_ =	sdelay $0x3  }
0x93: {  	_ =	strace s4  }
0x94: {  	s4 =	sld [smem:$0x3FFC];
	_ =	sdelay $0x3  }
0x95: {  	_ =	strace s4  }
0x96: {  	s4 =	sld [smem:$0x3FFD];
	_ =	sdelay $0x3  }
0x97: {  	_ =	strace s4  }
0x98: {  	_ =	strace $0x8FFFFFFF  }
0x99: {  	s19 =	sld [smem:$0x3FDB];
	_ =	sdelay $0x1  }
0x9a: {  	s5 =	simm.s32 $_scs_section_size  }
0x9b: {  	s6 =	simm.s32 $_size__tile_overlayer_lowered;
	s7 =	simm.s32 $_tile_overlayer_lowered  }
0x9c: {  	s22 =	simm.s32 $0x1BFF;
	s21 =	sshll.u32 s7, $0x1;
	s4 =	sadd.s32 s5, s19  }
0x9d: {  	s8 =	simm.s32 $0x0;
	s20 =	sshll.u32 s6, $0x1;
	s6 =	sadd.s32 s21, s4  }
0x9e: {  	[timem:s8], [sflag:s22] =	dma.local [hbm:s6], s20  }
0x9f: {  	_ =	swait.ge [sflag:s22], s20  }
0xa0: {  	s5 =	ssub.s32 $0x0, s20;
	[sflag:s22] =	ssyncset.done $0x0  }
0xa1: {  	[sflag:s22] =	ssyncadd.s32 s5;
	_ =	sdelay $0x1  }
0xa2: {  	s23 =	simm.s32 $0x1B8B  }
0xa3: {  	_ =	swait.ge [sflag:s23], $0x1  }
0xa4: {  	[sflag:s23] =	ssyncset.done $0x0  }
0xa5: {  	s25 =	simm.s32 $0x1B8E;
	s24 =	sld [smem:$0x3FFE];
	[sflag:s23] =	ssyncadd.s32 $0xFFFFFFFF  }
0xa6: {  	s26 =	simm.s32 $execute0_lowered;
	[smem:$0x3FD2] =	sst s25  }
0xa7: {  	s6 =	sshll.u32 s26, $0x1;
	_ =	strace $0x80000046;
	[dreg:$0x1] =	wrdreg $0xFFFFFFFF  }
0xa8: {  	s28 =	simm.s32 $_size_execute0_lowered;
	s4 =	sadd.s32 s4, s6;
	[dreg:$0x0] =	wrdreg $0x0  }
0xa9: {  	s6 =	sshll.u32 s28, $0x1;
	[dreg:$0x2] =	wrdreg s4  }
0xaa: {  	[dreg:$0x3] =	wrdreg s6  }
0xab: {  	[dreg:$0x4] =	wrdreg $0xC0  }
0xac: {  	_ =	task [dreg:s8], $0x5FFFF  }
0xad: {  	[dreg:$0x1] =	wrdreg $0xFFFFFFFF  }
0xae: {  	[dreg:$0x0] =	wrdreg $0x60  }
0xaf: {  	[dreg:$0x2] =	wrdreg s2  }
0xb0: {  	[dreg:$0x3] =	wrdreg s24  }
0xb1: {  	[dreg:$0x4] =	wrdreg s18  }
0xb2: {  	[dreg:$0x5] =	wrdreg $0x9  }
0xb3: {  	_ =	task.clear_ibuf [dreg:s8], $0x6FFFF;
	_ =	strace $0x90000046  }
0xb4: {  	s29 =	simm.s32 $0x9;
	_ =	strace $0x80000048  }
0xb5: {  	_ =	swait.ge [sflag:s29], $0x1  }
0xb6: {  	[sflag:s29] =	ssyncadd.s32 $0xFFFFFFFF  }
0xb7: {  	_ =	strace $0x90000048  }
0xb8: {  	_ =	sfence  }
0xb9: {  	s30 =	sld [smem:$0x0];
	_ =	sdelay $0x2  }
0xba: {  	s31 =	sshll.u32 s1, $0xD;
	s1 =	sshrl.u32 s1, $0x2  }
0xbb: {  	s3 =	sand.u32 $0x4000, s31;
	s1 =	sadd.s32 s1, s30  }
0xbc: {  	s0 =	sor.u32 s3, s0;
	s1 =	sshll.u32 s1, $0x11  }
0xbd: {  	s0 =	sor.u32 s1, s0  }
0xbe: {  	s0 =	sadd.s32 $0x8F2B, s0  }
0xbf: {  	[sflag:s0] =	ssyncadd.remote.s32 $0x1  }
0xc0: {  	_ =	sfence.sel $0xFFFF  }
0xc1: {  	[dreg:$0x0] =	wrdreg $0xFFFFFFFF;
	(pc) =	sbr.abs _section_cstart, $3  }
0xc2: {  	[dreg:$0x1] =	wrdreg $0xFFFFFFFF  }
0xc3: {  	_ =	task.clear_ibuf [dreg:s8], $0x2FFFF;
	_ =	strace $0x9FFFFFFF  }
0xc4: {  	(tm) =	ssettm $0x7FFFFFFF  }
0xc5: {  	_ =	shalt  }
tec
execute0_lowered:
.L_overlay_start_1:
0x0: {  	(tag) =	ssettag $0x1  }
0x1: {  	s1 =	rddreg [dreg:$0x0]  }
0x2: {  	s0 =	rddreg [dreg:$0x1]  }
0x3: {  	s2 =	srdreg.scid;
	s3 =	stileid.u32;
	s5 =	simm.s32 $0x0  }
0x4: {  	s19 =	simm.s32 $0x1;
	s20 =	simm.s32 $0x80;
	s29 =	simm.s32 $0x4800  }
0x5: {  	s30 =	simm.s32 $0x280;
	s31 =	simm.s32 $0x5800;
	s17 =	simm.s32 $0x7800  }
0x6: {  	s9 =	simm.s32 $0x400;
	s10 =	simm.s32 $0x2;
	s15 =	simm.s32 $0x3  }
0x7: {  	s16 =	simm.s32 $0x10800;
	s11 =	simm.s32 $0x4;
	s2 =	sand.u32 $0x1, s2  }
0x8: {  	s18 =	simm.s32 $0x5;
	s3 =	sshll.u32 s3, $0xB;
	s4 =	sshll.u32 s2, $0xA  }
0x9: {  	s14 =	simm.s32 $0x0;
	[smem:$0x7FF] =	sst s5;
	s5 =	sor.u32 s4, s3  }
0xa: {  	s8 =	sadd.s32 $0x600, s0;
	s2 =	ssub.s32 $0x2, s2;
	s3 =	sshrl.u32 s5, $0x3  }
0xb: {  	_ =	strace $0x80000047;
	s23 =	sshrl.u32 s2, $0x1;
	s7 =	sadd.s32 s1, s3  }
0xc: {  	s24 =	ssub.s32 s2, s23;
	s28 =	sadd.s32 s8, s3;
	[dreg:$0x4] =	wrdreg s7  }
0xd: {  	s6 =	sadd.s32 $0xF42A00, s0;
	s0 =	smax.u32 s24, $0x1;
	[dreg:$0x7] =	wrdreg s28  }
0xe: {  	v1 =	vlaneseq.u32;
	s12 =	sor.u32 $0x18000, s5;
	s25 =	sadd.s32 $0x1000, s7;
	[dreg:$0xa] =	wrdreg s0  }
0xf: {  	v0 =	vshrl.u32 v1, $0x3;
	s13 =	sor.u32 $0x20000, s5;
	s26 =	sadd.s32 $0x2000, s7;
	[dreg:$0x5] =	wrdreg s25  }
0x10: {  	v0 =	vmul.u32 $0x400, v0;
	s3 =	sadd.s32 $0x2E0000, s28;
	s2 =	sadd.s32 $0x300000, s28;
	[dreg:$0x6] =	wrdreg s26  }
0x11: {  	v2 =	vand.u32 $0x7, v1;
	s0 =	simm.s32 $0x300;
	s7 =	simm.s32 $0x8000;
	[dreg:$0x8] =	wrdreg s3  }
0x12: {  	v2 =	vmul.u32 $0x80, v2;
	v1 =	vor.u32 $0x800, v0;
	[dreg:$0x9] =	wrdreg s2;
	s2 =	simm.s32 $0x6800;
	s3 =	simm.s32 $0x380  }
.LBB2_1:
0x13: {  	[dreg:$0xb] =	wrdreg s14  }
0x14: {  	s4 =	rddreg [dreg:$0x2]  }
0x15: {  	s14 =	simm.s32 $0x0;
	s21 =	simm.s32 $0x18800;
	s22 =	simm.s32 $0x6  }
0x16: {  	[tilespmem:s21], [sflag:$0x6] =	stream.linear.gather [hbm4b:s4+s14], $0x1900, $0x38;
	[tilespmem:$0x1A100] =	vst v63  }
0x17: {  	_ =	swait.ge [sflag:s22], $0x1900  }
0x18: {  	[sflag:s22] =	ssyncset.done $0x0  }
0x19: {  	s23 =	rddreg [dreg:$0x4];
	[sflag:s22] =	ssyncadd.s32 $0xFFFFE700  }
0x1a: {  	[tilespmem:s14], [sflag:$0x1] =	stream.linear.gather [hbm4b:s23+s14], $0x400, $0x38;
	[tilespmem:$0x1A100] =	vst v63  }
0x1b: {  	_ =	swait.ge [sflag:s19], $0x400  }
0x1c: {  	[sflag:s19] =	ssyncset.done $0x0  }
0x1d: {  	s24 =	simm.s32 $0x800;
	[sflag:s19] =	ssyncadd.s32 $0xFFFFFC00  }
0x1e: {  	[tilespmem:s24], [sflag:$0x3] =	stream.indirect.gather [hbm4b:s6+s20], $0x20, s14, s20, $0xb8;
	[tilespmem:$0x1A100] =	vst v63  }
0x1f: {  	s25 =	simm.s32 $0x1800  }
0x20: {  	[tilespmem:s25], [sflag:$0x3] =	stream.indirect.gather [hbm4b:s6+s20], $0x20, s20, s20, $0xb8;
	[tilespmem:$0x1A100] =	vst v63  }
0x21: {  	s26 =	simm.s32 $0x100;
	s28 =	simm.s32 $0x2800  }
0x22: {  	[tilespmem:s28], [sflag:$0x3] =	stream.indirect.gather [hbm4b:s6+s20], $0x20, s26, s20, $0xb8;
	[tilespmem:$0x1A100] =	vst v63  }
0x23: {  	s21 =	simm.s32 $0x180;
	s22 =	simm.s32 $0x3800  }
0x24: {  	[tilespmem:s22], [sflag:$0x3] =	stream.indirect.gather [hbm4b:s6+s20], $0x20, s21, s20, $0xb8;
	[tilespmem:$0x1A100] =	vst v63  }
0x25: {  	s23 =	simm.s32 $0x200  }
0x26: {  	[tilespmem:s29], [sflag:$0x3] =	stream.indirect.gather [hbm4b:s6+s20], $0x20, s23, s20, $0xb8;
	[tilespmem:$0x1A100] =	vst v63  }
0x27: {  	_ = 	snop  }
0x28: {  	[tilespmem:s31], [sflag:$0x3] =	stream.indirect.gather [hbm4b:s6+s20], $0x20, s30, s20, $0xb8;
	[tilespmem:$0x1A100] =	vst v63  }
0x29: {  	_ = 	snop  }
0x2a: {  	[tilespmem:s2], [sflag:$0x3] =	stream.indirect.gather [hbm4b:s6+s20], $0x20, s0, s20, $0xb8;
	[tilespmem:$0x1A100] =	vst v63  }
0x2b: {  	_ = 	snop  }
0x2c: {  	[tilespmem:s17], [sflag:$0x3] =	stream.indirect.gather [hbm4b:s6+s20], $0x20, s3, s20, $0xb8;
	[tilespmem:$0x1A100] =	vst v63  }
0x2d: {  	s24 =	rddreg [dreg:$0x5]  }
0x2e: {  	[tilespmem:s9], [sflag:$0x2] =	stream.linear.gather [hbm4b:s24+s14], $0x400, $0x38;
	[tilespmem:$0x1A100] =	vst v63  }
0x2f: {  	_ =	swait.ge [sflag:s10], $0x400  }
0x30: {  	[sflag:s10] =	ssyncset.done $0x0  }
0x31: {  	s25 =	simm.s32 $0x8800;
	[sflag:s10] =	ssyncadd.s32 $0xFFFFFC00  }
0x32: {  	[tilespmem:s25], [sflag:$0x4] =	stream.indirect.gather [hbm4b:s6+s20], $0x20, s9, s20, $0xb8;
	[tilespmem:$0x1A100] =	vst v63  }
0x33: {  	s26 =	simm.s32 $0x480;
	s28 =	simm.s32 $0x9800  }
0x34: {  	[tilespmem:s28], [sflag:$0x4] =	stream.indirect.gather [hbm4b:s6+s20], $0x20, s26, s20, $0xb8;
	[tilespmem:$0x1A100] =	vst v63  }
0x35: {  	s22 =	simm.s32 $0x500;
	s23 =	simm.s32 $0xA800  }
0x36: {  	[tilespmem:s23], [sflag:$0x4] =	stream.indirect.gather [hbm4b:s6+s20], $0x20, s22, s20, $0xb8;
	[tilespmem:$0x1A100] =	vst v63  }
0x37: {  	s24 =	simm.s32 $0x580;
	s25 =	simm.s32 $0xB800  }
0x38: {  	[tilespmem:s25], [sflag:$0x4] =	stream.indirect.gather [hbm4b:s6+s20], $0x20, s24, s20, $0xb8;
	[tilespmem:$0x1A100] =	vst v63  }
0x39: {  	s26 =	simm.s32 $0x600;
	s28 =	simm.s32 $0xC800  }
0x3a: {  	[tilespmem:s28], [sflag:$0x4] =	stream.indirect.gather [hbm4b:s6+s20], $0x20, s26, s20, $0xb8;
	[tilespmem:$0x1A100] =	vst v63  }
0x3b: {  	s21 =	simm.s32 $0x680;
	s22 =	simm.s32 $0xD800  }
0x3c: {  	[tilespmem:s22], [sflag:$0x4] =	stream.indirect.gather [hbm4b:s6+s20], $0x20, s21, s20, $0xb8;
	[tilespmem:$0x1A100] =	vst v63  }
0x3d: {  	s23 =	simm.s32 $0x700;
	s24 =	simm.s32 $0xE800  }
0x3e: {  	[tilespmem:s24], [sflag:$0x4] =	stream.indirect.gather [hbm4b:s6+s20], $0x20, s23, s20, $0xb8;
	[tilespmem:$0x1A100] =	vst v63  }
0x3f: {  	s25 =	simm.s32 $0x780;
	s26 =	simm.s32 $0xF800  }
0x40: {  	[tilespmem:s26], [sflag:$0x4] =	stream.indirect.gather [hbm4b:s6+s20], $0x20, s25, s20, $0xb8;
	[tilespmem:$0x1A100] =	vst v63  }
0x41: {  	_ =	swait.ge [sflag:s15], $0x8000  }
0x42: {  	[sflag:s15] =	ssyncset.done $0x0  }
0x43: {  	s28 =	rddreg [dreg:$0x6];
	[sflag:s15] =	ssyncadd.s32 $0xFFFF8000  }
0x44: {  	[tilespmem:s14], [sflag:$0x1] =	stream.linear.gather [hbm4b:s28+s14], $0x400, $0x38;
	[tilespmem:$0x1A100] =	vst v63  }
0x45: {  	s4 =	simm.s32 $0x900;
	s14 =	simm.s32 $0x0  }
.LBB2_2:
0x46: {  	v5 =	vld [tilespmem:s4+$0xE0]  }
0x47: {  	s22 =	sshll.u32 s14, $0x2;
	v9 =	vld [tilespmem:s4+$0xFFFFFF20]  }
0x48: {  	s21 =	sshll.u32 s14, $0x5;
	v11 =	vld [tilespmem:s4+$0xFFFFFF40];
	v3 =	vmov s22  }
0x49: {  	v13 =	vld [tilespmem:s4+$0xFFFFFF60];
	s21 =	sand.u32 $0x3FFFFFE0, s21;
	v4 =	vshll.u32 v3, $0xA  }
0x4a: {  	v7 =	vld [tilespmem:s21+$0x18800];
	v3 =	vor.u32 $0x8, v2;
	v8 =	vor.u32 v0, v4  }
0x4b: {  	v14 =	vld [tilespmem:s4+$0xFFFFFF80];
	v10 =	vadd.s32 v8, v3  }
0x4c: {  	v15 =	vld [tilespmem:s4+$0xFFFFFFA0];
	v16 =	vadd.s32 v8, v2;
	v12 =	vor.u32 $0x7, v10  }
0x4d: {  	v17 =	vld [tilespmem:s4+$0xFFFFFFC0];
	v20 =	vor.u32 $0x3, v16  }
0x4e: {  	v19 =	vld [tilespmem:s4+$0xFFFFFFE0];
	v18 =	vor.u32 $0x1, v16  }
0x4f: {  	v21 =	vld [tilespmem:s4+$0x0];
	v25 =	vor.u32 $0x5, v16;
	v5 =	vadd.f32 v5, v7  }
0x50: {  	v24 =	vld [tilespmem:s4+$0x20];
	v13 =	vadd.f32 v13, v7  }
0x51: {  	v6 =	vld [tilespmem:s21+$0x18810];
	v23 =	vadd.f32 v9, v7;
	[tilespmem:v12+s16+$0x0] =	vst.idx.msk $0xffff, v5;
	v5 =	vor.u32 $0x2, v16  }
0x52: {  	v26 =	vld [tilespmem:s4+$0x40];
	s28 =	sadd.s32 $0x200, s4;
	[tilespmem:v20+s16+$0x0] =	vst.idx.msk $0xffff, v13;
	v13 =	vadd.f32 v15, v7  }
0x53: {  	v28 =	vld [tilespmem:s28+$0xFFFFFF80];
	v22 =	vor.u32 $0x4, v16;
	[tilespmem:v18+s16+$0x0] =	vst.idx.msk $0xffff, v23  }
0x54: {  	v11 =	vadd.f32 v11, v7;
	v23 =	vor.u32 $0x7, v16;
	[tilespmem:v25+s16+$0x0] =	vst.idx.msk $0xffff, v13;
	v13 =	vadd.f32 v19, v7;
	v19 =	vld [tilespmem:s4+$0xFFFFFF00]  }
0x55: {  	v9 =	vor.u32 v1, v4;
	v4 =	vor.u32 $0x6, v16;
	v12 =	vld [tilespmem:s4+$0xF0]  }
0x56: {  	v30 =	vld [tilespmem:s28+$0xFFFFFFE0];
	[tilespmem:v5+s16+$0x0] =	vst.idx.msk $0xffff, v11;
	v5 =	vadd.f32 v14, v7;
	v14 =	vadd.s32 v9, v3  }
0x57: {  	v18 =	vld [tilespmem:s4+$0x60];
	v15 =	vor.u32 $0x7, v14  }
0x58: {  	v20 =	vld [tilespmem:s4+$0xA0];
	[tilespmem:v22+s16+$0x0] =	vst.idx.msk $0xffff, v5;
	v5 =	vadd.f32 v17, v7  }
0x59: {  	v11 =	vld [tilespmem:s4+$0x80];
	[tilespmem:v23+s16+$0x0] =	vst.idx.msk $0xffff, v13;
	v22 =	vor.u32 $0x1, v10;
	v19 =	vadd.f32 v19, v7  }
0x5a: {  	v25 =	vor.u32 $0x2, v10;
	v13 =	vld [tilespmem:s4+$0xFFFFFF50];
	[tilespmem:v4+s16+$0x0] =	vst.idx.msk $0xffff, v5;
	v4 =	vadd.f32 v12, v6  }
0x5b: {  	v17 =	vld [tilespmem:s4+$0xC0];
	v12 =	vadd.f32 v21, v7;
	v21 =	vor.u32 $0x3, v10;
	[tilespmem:v16+s16+$0x0] =	vst.idx.msk $0xffff, v19  }
0x5c: {  	v23 =	vadd.f32 v24, v7;
	v24 =	vld [tilespmem:s4+$0xFFFFFF90];
	[tilespmem:v15+s16+$0x0] =	vst.idx.msk $0xffff, v4;
	v15 =	vor.u32 $0x4, v10  }
0x5d: {  	v5 =	vld [tilespmem:s4+$0xFFFFFF30];
	[tilespmem:v10+s16+$0x0] =	vst.idx.msk $0xffff, v12;
	v12 =	vadd.f32 v26, v7;
	v26 =	vor.u32 $0x5, v10  }
0x5e: {  	v18 =	vadd.f32 v18, v7;
	v4 =	vld [tilespmem:s4+$0xFFFFFF70];
	v10 =	vor.u32 $0x6, v10;
	[tilespmem:v22+s16+$0x0] =	vst.idx.msk $0xffff, v23;
	v23 =	vadd.s32 v9, v2  }
0x5f: {  	v16 =	vld [tilespmem:s4+$0xFFFFFFF0];
	v11 =	vadd.f32 v11, v7;
	[tilespmem:v25+s16+$0x0] =	vst.idx.msk $0xffff, v12;
	v25 =	vor.u32 $0x1, v23  }
0x60: {  	v22 =	vld [tilespmem:s4+$0xFFFFFFB0];
	[tilespmem:v21+s16+$0x0] =	vst.idx.msk $0xffff, v18;
	v18 =	vadd.f32 v20, v7;
	v21 =	vor.u32 $0x3, v23  }
0x61: {  	v12 =	vld [tilespmem:s4+$0xFFFFFFD0];
	v19 =	vor.u32 $0x2, v23;
	[tilespmem:v15+s16+$0x0] =	vst.idx.msk $0xffff, v11;
	v11 =	vadd.f32 v17, v7  }
0x62: {  	v20 =	vld [tilespmem:s4+$0xFFFFFF10];
	v5 =	vadd.f32 v5, v6;
	v17 =	vor.u32 $0x4, v23;
	[tilespmem:v26+s16+$0x0] =	vst.idx.msk $0xffff, v18  }
0x63: {  	v15 =	vld [tilespmem:s4+$0x10];
	v26 =	vor.u32 $0x5, v23;
	v4 =	vadd.f32 v4, v6;
	[tilespmem:v10+s16+$0x0] =	vst.idx.msk $0xffff, v11  }
0x64: {  	v18 =	vld [tilespmem:s4+$0x30];
	v10 =	vadd.f32 v13, v6;
	v13 =	vor.u32 $0x6, v23;
	[tilespmem:v25+s16+$0x0] =	vst.idx.msk $0xffff, v5  }
0x65: {  	v27 =	vor.u32 $0x7, v23;
	v11 =	vld [tilespmem:s4+$0x50];
	v5 =	vadd.f32 v24, v6;
	[tilespmem:v21+s16+$0x0] =	vst.idx.msk $0xffff, v4  }
0x66: {  	v25 =	vld [tilespmem:s4+$0x70];
	[tilespmem:v19+s16+$0x0] =	vst.idx.msk $0xffff, v10;
	v10 =	vadd.f32 v22, v6  }
0x67: {  	v12 =	vadd.f32 v12, v6;
	v21 =	vld [tilespmem:s4+$0xB0];
	v4 =	vadd.s32 $0x10, v2;
	[tilespmem:v17+s16+$0x0] =	vst.idx.msk $0xffff, v5  }
0x68: {  	v17 =	vor.u32 $0x1, v14;
	v5 =	vor.u32 $0x8, v4;
	[tilespmem:v26+s16+$0x0] =	vst.idx.msk $0xffff, v10;
	v10 =	vadd.f32 v16, v6;
	v16 =	vld [tilespmem:s28+$0xE0]  }
0x69: {  	v24 =	vor.u32 $0x2, v14;
	v20 =	vadd.f32 v20, v6;
	[tilespmem:v13+s16+$0x0] =	vst.idx.msk $0xffff, v12;
	v12 =	vld [tilespmem:s28+$0xFFFFFF20];
	v13 =	vadd.s32 v8, v5  }
0x6a: {  	v26 =	vld [tilespmem:s28+$0xFFFFFF40];
	[tilespmem:v27+s16+$0x0] =	vst.idx.msk $0xffff, v10;
	v10 =	vadd.f32 v15, v6;
	v15 =	vadd.s32 v8, v4;
	v27 =	vor.u32 $0x7, v13  }
0x6b: {  	[tilespmem:v23+s16+$0x0] =	vst.idx.msk $0xffff, v20;
	v18 =	vadd.f32 v18, v6;
	v23 =	vld [tilespmem:s28+$0xFFFFFF60];
	v20 =	vor.u32 $0x1, v15  }
0x6c: {  	v19 =	vld [tilespmem:s4+$0x90];
	[tilespmem:v14+s16+$0x0] =	vst.idx.msk $0xffff, v10;
	v10 =	vadd.f32 v11, v6;
	v11 =	vor.u32 $0x2, v15  }
0x6d: {  	[tilespmem:v17+s16+$0x0] =	vst.idx.msk $0xffff, v18;
	v17 =	vor.u32 $0x3, v15;
	v18 =	vld [tilespmem:s28+$0xFFFFFFA0];
	v16 =	vadd.f32 v16, v7  }
0x6e: {  	[tilespmem:v24+s16+$0x0] =	vst.idx.msk $0xffff, v10;
	v10 =	vor.u32 $0x4, v15;
	v12 =	vadd.f32 v12, v7;
	v24 =	vld [tilespmem:s28+$0xFFFFFFC0]  }
0x6f: {  	v22 =	vld [tilespmem:s4+$0xD0];
	v29 =	vor.u32 $0x5, v15;
	v26 =	vadd.f32 v26, v7;
	[tilespmem:v27+s16+$0x0] =	vst.idx.msk $0xffff, v16  }
0x70: {  	v16 =	vor.u32 $0x6, v15;
	[tilespmem:v20+s16+$0x0] =	vst.idx.msk $0xffff, v12;
	v20 =	vadd.f32 v23, v7;
	v23 =	vld [tilespmem:s28+$0xF0]  }
0x71: {  	v27 =	vor.u32 $0x7, v15;
	v12 =	vadd.s32 v9, v5;
	[tilespmem:v11+s16+$0x0] =	vst.idx.msk $0xffff, v26;
	v11 =	vadd.f32 v28, v7;
	v26 =	vld [tilespmem:s28+$0x0]  }
0x72: {  	[tilespmem:v17+s16+$0x0] =	vst.idx.msk $0xffff, v20;
	v17 =	vadd.f32 v18, v7;
	v18 =	vld [tilespmem:s28+$0x20];
	v20 =	vor.u32 $0x7, v12  }
0x73: {  	[tilespmem:v10+s16+$0x0] =	vst.idx.msk $0xffff, v11;
	v10 =	vadd.f32 v24, v7;
	v11 =	vld [tilespmem:s28+$0x40]  }
0x74: {  	v28 =	vld [tilespmem:s28+$0x60];
	v24 =	vor.u32 $0x1, v13;
	[tilespmem:v29+s16+$0x0] =	vst.idx.msk $0xffff, v17;
	v17 =	vadd.f32 v30, v7  }
0x75: {  	v29 =	vor.u32 $0x2, v13;
	[tilespmem:v16+s16+$0x0] =	vst.idx.msk $0xffff, v10;
	v10 =	vld [tilespmem:s28+$0x80];
	v16 =	vadd.f32 v23, v6  }
0x76: {  	v23 =	vor.u32 $0x3, v13;
	[tilespmem:v27+s16+$0x0] =	vst.idx.msk $0xffff, v17;
	v17 =	vadd.f32 v26, v7;
	v26 =	vld [tilespmem:s28+$0xA0]  }
0x77: {  	v30 =	vld [tilespmem:s28+$0xC0];
	v27 =	vor.u32 $0x4, v13;
	v18 =	vadd.f32 v18, v7;
	[tilespmem:v20+s16+$0x0] =	vst.idx.msk $0xffff, v16  }
0x78: {  	v16 =	vor.u32 $0x5, v13;
	v20 =	vld [tilespmem:s28+$0xFFFFFF00];
	[tilespmem:v13+s16+$0x0] =	vst.idx.msk $0xffff, v17;
	v11 =	vadd.f32 v11, v7  }
0x79: {  	v13 =	vor.u32 $0x6, v13;
	v17 =	vld [tilespmem:s28+$0xFFFFFF30];
	[tilespmem:v24+s16+$0x0] =	vst.idx.msk $0xffff, v18;
	v18 =	vadd.f32 v28, v7  }
0x7a: {  	v32 =	vadd.s32 v9, v4;
	v24 =	vld [tilespmem:s28+$0xFFFFFF50];
	[tilespmem:v29+s16+$0x0] =	vst.idx.msk $0xffff, v11;
	v10 =	vadd.f32 v10, v7  }
0x7b: {  	v28 =	vor.u32 $0x1, v32;
	v29 =	vld [tilespmem:s28+$0xFFFFFF70];
	[tilespmem:v23+s16+$0x0] =	vst.idx.msk $0xffff, v18;
	v11 =	vadd.f32 v26, v7  }
0x7c: {  	v18 =	vor.u32 $0x2, v32;
	v23 =	vld [tilespmem:s28+$0xFFFFFF90];
	[tilespmem:v27+s16+$0x0] =	vst.idx.msk $0xffff, v10;
	v10 =	vadd.f32 v30, v7  }
0x7d: {  	v26 =	vor.u32 $0x3, v32;
	v20 =	vadd.f32 v20, v7;
	v27 =	vld [tilespmem:s28+$0xFFFFFFB0];
	[tilespmem:v16+s16+$0x0] =	vst.idx.msk $0xffff, v11  }
0x7e: {  	v31 =	vld [tilespmem:s28+$0xFFFFFFD0];
	v30 =	vor.u32 $0x4, v32;
	v16 =	vadd.f32 v17, v6;
	[tilespmem:v13+s16+$0x0] =	vst.idx.msk $0xffff, v10  }
0x7f: {  	v33 =	vor.u32 $0x5, v32;
	v34 =	vor.u32 $0x6, v32;
	[tilespmem:v15+s16+$0x0] =	vst.idx.msk $0xffff, v20;
	v13 =	vadd.f32 v24, v6;
	v20 =	vld [tilespmem:s28+$0xFFFFFFF0]  }
0x80: {  	v36 =	vor.u32 $0x7, v32;
	v11 =	vor.u32 $0x4, v14;
	v35 =	vld [tilespmem:s28+$0xFFFFFF10];
	[tilespmem:v28+s16+$0x0] =	vst.idx.msk $0xffff, v16;
	v17 =	vadd.f32 v29, v6  }
0x81: {  	v37 =	vld [tilespmem:s28+$0x10];
	v10 =	vor.u32 $0x3, v14;
	v15 =	vadd.f32 v25, v6;
	[tilespmem:v18+s16+$0x0] =	vst.idx.msk $0xffff, v13;
	v18 =	vadd.f32 v23, v6  }
0x82: {  	v24 =	vor.u32 $0x1, v12;
	v16 =	vadd.f32 v19, v6;
	[tilespmem:v26+s16+$0x0] =	vst.idx.msk $0xffff, v17;
	v19 =	vadd.f32 v27, v6;
	v26 =	vld [tilespmem:s28+$0x30]  }
0x83: {  	v25 =	vor.u32 $0x2, v12;
	v17 =	vadd.f32 v21, v6;
	v21 =	vadd.f32 v31, v6;
	v31 =	vld [tilespmem:s28+$0x50];
	[tilespmem:v30+s16+$0x0] =	vst.idx.msk $0xffff, v18  }
0x84: {  	v28 =	vld [tilespmem:s28+$0x70];
	v13 =	vor.u32 $0x5, v14;
	v14 =	vor.u32 $0x6, v14;
	[tilespmem:v33+s16+$0x0] =	vst.idx.msk $0xffff, v19;
	v19 =	vadd.f32 v20, v6  }
0x85: {  	v29 =	vld [tilespmem:s28+$0x90];
	v23 =	vor.u32 $0x3, v12;
	v18 =	vadd.f32 v22, v6;
	[tilespmem:v34+s16+$0x0] =	vst.idx.msk $0xffff, v21;
	v27 =	vadd.f32 v35, v6  }
0x86: {  	v22 =	vor.u32 $0x4, v12;
	v30 =	vld [tilespmem:s28+$0xB0];
	v21 =	vor.u32 $0x5, v12;
	v33 =	vadd.f32 v37, v6;
	[tilespmem:v36+s16+$0x0] =	vst.idx.msk $0xffff, v19  }
0x87: {  	s22 =	sadd.s32 $0x200, s28;
	s21 =	simm.s32 $0x10;
	v20 =	vor.u32 $0x6, v12;
	v19 =	vadd.s32 $0x10, v4;
	[tilespmem:v32+s16+$0x0] =	vst.idx.msk $0xffff, v27;
	v32 =	vadd.f32 v26, v6;
	v27 =	vld [tilespmem:s28+$0xD0]  }
.LBB2_3:
0x88: {  	v26 =	vadd.s32 v8, v19;
	v34 =	vor.u32 $0x8, v19;
	v35 =	vld [tilespmem:s22+$0xE0];
	s21 =	sadd.s32 $0x10, s21;
	[tilespmem:v12+s16+$0x0] =	vst.idx.msk $0xffff, v33;
	v12 =	vadd.f32 v31, v6  }
0x89: {  	v31 =	vld [tilespmem:s22+$0xFFFFFF20];
	v33 =	vor.u32 $0x1, v26;
	v36 =	vor.u32 $0x2, v26;
	v37 =	vadd.s32 v8, v34;
	p0 =	slt.u32 s21, $0x70;
	[tilespmem:v24+s16+$0x0] =	vst.idx.msk $0xffff, v32  }
0x8a: {  	v24 =	vld [tilespmem:s22+$0xFFFFFF40];
	v32 =	vor.u32 $0x1, v37;
	v38 =	vor.u32 $0x2, v37;
	v39 =	vor.u32 $0x7, v37;
	[tilespmem:v25+s16+$0x0] =	vst.idx.msk $0xffff, v12  }
0x8b: {  	v40 =	vor.u32 $0x3, v37;
	v41 =	vor.u32 $0x4, v37;
	v42 =	vor.u32 $0x5, v37;
	v12 =	vld [tilespmem:s22+$0xFFFFFF60];
	[tilespmem:v10+s16+$0x0] =	vst.idx.msk $0xffff, v15;
	v10 =	vmovc v23  }
0x8c: {  	v43 =	vor.u32 $0x4, v26;
	v44 =	vor.u32 $0x6, v37;
	v23 =	vor.u32 $0x3, v26;
	v25 =	vld [tilespmem:s22+$0xFFFFFF80];
	[tilespmem:v11+s16+$0x0] =	vst.idx.msk $0xffff, v16;
	v11 =	vmovc v22  }
0x8d: {  	v45 =	vor.u32 $0x5, v26;
	v46 =	vor.u32 $0x6, v26;
	v22 =	vld [tilespmem:s22+$0xFFFFFFA0];
	v16 =	vadd.f32 v35, v7;
	[tilespmem:v13+s16+$0x0] =	vst.idx.msk $0xffff, v17;
	v13 =	vmovc v21  }
0x8e: {  	v15 =	vadd.f32 v28, v6;
	v17 =	vadd.f32 v31, v7;
	v21 =	vld [tilespmem:s22+$0xFFFFFFC0];
	v31 =	vor.u32 $0x7, v26;
	[tilespmem:v14+s16+$0x0] =	vst.idx.msk $0xffff, v18  }
0x8f: {  	v14 =	vmov v20;
	v18 =	vadd.f32 v24, v7;
	v28 =	vld [tilespmem:s22+$0xFFFFFFE0];
	[tilespmem:v39+s16+$0x0] =	vst.idx.msk $0xffff, v16;
	v16 =	vadd.f32 v29, v6  }
0x90: {  	[tilespmem:v33+s16+$0x0] =	vst.idx.msk $0xffff, v17;
	v20 =	vadd.f32 v12, v7;
	v29 =	vld [tilespmem:s22+$0xF0];
	v17 =	vadd.f32 v30, v6  }
0x91: {  	v12 =	vadd.s32 v9, v34;
	[tilespmem:v36+s16+$0x0] =	vst.idx.msk $0xffff, v18;
	v24 =	vadd.f32 v25, v7;
	v30 =	vld [tilespmem:s22+$0x0]  }
0x92: {  	v34 =	vor.u32 $0x7, v12;
	v18 =	vadd.f32 v27, v6;
	[tilespmem:v23+s16+$0x0] =	vst.idx.msk $0xffff, v20;
	v20 =	vadd.f32 v22, v7;
	v33 =	vld [tilespmem:s22+$0x20]  }
0x93: {  	v27 =	vadd.s32 v9, v19;
	[tilespmem:v43+s16+$0x0] =	vst.idx.msk $0xffff, v24;
	v21 =	vadd.f32 v21, v7;
	v24 =	vor.u32 $0x1, v12;
	v35 =	vld [tilespmem:s22+$0x40]  }
0x94: {  	v25 =	vor.u32 $0x2, v12;
	v23 =	vor.u32 $0x3, v12;
	[tilespmem:v45+s16+$0x0] =	vst.idx.msk $0xffff, v20;
	v20 =	vadd.f32 v28, v7;
	v28 =	vld [tilespmem:s22+$0x60]  }
0x95: {  	v22 =	vor.u32 $0x4, v12;
	[tilespmem:v46+s16+$0x0] =	vst.idx.msk $0xffff, v21;
	v36 =	vld [tilespmem:s22+$0x80];
	v21 =	vor.u32 $0x5, v12;
	v29 =	vadd.f32 v29, v6  }
0x96: {  	v39 =	vor.u32 $0x1, v27;
	[tilespmem:v31+s16+$0x0] =	vst.idx.msk $0xffff, v20;
	v30 =	vadd.f32 v30, v7;
	v31 =	vld [tilespmem:s22+$0xA0];
	v20 =	vor.u32 $0x6, v12  }
0x97: {  	v43 =	vor.u32 $0x2, v27;
	v45 =	vor.u32 $0x3, v27;
	v33 =	vadd.f32 v33, v7;
	v46 =	vld [tilespmem:s22+$0xC0];
	[tilespmem:v34+s16+$0x0] =	vst.idx.msk $0xffff, v29  }
0x98: {  	v47 =	vor.u32 $0x5, v27;
	v34 =	vor.u32 $0x4, v27;
	v29 =	vld [tilespmem:s22+$0xFFFFFF00];
	[tilespmem:v37+s16+$0x0] =	vst.idx.msk $0xffff, v30;
	v30 =	vadd.f32 v35, v7  }
0x99: {  	v48 =	vor.u32 $0x7, v27;
	v37 =	vor.u32 $0x6, v27;
	v35 =	vld [tilespmem:s22+$0xFFFFFF30];
	[tilespmem:v32+s16+$0x0] =	vst.idx.msk $0xffff, v33;
	v28 =	vadd.f32 v28, v7  }
0x9a: {  	v32 =	vld [tilespmem:s22+$0xFFFFFF50];
	[tilespmem:v38+s16+$0x0] =	vst.idx.msk $0xffff, v30;
	v30 =	vadd.f32 v36, v7  }
0x9b: {  	v33 =	vld [tilespmem:s22+$0xFFFFFF70];
	[tilespmem:v40+s16+$0x0] =	vst.idx.msk $0xffff, v28;
	v28 =	vadd.f32 v31, v7  }
0x9c: {  	v31 =	vld [tilespmem:s22+$0xFFFFFF90];
	[tilespmem:v41+s16+$0x0] =	vst.idx.msk $0xffff, v30;
	v30 =	vadd.f32 v46, v7  }
0x9d: {  	v29 =	vadd.f32 v29, v7;
	v36 =	vld [tilespmem:s22+$0xFFFFFFB0];
	[tilespmem:v42+s16+$0x0] =	vst.idx.msk $0xffff, v28  }
0x9e: {  	v28 =	vadd.f32 v35, v6;
	v35 =	vld [tilespmem:s22+$0xFFFFFFD0];
	[tilespmem:v44+s16+$0x0] =	vst.idx.msk $0xffff, v30  }
0x9f: {  	[tilespmem:v26+s16+$0x0] =	vst.idx.msk $0xffff, v29;
	v26 =	vadd.f32 v32, v6;
	v29 =	vld [tilespmem:s22+$0xFFFFFFF0]  }
0xa0: {  	v30 =	vld [tilespmem:s22+$0xFFFFFF10];
	[tilespmem:v39+s16+$0x0] =	vst.idx.msk $0xffff, v28;
	v28 =	vadd.f32 v33, v6  }
0xa1: {  	[tilespmem:v43+s16+$0x0] =	vst.idx.msk $0xffff, v26;
	v26 =	vadd.f32 v31, v6;
	v32 =	vld [tilespmem:s22+$0x10]  }
0xa2: {  	[tilespmem:v45+s16+$0x0] =	vst.idx.msk $0xffff, v28;
	v28 =	vadd.f32 v36, v6;
	v36 =	vld [tilespmem:s22+$0x30]  }
.Ltmp0:
0xa3: {  	[tilespmem:v34+s16+$0x0] =	vst.idx.msk $0xffff, v26;
	v26 =	vadd.f32 v35, v6;
	v31 =	vld [tilespmem:s22+$0x50];
	(pc) =	sbr.rel @p0 .LBB2_3-.Ltmp0, $4  }
0xa4: {  	[tilespmem:v47+s16+$0x0] =	vst.idx.msk $0xffff, v28;
	v33 =	vadd.f32 v29, v6;
	v28 =	vld [tilespmem:s22+$0x70]  }
0xa5: {  	v34 =	vadd.f32 v30, v6;
	[tilespmem:v37+s16+$0x0] =	vst.idx.msk $0xffff, v26;
	v29 =	vld [tilespmem:s22+$0x90]  }
0xa6: {  	[tilespmem:v48+s16+$0x0] =	vst.idx.msk $0xffff, v33;
	v33 =	vadd.f32 v32, v6;
	v30 =	vld [tilespmem:s22+$0xB0]  }
0xa7: {  	v19 =	vadd.s32 $0x10, v19;
	[tilespmem:v27+s16+$0x0] =	vst.idx.msk $0xffff, v34;
	v32 =	vadd.f32 v36, v6;
	v27 =	vld [tilespmem:s22+$0xD0];
	s22 =	sadd.s32 $0x200, s22  }
0xa8: {  	_ =	sdelay $0x3  }
0xa9: {  	[tilespmem:v12+s16+$0x0] =	vst.idx.msk $0xffff, v33  }
0xaa: {  	[tilespmem:v10+s16+$0x0] =	vst.idx.msk $0xffff, v15  }
0xab: {  	[tilespmem:v11+s16+$0x0] =	vst.idx.msk $0xffff, v16  }
0xac: {  	v7 =	vadd.f32 v31, v6;
	[tilespmem:v13+s16+$0x0] =	vst.idx.msk $0xffff, v17  }
0xad: {  	[tilespmem:v14+s16+$0x0] =	vst.idx.msk $0xffff, v18;
	s14 =	sadd.s32 $0x1, s14  }
0xae: {  	p0 =	sne.s32 s14, $0x8;
	[tilespmem:v25+s16+$0x0] =	vst.idx.msk $0xffff, v7;
	v7 =	vadd.f32 v28, v6  }
.Ltmp1:
0xaf: {  	[tilespmem:v24+s16+$0x0] =	vst.idx.msk $0xffff, v32;
	v8 =	vadd.f32 v29, v6;
	(pc) =	sbr.rel @p0 .LBB2_2-.Ltmp1, $4  }
0xb0: {  	v9 =	vadd.f32 v30, v6;
	[tilespmem:v23+s16+$0x0] =	vst.idx.msk $0xffff, v7  }
0xb1: {  	v6 =	vadd.f32 v27, v6;
	[tilespmem:v22+s16+$0x0] =	vst.idx.msk $0xffff, v8  }
0xb2: {  	[tilespmem:v21+s16+$0x0] =	vst.idx.msk $0xffff, v9  }
0xb3: {  	s4 =	sadd.s32 $0x1000, s4;
	[tilespmem:v20+s16+$0x0] =	vst.idx.msk $0xffff, v6  }
0xb4: {  	s4 =	rddreg [dreg:$0x7]  }
0xb5: {  	[hbm4b:s4+s9] =	stream.strided.scatter [tilespmem:s16], [sflag:$0x5], $0x8000, s7, s9, $0x38;
	[tilespmem:$0x1A100] =	vst v63  }
0xb6: {  	s14 =	simm.s32 $0x0;
	s4 =	simm.s32 $0x0  }
.LBB2_6:
0xb7: {  	_ =	swait.ge [sflag:s19], $0x400  }
0xb8: {  	[sflag:s19] =	ssyncset.done $0x0  }
0xb9: {  	s21 =	simm.s32 $0x800;
	[sflag:s19] =	ssyncadd.s32 $0xFFFFFC00  }
0xba: {  	[tilespmem:s21], [sflag:$0x3] =	stream.indirect.gather [hbm4b:s6+s20], $0x20, s4, s20, $0xb8;
	[tilespmem:$0x1A100] =	vst v63  }
0xbb: {  	s26 =	simm.s32 $0x1800  }
0xbc: {  	[tilespmem:s26], [sflag:$0x3] =	stream.indirect.gather [hbm4b:s6+s20], $0x20, s20, s20, $0xb8;
	[tilespmem:$0x1A100] =	vst v63  }
0xbd: {  	s28 =	simm.s32 $0x100;
	s22 =	simm.s32 $0x2800  }
0xbe: {  	[tilespmem:s22], [sflag:$0x3] =	stream.indirect.gather [hbm4b:s6+s20], $0x20, s28, s20, $0xb8;
	[tilespmem:$0x1A100] =	vst v63  }
0xbf: {  	s23 =	simm.s32 $0x180;
	s24 =	simm.s32 $0x3800  }
0xc0: {  	[tilespmem:s24], [sflag:$0x3] =	stream.indirect.gather [hbm4b:s6+s20], $0x20, s23, s20, $0xb8;
	[tilespmem:$0x1A100] =	vst v63  }
0xc1: {  	s25 =	simm.s32 $0x200  }
0xc2: {  	[tilespmem:s29], [sflag:$0x3] =	stream.indirect.gather [hbm4b:s6+s20], $0x20, s25, s20, $0xb8;
	[tilespmem:$0x1A100] =	vst v63  }
0xc3: {  	_ = 	snop  }
0xc4: {  	[tilespmem:s31], [sflag:$0x3] =	stream.indirect.gather [hbm4b:s6+s20], $0x20, s30, s20, $0xb8;
	[tilespmem:$0x1A100] =	vst v63  }
0xc5: {  	_ = 	snop  }
0xc6: {  	[tilespmem:s2], [sflag:$0x3] =	stream.indirect.gather [hbm4b:s6+s20], $0x20, s0, s20, $0xb8;
	[tilespmem:$0x1A100] =	vst v63  }
0xc7: {  	s21 =	sshll.u32 s14, $0x10  }
0xc8: {  	[tilespmem:s17], [sflag:$0x3] =	stream.indirect.gather [hbm4b:s6+s20], $0x20, s3, s20, $0xb8;
	[tilespmem:$0x1A100] =	vst v63  }
0xc9: {  	s26 =	sadd.s32 s12, s21;
	_ =	swait.ge [sflag:s11], $0x8000  }
0xca: {  	s22 =	sshrl.u32 s26, $0x3;
	s23 =	sshllo.u32 s14, $0x1;
	[sflag:s11] =	ssyncset.done $0x0  }
0xcb: {  	s22 =	sadd.s32 s1, s22;
	s28 =	sshll.u32 s23, $0x8;
	[sflag:s11] =	ssyncadd.s32 $0xFFFF8000  }
0xcc: {  	[tilespmem:s9], [sflag:$0x2] =	stream.linear.gather [hbm4b:s22+s4], $0x400, $0x38;
	[tilespmem:$0x1A100] =	vst v63  }
0xcd: {  	s24 =	sand.u32 $0x3FFFFF00, s28;
	_ =	swait.ge [sflag:s18], $0x8000  }
0xce: {  	s25 =	sadd.s32 $0x18800, s24;
	s24 =	simm.s32 $0x8900;
	[sflag:s18] =	ssyncset.done $0x0  }
0xcf: {  	v6 =	vmov s25;
	s25 =	simm.s32 $0x0;
	s22 =	sshll.u32 s14, $0x1;
	[sflag:s18] =	ssyncadd.s32 $0xFFFF8000  }
.LBB2_7:
0xd0: {  	v11 =	vld [tilespmem:s24+$0xE0]  }
0xd1: {  	s28 =	sshll.u32 s25, $0x2;
	v12 =	vld [tilespmem:s24+$0xFFFFFF20]  }
0xd2: {  	s26 =	sshll.u32 s25, $0x5;
	v14 =	vld [tilespmem:s24+$0xFFFFFF40];
	v9 =	vmov s28  }
0xd3: {  	v16 =	vld [tilespmem:s24+$0xFFFFFF60];
	s26 =	sand.u32 $0x3FFFFFE0, s26;
	v10 =	vshll.u32 v9, $0xA  }
0xd4: {  	v8 =	vld.idx.msk [tilespmem:v6+s26+$0x0 ss:$0x1], $0xffff;
	v9 =	vor.u32 v0, v10  }
0xd5: {  	v17 =	vld [tilespmem:s24+$0xFFFFFF80];
	v13 =	vadd.s32 v9, v3  }
0xd6: {  	v18 =	vld [tilespmem:s24+$0xFFFFFFA0];
	v19 =	vadd.s32 v9, v2;
	v15 =	vor.u32 $0x7, v13  }
0xd7: {  	v20 =	vld [tilespmem:s24+$0xFFFFFFC0];
	v21 =	vor.u32 $0x1, v19  }
0xd8: {  	v22 =	vld [tilespmem:s24+$0xFFFFFFE0]  }
0xd9: {  	v25 =	vld [tilespmem:s24+$0x0];
	v24 =	vor.u32 $0x3, v19;
	v11 =	vadd.f32 v11, v8  }
0xda: {  	v27 =	vld [tilespmem:s24+$0x20];
	v12 =	vadd.f32 v12, v8  }
0xdb: {  	v7 =	vld.idx.msk [tilespmem:v6+s26+$0x10 ss:$0x1], $0xffff;
	v28 =	vor.u32 $0x5, v19;
	[tilespmem:v15+s16+$0x0] =	vst.idx.msk $0xffff, v11  }
0xdc: {  	v29 =	vld [tilespmem:s24+$0x40];
	s28 =	sadd.s32 $0x200, s24;
	v11 =	vor.u32 $0x2, v19;
	[tilespmem:v21+s16+$0x0] =	vst.idx.msk $0xffff, v12;
	v12 =	vadd.f32 v16, v8  }
0xdd: {  	v31 =	vld [tilespmem:s28+$0xFFFFFFE0];
	v21 =	vor.u32 $0x7, v19  }
0xde: {  	v26 =	vor.u32 $0x4, v19;
	v16 =	vld [tilespmem:s24+$0x60];
	[tilespmem:v24+s16+$0x0] =	vst.idx.msk $0xffff, v12;
	v12 =	vadd.f32 v18, v8  }
0xdf: {  	v14 =	vadd.f32 v14, v8;
	v23 =	vld [tilespmem:s24+$0xF0];
	v24 =	vor.u32 $0x1, v13  }
0xe0: {  	v10 =	vor.u32 v1, v10;
	v30 =	vor.u32 $0x6, v19;
	v18 =	vld [tilespmem:s24+$0xA0];
	[tilespmem:v28+s16+$0x0] =	vst.idx.msk $0xffff, v12;
	v12 =	vadd.f32 v22, v8  }
0xe1: {  	v15 =	vadd.s32 v10, v3;
	v22 =	vld [tilespmem:s24+$0xFFFFFF00];
	[tilespmem:v11+s16+$0x0] =	vst.idx.msk $0xffff, v14;
	v11 =	vadd.f32 v17, v8  }
0xe2: {  	v27 =	vadd.f32 v27, v8;
	v14 =	vld [tilespmem:s24+$0x80];
	v17 =	vor.u32 $0x7, v15;
	[tilespmem:v21+s16+$0x0] =	vst.idx.msk $0xffff, v12  }
0xe3: {  	v21 =	vld [tilespmem:s24+$0xFFFFFF50];
	[tilespmem:v26+s16+$0x0] =	vst.idx.msk $0xffff, v11;
	v11 =	vadd.f32 v20, v8;
	v26 =	vor.u32 $0x2, v13  }
0xe4: {  	v12 =	vadd.f32 v25, v8;
	v25 =	vor.u32 $0x3, v13;
	v20 =	vld [tilespmem:s24+$0xC0];
	[tilespmem:v24+s16+$0x0] =	vst.idx.msk $0xffff, v27  }
0xe5: {  	v24 =	vld [tilespmem:s24+$0xFFFFFFB0];
	[tilespmem:v30+s16+$0x0] =	vst.idx.msk $0xffff, v11;
	v11 =	vadd.f32 v23, v7  }
0xe6: {  	[tilespmem:v13+s16+$0x0] =	vst.idx.msk $0xffff, v12;
	v12 =	vadd.f32 v29, v8;
	v29 =	vor.u32 $0x5, v13;
	v23 =	vld [tilespmem:s24+$0xFFFFFF30]  }
0xe7: {  	v16 =	vadd.f32 v16, v8;
	v27 =	vadd.s32 v10, v2;
	v28 =	vld [tilespmem:s24+$0xFFFFFF90];
	[tilespmem:v17+s16+$0x0] =	vst.idx.msk $0xffff, v11;
	v17 =	vor.u32 $0x4, v13  }
0xe8: {  	v22 =	vadd.f32 v22, v8;
	v11 =	vld [tilespmem:s24+$0xFFFFFF70];
	[tilespmem:v26+s16+$0x0] =	vst.idx.msk $0xffff, v12;
	v26 =	vor.u32 $0x1, v27  }
0xe9: {  	v30 =	vld [tilespmem:s28+$0xFFFFFFA0];
	v13 =	vor.u32 $0x6, v13;
	[tilespmem:v25+s16+$0x0] =	vst.idx.msk $0xffff, v16;
	v16 =	vadd.f32 v18, v8  }
0xea: {  	v14 =	vadd.f32 v14, v8;
	[tilespmem:v19+s16+$0x0] =	vst.idx.msk $0xffff, v22;
	v19 =	vld [tilespmem:s24+$0xFFFFFFF0];
	v25 =	vor.u32 $0x3, v27  }
0xeb: {  	v22 =	vor.u32 $0x2, v27;
	v12 =	vld [tilespmem:s24+$0xFFFFFFD0];
	[tilespmem:v29+s16+$0x0] =	vst.idx.msk $0xffff, v16;
	v16 =	vadd.f32 v23, v7  }
0xec: {  	v18 =	vld [tilespmem:s24+$0xFFFFFF10];
	v29 =	vor.u32 $0x5, v27;
	[tilespmem:v17+s16+$0x0] =	vst.idx.msk $0xffff, v14;
	v14 =	vadd.f32 v20, v8  }
0xed: {  	v23 =	vld [tilespmem:s24+$0x30];
	v20 =	vor.u32 $0x4, v27;
	v11 =	vadd.f32 v11, v7;
	[tilespmem:v26+s16+$0x0] =	vst.idx.msk $0xffff, v16  }
0xee: {  	v17 =	vld [tilespmem:s24+$0x10];
	[tilespmem:v13+s16+$0x0] =	vst.idx.msk $0xffff, v14;
	v13 =	vadd.f32 v21, v7;
	v21 =	vor.u32 $0x6, v27  }
0xef: {  	v16 =	vld [tilespmem:s24+$0x70];
	v26 =	vor.u32 $0x7, v27;
	[tilespmem:v25+s16+$0x0] =	vst.idx.msk $0xffff, v11;
	v11 =	vadd.f32 v24, v7  }
0xf0: {  	v14 =	vld [tilespmem:s24+$0x50];
	[tilespmem:v22+s16+$0x0] =	vst.idx.msk $0xffff, v13;
	v13 =	vadd.f32 v28, v7  }
0xf1: {  	v12 =	vadd.f32 v12, v7;
	v24 =	vld [tilespmem:s24+$0xB0];
	[tilespmem:v29+s16+$0x0] =	vst.idx.msk $0xffff, v11  }
0xf2: {  	v11 =	vadd.f32 v19, v7;
	v19 =	vld [tilespmem:s28+$0xE0];
	[tilespmem:v20+s16+$0x0] =	vst.idx.msk $0xffff, v13;
	v13 =	vor.u32 $0x1, v15  }
0xf3: {  	v18 =	vadd.f32 v18, v7;
	v25 =	vor.u32 $0x2, v15;
	[tilespmem:v21+s16+$0x0] =	vst.idx.msk $0xffff, v12;
	v12 =	vld [tilespmem:s28+$0xFFFFFF20];
	v21 =	vadd.s32 v9, v5  }
0xf4: {  	[tilespmem:v26+s16+$0x0] =	vst.idx.msk $0xffff, v11;
	v11 =	vadd.f32 v17, v7;
	v17 =	vadd.s32 v9, v4;
	v26 =	vld [tilespmem:s28+$0xFFFFFF40];
	v28 =	vor.u32 $0x7, v21  }
0xf5: {  	[tilespmem:v27+s16+$0x0] =	vst.idx.msk $0xffff, v18;
	v18 =	vadd.f32 v23, v7;
	v27 =	vld [tilespmem:s28+$0xFFFFFF60];
	v23 =	vor.u32 $0x1, v17  }
0xf6: {  	v29 =	vld [tilespmem:s28+$0xFFFFFF80];
	[tilespmem:v15+s16+$0x0] =	vst.idx.msk $0xffff, v11;
	v11 =	vadd.f32 v14, v7;
	v14 =	vor.u32 $0x2, v17  }
0xf7: {  	v22 =	vld [tilespmem:s24+$0x90];
	[tilespmem:v13+s16+$0x0] =	vst.idx.msk $0xffff, v18;
	v18 =	vor.u32 $0x3, v17;
	v13 =	vadd.f32 v19, v8  }
0xf8: {  	[tilespmem:v25+s16+$0x0] =	vst.idx.msk $0xffff, v11;
	v11 =	vor.u32 $0x4, v17;
	v19 =	vld [tilespmem:s28+$0xFFFFFFC0];
	v12 =	vadd.f32 v12, v8  }
0xf9: {  	v20 =	vld [tilespmem:s24+$0xD0];
	v25 =	vor.u32 $0x5, v17;
	v26 =	vadd.f32 v26, v8;
	[tilespmem:v28+s16+$0x0] =	vst.idx.msk $0xffff, v13  }
0xfa: {  	v28 =	vor.u32 $0x6, v17;
	[tilespmem:v23+s16+$0x0] =	vst.idx.msk $0xffff, v12;
	v12 =	vadd.f32 v27, v8;
	v23 =	vld [tilespmem:s28+$0xF0]  }
0xfb: {  	[tilespmem:v14+s16+$0x0] =	vst.idx.msk $0xffff, v26;
	v14 =	vadd.f32 v29, v8;
	v26 =	vld [tilespmem:s28+$0x0];
	v13 =	vadd.s32 v10, v5;
	v27 =	vor.u32 $0x7, v17  }
0xfc: {  	v29 =	vor.u32 $0x7, v13;
	[tilespmem:v18+s16+$0x0] =	vst.idx.msk $0xffff, v12;
	v12 =	vadd.f32 v30, v8;
	v18 =	vld [tilespmem:s28+$0x20]  }
0xfd: {  	[tilespmem:v11+s16+$0x0] =	vst.idx.msk $0xffff, v14;
	v14 =	vld [tilespmem:s28+$0x40];
	v11 =	vadd.f32 v19, v8  }
0xfe: {  	v19 =	vor.u32 $0x1, v21;
	[tilespmem:v25+s16+$0x0] =	vst.idx.msk $0xffff, v12;
	v12 =	vadd.f32 v31, v8;
	v25 =	vld [tilespmem:s28+$0x60]  }
0xff: {  	v30 =	vor.u32 $0x2, v21;
	[tilespmem:v28+s16+$0x0] =	vst.idx.msk $0xffff, v11;
	v11 =	vld [tilespmem:s28+$0x80];
	v23 =	vadd.f32 v23, v7  }
0x100: {  	v28 =	vor.u32 $0x3, v21;
	[tilespmem:v27+s16+$0x0] =	vst.idx.msk $0xffff, v12;
	v12 =	vadd.f32 v26, v8;
	v26 =	vld [tilespmem:s28+$0xA0]  }
0x101: {  	v31 =	vld [tilespmem:s28+$0xC0];
	v27 =	vor.u32 $0x4, v21;
	v18 =	vadd.f32 v18, v8;
	[tilespmem:v29+s16+$0x0] =	vst.idx.msk $0xffff, v23  }
0x102: {  	v23 =	vor.u32 $0x5, v21;
	v29 =	vld [tilespmem:s28+$0xFFFFFF00];
	[tilespmem:v21+s16+$0x0] =	vst.idx.msk $0xffff, v12;
	v12 =	vadd.f32 v14, v8  }
0x103: {  	v14 =	vor.u32 $0x6, v21;
	v21 =	vld [tilespmem:s28+$0xFFFFFF30];
	[tilespmem:v19+s16+$0x0] =	vst.idx.msk $0xffff, v18;
	v18 =	vadd.f32 v25, v8  }
0x104: {  	v33 =	vadd.s32 v10, v4;
	v19 =	vld [tilespmem:s28+$0xFFFFFF50];
	v11 =	vadd.f32 v11, v8;
	[tilespmem:v30+s16+$0x0] =	vst.idx.msk $0xffff, v12  }
0x105: {  	v25 =	vor.u32 $0x1, v33;
	v30 =	vld [tilespmem:s28+$0xFFFFFF70];
	[tilespmem:v28+s16+$0x0] =	vst.idx.msk $0xffff, v18;
	v12 =	vadd.f32 v26, v8  }
0x106: {  	v18 =	vor.u32 $0x2, v33;
	v26 =	vld [tilespmem:s28+$0xFFFFFF90];
	[tilespmem:v27+s16+$0x0] =	vst.idx.msk $0xffff, v11;
	v11 =	vadd.f32 v31, v8  }
0x107: {  	v27 =	vor.u32 $0x3, v33;
	v28 =	vadd.f32 v29, v8;
	v29 =	vld [tilespmem:s28+$0xFFFFFFB0];
	[tilespmem:v23+s16+$0x0] =	vst.idx.msk $0xffff, v12  }
0x108: {  	v31 =	vld [tilespmem:s28+$0xFFFFFFD0];
	v23 =	vor.u32 $0x4, v33;
	v21 =	vadd.f32 v21, v7;
	[tilespmem:v14+s16+$0x0] =	vst.idx.msk $0xffff, v11  }
0x109: {  	v34 =	vor.u32 $0x5, v33;
	v35 =	vor.u32 $0x6, v33;
	[tilespmem:v17+s16+$0x0] =	vst.idx.msk $0xffff, v28;
	v14 =	vadd.f32 v19, v7;
	v28 =	vld [tilespmem:s28+$0xFFFFFFF0]  }
0x10a: {  	v37 =	vor.u32 $0x7, v33;
	v16 =	vadd.f32 v16, v7;
	v36 =	vld [tilespmem:s28+$0xFFFFFF10];
	[tilespmem:v25+s16+$0x0] =	vst.idx.msk $0xffff, v21;
	v19 =	vadd.f32 v30, v7  }
0x10b: {  	v38 =	vld [tilespmem:s28+$0x10];
	v11 =	vor.u32 $0x3, v15;
	v12 =	vor.u32 $0x4, v15;
	[tilespmem:v18+s16+$0x0] =	vst.idx.msk $0xffff, v14;
	v21 =	vadd.f32 v26, v7  }
0x10c: {  	v17 =	vadd.f32 v22, v7;
	v25 =	vor.u32 $0x1, v13;
	[tilespmem:v27+s16+$0x0] =	vst.idx.msk $0xffff, v19;
	v22 =	vadd.f32 v29, v7;
	v27 =	vld [tilespmem:s28+$0x30]  }
0x10d: {  	v32 =	vld [tilespmem:s28+$0x50];
	v14 =	vor.u32 $0x5, v15;
	v18 =	vadd.f32 v24, v7;
	[tilespmem:v23+s16+$0x0] =	vst.idx.msk $0xffff, v21;
	v21 =	vadd.f32 v31, v7  }
0x10e: {  	v30 =	vld [tilespmem:s28+$0x90];
	v15 =	vor.u32 $0x6, v15;
	v19 =	vadd.f32 v20, v7;
	[tilespmem:v34+s16+$0x0] =	vst.idx.msk $0xffff, v22;
	v20 =	vadd.f32 v28, v7  }
0x10f: {  	v26 =	vor.u32 $0x2, v13;
	v24 =	vor.u32 $0x3, v13;
	v29 =	vld [tilespmem:s28+$0x70];
	v28 =	vadd.f32 v36, v7;
	[tilespmem:v35+s16+$0x0] =	vst.idx.msk $0xffff, v21  }
0x110: {  	v23 =	vor.u32 $0x4, v13;
	v31 =	vld [tilespmem:s28+$0xB0];
	v22 =	vor.u32 $0x5, v13;
	v34 =	vadd.f32 v38, v7;
	[tilespmem:v37+s16+$0x0] =	vst.idx.msk $0xffff, v20  }
0x111: {  	s26 =	simm.s32 $0x10;
	v21 =	vor.u32 $0x6, v13;
	v20 =	vadd.s32 $0x10, v4;
	[tilespmem:v33+s16+$0x0] =	vst.idx.msk $0xffff, v28;
	v33 =	vadd.f32 v27, v7;
	v28 =	vld [tilespmem:s28+$0xD0];
	s28 =	sadd.s32 $0x200, s28  }
.LBB2_8:
0x112: {  	v27 =	vadd.s32 v9, v20;
	v35 =	vor.u32 $0x8, v20;
	v36 =	vld [tilespmem:s28+$0xE0];
	s26 =	sadd.s32 $0x10, s26;
	[tilespmem:v13+s16+$0x0] =	vst.idx.msk $0xffff, v34;
	v13 =	vadd.f32 v32, v7  }
0x113: {  	v32 =	vld [tilespmem:s28+$0xFFFFFF20];
	v34 =	vor.u32 $0x1, v27;
	v37 =	vor.u32 $0x2, v27;
	v38 =	vadd.s32 v9, v35;
	p0 =	slt.u32 s26, $0x70;
	[tilespmem:v25+s16+$0x0] =	vst.idx.msk $0xffff, v33  }
0x114: {  	v25 =	vld [tilespmem:s28+$0xFFFFFF40];
	v33 =	vor.u32 $0x1, v38;
	v39 =	vor.u32 $0x2, v38;
	v40 =	vor.u32 $0x7, v38;
	[tilespmem:v26+s16+$0x0] =	vst.idx.msk $0xffff, v13  }
0x115: {  	v41 =	vor.u32 $0x3, v38;
	v42 =	vor.u32 $0x4, v38;
	v43 =	vor.u32 $0x5, v38;
	v13 =	vld [tilespmem:s28+$0xFFFFFF60];
	[tilespmem:v11+s16+$0x0] =	vst.idx.msk $0xffff, v16;
	v11 =	vmovc v24  }
0x116: {  	v44 =	vor.u32 $0x4, v27;
	v45 =	vor.u32 $0x6, v38;
	v24 =	vor.u32 $0x3, v27;
	v26 =	vld [tilespmem:s28+$0xFFFFFF80];
	[tilespmem:v12+s16+$0x0] =	vst.idx.msk $0xffff, v17;
	v12 =	vmovc v23  }
0x117: {  	v46 =	vor.u32 $0x5, v27;
	v47 =	vor.u32 $0x6, v27;
	v23 =	vld [tilespmem:s28+$0xFFFFFFA0];
	v17 =	vadd.f32 v36, v8;
	[tilespmem:v14+s16+$0x0] =	vst.idx.msk $0xffff, v18;
	v14 =	vmovc v22  }
0x118: {  	v16 =	vadd.f32 v29, v7;
	v18 =	vadd.f32 v32, v8;
	v22 =	vld [tilespmem:s28+$0xFFFFFFC0];
	v32 =	vor.u32 $0x7, v27;
	[tilespmem:v15+s16+$0x0] =	vst.idx.msk $0xffff, v19  }
0x119: {  	v15 =	vmov v21;
	v19 =	vadd.f32 v25, v8;
	v29 =	vld [tilespmem:s28+$0xFFFFFFE0];
	[tilespmem:v40+s16+$0x0] =	vst.idx.msk $0xffff, v17;
	v17 =	vadd.f32 v30, v7  }
0x11a: {  	[tilespmem:v34+s16+$0x0] =	vst.idx.msk $0xffff, v18;
	v21 =	vadd.f32 v13, v8;
	v30 =	vld [tilespmem:s28+$0xF0];
	v18 =	vadd.f32 v31, v7  }
0x11b: {  	v13 =	vadd.s32 v10, v35;
	[tilespmem:v37+s16+$0x0] =	vst.idx.msk $0xffff, v19;
	v25 =	vadd.f32 v26, v8;
	v31 =	vld [tilespmem:s28+$0x0]  }
0x11c: {  	v35 =	vor.u32 $0x7, v13;
	v19 =	vadd.f32 v28, v7;
	[tilespmem:v24+s16+$0x0] =	vst.idx.msk $0xffff, v21;
	v21 =	vadd.f32 v23, v8;
	v34 =	vld [tilespmem:s28+$0x20]  }
0x11d: {  	v28 =	vadd.s32 v10, v20;
	[tilespmem:v44+s16+$0x0] =	vst.idx.msk $0xffff, v25;
	v22 =	vadd.f32 v22, v8;
	v25 =	vor.u32 $0x1, v13;
	v36 =	vld [tilespmem:s28+$0x40]  }
0x11e: {  	v26 =	vor.u32 $0x2, v13;
	v24 =	vor.u32 $0x3, v13;
	[tilespmem:v46+s16+$0x0] =	vst.idx.msk $0xffff, v21;
	v21 =	vadd.f32 v29, v8;
	v29 =	vld [tilespmem:s28+$0x60]  }
0x11f: {  	v23 =	vor.u32 $0x4, v13;
	[tilespmem:v47+s16+$0x0] =	vst.idx.msk $0xffff, v22;
	v37 =	vld [tilespmem:s28+$0x80];
	v22 =	vor.u32 $0x5, v13;
	v30 =	vadd.f32 v30, v7  }
0x120: {  	v40 =	vor.u32 $0x1, v28;
	[tilespmem:v32+s16+$0x0] =	vst.idx.msk $0xffff, v21;
	v31 =	vadd.f32 v31, v8;
	v32 =	vld [tilespmem:s28+$0xA0];
	v21 =	vor.u32 $0x6, v13  }
0x121: {  	v44 =	vor.u32 $0x2, v28;
	v46 =	vor.u32 $0x3, v28;
	v34 =	vadd.f32 v34, v8;
	v47 =	vld [tilespmem:s28+$0xC0];
	[tilespmem:v35+s16+$0x0] =	vst.idx.msk $0xffff, v30  }
0x122: {  	v48 =	vor.u32 $0x5, v28;
	v35 =	vor.u32 $0x4, v28;
	v30 =	vld [tilespmem:s28+$0xFFFFFF00];
	[tilespmem:v38+s16+$0x0] =	vst.idx.msk $0xffff, v31;
	v31 =	vadd.f32 v36, v8  }
0x123: {  	v49 =	vor.u32 $0x7, v28;
	v38 =	vor.u32 $0x6, v28;
	v36 =	vld [tilespmem:s28+$0xFFFFFF30];
	[tilespmem:v33+s16+$0x0] =	vst.idx.msk $0xffff, v34;
	v29 =	vadd.f32 v29, v8  }
0x124: {  	v33 =	vld [tilespmem:s28+$0xFFFFFF50];
	[tilespmem:v39+s16+$0x0] =	vst.idx.msk $0xffff, v31;
	v31 =	vadd.f32 v37, v8  }
0x125: {  	v34 =	vld [tilespmem:s28+$0xFFFFFF70];
	[tilespmem:v41+s16+$0x0] =	vst.idx.msk $0xffff, v29;
	v29 =	vadd.f32 v32, v8  }
0x126: {  	v32 =	vld [tilespmem:s28+$0xFFFFFF90];
	[tilespmem:v42+s16+$0x0] =	vst.idx.msk $0xffff, v31;
	v31 =	vadd.f32 v47, v8  }
0x127: {  	v30 =	vadd.f32 v30, v8;
	v37 =	vld [tilespmem:s28+$0xFFFFFFB0];
	[tilespmem:v43+s16+$0x0] =	vst.idx.msk $0xffff, v29  }
0x128: {  	v29 =	vadd.f32 v36, v7;
	v36 =	vld [tilespmem:s28+$0xFFFFFFD0];
	[tilespmem:v45+s16+$0x0] =	vst.idx.msk $0xffff, v31  }
0x129: {  	[tilespmem:v27+s16+$0x0] =	vst.idx.msk $0xffff, v30;
	v27 =	vadd.f32 v33, v7;
	v30 =	vld [tilespmem:s28+$0xFFFFFFF0]  }
0x12a: {  	v31 =	vld [tilespmem:s28+$0xFFFFFF10];
	[tilespmem:v40+s16+$0x0] =	vst.idx.msk $0xffff, v29;
	v29 =	vadd.f32 v34, v7  }
0x12b: {  	[tilespmem:v44+s16+$0x0] =	vst.idx.msk $0xffff, v27;
	v27 =	vadd.f32 v32, v7;
	v33 =	vld [tilespmem:s28+$0x10]  }
0x12c: {  	[tilespmem:v46+s16+$0x0] =	vst.idx.msk $0xffff, v29;
	v29 =	vadd.f32 v37, v7;
	v37 =	vld [tilespmem:s28+$0x30]  }
.Ltmp2:
0x12d: {  	[tilespmem:v35+s16+$0x0] =	vst.idx.msk $0xffff, v27;
	v27 =	vadd.f32 v36, v7;
	v32 =	vld [tilespmem:s28+$0x50];
	(pc) =	sbr.rel @p0 .LBB2_8-.Ltmp2, $4  }
0x12e: {  	[tilespmem:v48+s16+$0x0] =	vst.idx.msk $0xffff, v29;
	v34 =	vadd.f32 v30, v7;
	v29 =	vld [tilespmem:s28+$0x70]  }
0x12f: {  	v35 =	vadd.f32 v31, v7;
	[tilespmem:v38+s16+$0x0] =	vst.idx.msk $0xffff, v27;
	v30 =	vld [tilespmem:s28+$0x90]  }
0x130: {  	[tilespmem:v49+s16+$0x0] =	vst.idx.msk $0xffff, v34;
	v34 =	vadd.f32 v33, v7;
	v31 =	vld [tilespmem:s28+$0xB0]  }
0x131: {  	v20 =	vadd.s32 $0x10, v20;
	[tilespmem:v28+s16+$0x0] =	vst.idx.msk $0xffff, v35;
	v33 =	vadd.f32 v37, v7;
	v28 =	vld [tilespmem:s28+$0xD0];
	s28 =	sadd.s32 $0x200, s28  }
0x132: {  	_ =	sdelay $0x3  }
0x133: {  	[tilespmem:v13+s16+$0x0] =	vst.idx.msk $0xffff, v34  }
0x134: {  	[tilespmem:v11+s16+$0x0] =	vst.idx.msk $0xffff, v16  }
0x135: {  	[tilespmem:v12+s16+$0x0] =	vst.idx.msk $0xffff, v17  }
0x136: {  	v8 =	vadd.f32 v32, v7;
	[tilespmem:v14+s16+$0x0] =	vst.idx.msk $0xffff, v18  }
0x137: {  	[tilespmem:v15+s16+$0x0] =	vst.idx.msk $0xffff, v19;
	s25 =	sadd.s32 $0x1, s25  }
0x138: {  	p0 =	sne.s32 s25, $0x8;
	[tilespmem:v26+s16+$0x0] =	vst.idx.msk $0xffff, v8;
	v8 =	vadd.f32 v29, v7  }
.Ltmp3:
0x139: {  	[tilespmem:v25+s16+$0x0] =	vst.idx.msk $0xffff, v33;
	v9 =	vadd.f32 v30, v7;
	(pc) =	sbr.rel @p0 .LBB2_7-.Ltmp3, $4  }
0x13a: {  	v10 =	vadd.f32 v31, v7;
	[tilespmem:v24+s16+$0x0] =	vst.idx.msk $0xffff, v8  }
0x13b: {  	v7 =	vadd.f32 v28, v7;
	[tilespmem:v23+s16+$0x0] =	vst.idx.msk $0xffff, v9  }
0x13c: {  	[tilespmem:v22+s16+$0x0] =	vst.idx.msk $0xffff, v10  }
0x13d: {  	s24 =	sadd.s32 $0x1000, s24;
	[tilespmem:v21+s16+$0x0] =	vst.idx.msk $0xffff, v7  }
0x13e: {  	s23 =	sshll.u32 s23, $0x14  }
0x13f: {  	s23 =	sor.u32 s5, s23  }
0x140: {  	s23 =	sshrl.u32 s23, $0x3  }
0x141: {  	s23 =	sadd.s32 s8, s23  }
0x142: {  	[hbm4b:s23+s9] =	stream.strided.scatter [tilespmem:s16], [sflag:$0x5], $0x8000, s7, s9, $0x38;
	[tilespmem:$0x1A100] =	vst v63  }
0x143: {  	_ =	swait.ge [sflag:s10], $0x400  }
0x144: {  	[sflag:s10] =	ssyncset.done $0x0  }
0x145: {  	s26 =	simm.s32 $0x8800;
	[sflag:s10] =	ssyncadd.s32 $0xFFFFFC00  }
0x146: {  	[tilespmem:s26], [sflag:$0x4] =	stream.indirect.gather [hbm4b:s6+s20], $0x20, s9, s20, $0xb8;
	[tilespmem:$0x1A100] =	vst v63  }
0x147: {  	s28 =	simm.s32 $0x480;
	s24 =	simm.s32 $0x9800  }
0x148: {  	[tilespmem:s24], [sflag:$0x4] =	stream.indirect.gather [hbm4b:s6+s20], $0x20, s28, s20, $0xb8;
	[tilespmem:$0x1A100] =	vst v63  }
0x149: {  	s25 =	simm.s32 $0xA800;
	s24 =	simm.s32 $0x500  }
0x14a: {  	[tilespmem:s25], [sflag:$0x4] =	stream.indirect.gather [hbm4b:s6+s20], $0x20, s24, s20, $0xb8;
	[tilespmem:$0x1A100] =	vst v63  }
0x14b: {  	s26 =	simm.s32 $0x580;
	s28 =	simm.s32 $0xB800  }
0x14c: {  	[tilespmem:s28], [sflag:$0x4] =	stream.indirect.gather [hbm4b:s6+s20], $0x20, s26, s20, $0xb8;
	[tilespmem:$0x1A100] =	vst v63  }
0x14d: {  	s24 =	simm.s32 $0x600;
	s25 =	simm.s32 $0xC800  }
0x14e: {  	[tilespmem:s25], [sflag:$0x4] =	stream.indirect.gather [hbm4b:s6+s20], $0x20, s24, s20, $0xb8;
	[tilespmem:$0x1A100] =	vst v63  }
0x14f: {  	s26 =	simm.s32 $0x680;
	s28 =	simm.s32 $0xD800  }
0x150: {  	[tilespmem:s28], [sflag:$0x4] =	stream.indirect.gather [hbm4b:s6+s20], $0x20, s26, s20, $0xb8;
	[tilespmem:$0x1A100] =	vst v63  }
0x151: {  	s24 =	simm.s32 $0x700;
	s25 =	simm.s32 $0xE800  }
0x152: {  	[tilespmem:s25], [sflag:$0x4] =	stream.indirect.gather [hbm4b:s6+s20], $0x20, s24, s20, $0xb8;
	[tilespmem:$0x1A100] =	vst v63  }
0x153: {  	s26 =	simm.s32 $0x780;
	s28 =	simm.s32 $0xF800  }
0x154: {  	[tilespmem:s28], [sflag:$0x4] =	stream.indirect.gather [hbm4b:s6+s20], $0x20, s26, s20, $0xb8;
	[tilespmem:$0x1A100] =	vst v63  }
0x155: {  	s25 =	sadd.s32 s13, s21;
	s21 =	sadd.s32 $0x2, s22;
	_ =	swait.ge [sflag:s15], $0x8000  }
0x156: {  	s22 =	simm.s32 $0x0;
	s26 =	sshrl.u32 s25, $0x3;
	[sflag:s15] =	ssyncset.done $0x0  }
0x157: {  	s28 =	sshll.u32 s21, $0x8;
	s23 =	sadd.s32 s1, s26;
	[sflag:s15] =	ssyncadd.s32 $0xFFFF8000  }
0x158: {  	[tilespmem:s22], [sflag:$0x1] =	stream.linear.gather [hbm4b:s23+s22], $0x400, $0x38;
	[tilespmem:$0x1A100] =	vst v63  }
0x159: {  	s23 =	sand.u32 $0x3FFFFF00, s28;
	_ =	swait.ge [sflag:s18], $0x8000  }
0x15a: {  	s23 =	sadd.s32 $0x18800, s23;
	[sflag:s18] =	ssyncset.done $0x0  }
0x15b: {  	v6 =	vmov s23;
	s23 =	simm.s32 $0x900;
	[sflag:s18] =	ssyncadd.s32 $0xFFFF8000  }
.LBB2_11:
0x15c: {  	v11 =	vld [tilespmem:s23+$0xE0]  }
0x15d: {  	s25 =	sshll.u32 s22, $0x2;
	v12 =	vld [tilespmem:s23+$0xFFFFFF20]  }
0x15e: {  	s24 =	sshll.u32 s22, $0x5;
	v14 =	vld [tilespmem:s23+$0xFFFFFF40];
	v9 =	vmov s25  }
0x15f: {  	v16 =	vld [tilespmem:s23+$0xFFFFFF60];
	s24 =	sand.u32 $0x3FFFFFE0, s24;
	v10 =	vshll.u32 v9, $0xA  }
0x160: {  	v8 =	vld.idx.msk [tilespmem:v6+s24+$0x0 ss:$0x1], $0xffff;
	v9 =	vor.u32 v0, v10  }
0x161: {  	v17 =	vld [tilespmem:s23+$0xFFFFFF80];
	v13 =	vadd.s32 v9, v3  }
0x162: {  	v18 =	vld [tilespmem:s23+$0xFFFFFFA0];
	v19 =	vadd.s32 v9, v2;
	v15 =	vor.u32 $0x7, v13  }
0x163: {  	v20 =	vld [tilespmem:s23+$0xFFFFFFC0];
	v21 =	vor.u32 $0x1, v19  }
0x164: {  	v22 =	vld [tilespmem:s23+$0xFFFFFFE0]  }
0x165: {  	v25 =	vld [tilespmem:s23+$0x0];
	v24 =	vor.u32 $0x3, v19;
	v11 =	vadd.f32 v11, v8  }
0x166: {  	v27 =	vld [tilespmem:s23+$0x20];
	v12 =	vadd.f32 v12, v8  }
0x167: {  	v7 =	vld.idx.msk [tilespmem:v6+s24+$0x10 ss:$0x1], $0xffff;
	v28 =	vor.u32 $0x5, v19;
	[tilespmem:v15+s16+$0x0] =	vst.idx.msk $0xffff, v11  }
0x168: {  	v29 =	vld [tilespmem:s23+$0x40];
	s28 =	sadd.s32 $0x200, s23;
	v11 =	vor.u32 $0x2, v19;
	[tilespmem:v21+s16+$0x0] =	vst.idx.msk $0xffff, v12;
	v12 =	vadd.f32 v16, v8  }
0x169: {  	v31 =	vld [tilespmem:s28+$0xFFFFFFE0];
	v21 =	vor.u32 $0x7, v19  }
0x16a: {  	v26 =	vor.u32 $0x4, v19;
	v16 =	vld [tilespmem:s23+$0x60];
	[tilespmem:v24+s16+$0x0] =	vst.idx.msk $0xffff, v12;
	v12 =	vadd.f32 v18, v8  }
0x16b: {  	v14 =	vadd.f32 v14, v8;
	v23 =	vld [tilespmem:s23+$0xF0];
	v24 =	vor.u32 $0x1, v13  }
0x16c: {  	v10 =	vor.u32 v1, v10;
	v30 =	vor.u32 $0x6, v19;
	v18 =	vld [tilespmem:s23+$0xA0];
	[tilespmem:v28+s16+$0x0] =	vst.idx.msk $0xffff, v12;
	v12 =	vadd.f32 v22, v8  }
0x16d: {  	v15 =	vadd.s32 v10, v3;
	v22 =	vld [tilespmem:s23+$0xFFFFFF00];
	[tilespmem:v11+s16+$0x0] =	vst.idx.msk $0xffff, v14;
	v11 =	vadd.f32 v17, v8  }
0x16e: {  	v27 =	vadd.f32 v27, v8;
	v14 =	vld [tilespmem:s23+$0x80];
	v17 =	vor.u32 $0x7, v15;
	[tilespmem:v21+s16+$0x0] =	vst.idx.msk $0xffff, v12  }
0x16f: {  	v21 =	vld [tilespmem:s23+$0xFFFFFF50];
	[tilespmem:v26+s16+$0x0] =	vst.idx.msk $0xffff, v11;
	v11 =	vadd.f32 v20, v8;
	v26 =	vor.u32 $0x2, v13  }
0x170: {  	v12 =	vadd.f32 v25, v8;
	v25 =	vor.u32 $0x3, v13;
	v20 =	vld [tilespmem:s23+$0xC0];
	[tilespmem:v24+s16+$0x0] =	vst.idx.msk $0xffff, v27  }
0x171: {  	v24 =	vld [tilespmem:s23+$0xFFFFFFB0];
	[tilespmem:v30+s16+$0x0] =	vst.idx.msk $0xffff, v11;
	v11 =	vadd.f32 v23, v7  }
0x172: {  	[tilespmem:v13+s16+$0x0] =	vst.idx.msk $0xffff, v12;
	v12 =	vadd.f32 v29, v8;
	v29 =	vor.u32 $0x5, v13;
	v23 =	vld [tilespmem:s23+$0xFFFFFF30]  }
0x173: {  	v16 =	vadd.f32 v16, v8;
	v27 =	vadd.s32 v10, v2;
	v28 =	vld [tilespmem:s23+$0xFFFFFF90];
	[tilespmem:v17+s16+$0x0] =	vst.idx.msk $0xffff, v11;
	v17 =	vor.u32 $0x4, v13  }
0x174: {  	v22 =	vadd.f32 v22, v8;
	v11 =	vld [tilespmem:s23+$0xFFFFFF70];
	[tilespmem:v26+s16+$0x0] =	vst.idx.msk $0xffff, v12;
	v26 =	vor.u32 $0x1, v27  }
0x175: {  	v30 =	vld [tilespmem:s28+$0xFFFFFFA0];
	v13 =	vor.u32 $0x6, v13;
	[tilespmem:v25+s16+$0x0] =	vst.idx.msk $0xffff, v16;
	v16 =	vadd.f32 v18, v8  }
0x176: {  	v14 =	vadd.f32 v14, v8;
	[tilespmem:v19+s16+$0x0] =	vst.idx.msk $0xffff, v22;
	v19 =	vld [tilespmem:s23+$0xFFFFFFF0];
	v25 =	vor.u32 $0x3, v27  }
0x177: {  	v22 =	vor.u32 $0x2, v27;
	v12 =	vld [tilespmem:s23+$0xFFFFFFD0];
	[tilespmem:v29+s16+$0x0] =	vst.idx.msk $0xffff, v16;
	v16 =	vadd.f32 v23, v7  }
0x178: {  	v18 =	vld [tilespmem:s23+$0xFFFFFF10];
	v29 =	vor.u32 $0x5, v27;
	[tilespmem:v17+s16+$0x0] =	vst.idx.msk $0xffff, v14;
	v14 =	vadd.f32 v20, v8  }
0x179: {  	v23 =	vld [tilespmem:s23+$0x30];
	v20 =	vor.u32 $0x4, v27;
	v11 =	vadd.f32 v11, v7;
	[tilespmem:v26+s16+$0x0] =	vst.idx.msk $0xffff, v16  }
0x17a: {  	v17 =	vld [tilespmem:s23+$0x10];
	[tilespmem:v13+s16+$0x0] =	vst.idx.msk $0xffff, v14;
	v13 =	vadd.f32 v21, v7;
	v21 =	vor.u32 $0x6, v27  }
0x17b: {  	v16 =	vld [tilespmem:s23+$0x70];
	v26 =	vor.u32 $0x7, v27;
	[tilespmem:v25+s16+$0x0] =	vst.idx.msk $0xffff, v11;
	v11 =	vadd.f32 v24, v7  }
0x17c: {  	v14 =	vld [tilespmem:s23+$0x50];
	[tilespmem:v22+s16+$0x0] =	vst.idx.msk $0xffff, v13;
	v13 =	vadd.f32 v28, v7  }
0x17d: {  	v12 =	vadd.f32 v12, v7;
	v24 =	vld [tilespmem:s23+$0xB0];
	[tilespmem:v29+s16+$0x0] =	vst.idx.msk $0xffff, v11  }
0x17e: {  	v11 =	vadd.f32 v19, v7;
	v19 =	vld [tilespmem:s28+$0xE0];
	[tilespmem:v20+s16+$0x0] =	vst.idx.msk $0xffff, v13;
	v13 =	vor.u32 $0x1, v15  }
0x17f: {  	v18 =	vadd.f32 v18, v7;
	v25 =	vor.u32 $0x2, v15;
	[tilespmem:v21+s16+$0x0] =	vst.idx.msk $0xffff, v12;
	v12 =	vld [tilespmem:s28+$0xFFFFFF20];
	v21 =	vadd.s32 v9, v5  }
0x180: {  	[tilespmem:v26+s16+$0x0] =	vst.idx.msk $0xffff, v11;
	v11 =	vadd.f32 v17, v7;
	v17 =	vadd.s32 v9, v4;
	v26 =	vld [tilespmem:s28+$0xFFFFFF40];
	v28 =	vor.u32 $0x7, v21  }
0x181: {  	[tilespmem:v27+s16+$0x0] =	vst.idx.msk $0xffff, v18;
	v18 =	vadd.f32 v23, v7;
	v27 =	vld [tilespmem:s28+$0xFFFFFF60];
	v23 =	vor.u32 $0x1, v17  }
0x182: {  	v29 =	vld [tilespmem:s28+$0xFFFFFF80];
	[tilespmem:v15+s16+$0x0] =	vst.idx.msk $0xffff, v11;
	v11 =	vadd.f32 v14, v7;
	v14 =	vor.u32 $0x2, v17  }
0x183: {  	v22 =	vld [tilespmem:s23+$0x90];
	[tilespmem:v13+s16+$0x0] =	vst.idx.msk $0xffff, v18;
	v18 =	vor.u32 $0x3, v17;
	v13 =	vadd.f32 v19, v8  }
0x184: {  	[tilespmem:v25+s16+$0x0] =	vst.idx.msk $0xffff, v11;
	v11 =	vor.u32 $0x4, v17;
	v19 =	vld [tilespmem:s28+$0xFFFFFFC0];
	v12 =	vadd.f32 v12, v8  }
0x185: {  	v20 =	vld [tilespmem:s23+$0xD0];
	v25 =	vor.u32 $0x5, v17;
	v26 =	vadd.f32 v26, v8;
	[tilespmem:v28+s16+$0x0] =	vst.idx.msk $0xffff, v13  }
0x186: {  	v28 =	vor.u32 $0x6, v17;
	[tilespmem:v23+s16+$0x0] =	vst.idx.msk $0xffff, v12;
	v12 =	vadd.f32 v27, v8;
	v23 =	vld [tilespmem:s28+$0xF0]  }
0x187: {  	[tilespmem:v14+s16+$0x0] =	vst.idx.msk $0xffff, v26;
	v14 =	vadd.f32 v29, v8;
	v26 =	vld [tilespmem:s28+$0x0];
	v13 =	vadd.s32 v10, v5;
	v27 =	vor.u32 $0x7, v17  }
0x188: {  	v29 =	vor.u32 $0x7, v13;
	[tilespmem:v18+s16+$0x0] =	vst.idx.msk $0xffff, v12;
	v12 =	vadd.f32 v30, v8;
	v18 =	vld [tilespmem:s28+$0x20]  }
0x189: {  	[tilespmem:v11+s16+$0x0] =	vst.idx.msk $0xffff, v14;
	v14 =	vld [tilespmem:s28+$0x40];
	v11 =	vadd.f32 v19, v8  }
0x18a: {  	v19 =	vor.u32 $0x1, v21;
	[tilespmem:v25+s16+$0x0] =	vst.idx.msk $0xffff, v12;
	v12 =	vadd.f32 v31, v8;
	v25 =	vld [tilespmem:s28+$0x60]  }
0x18b: {  	v30 =	vor.u32 $0x2, v21;
	[tilespmem:v28+s16+$0x0] =	vst.idx.msk $0xffff, v11;
	v11 =	vld [tilespmem:s28+$0x80];
	v23 =	vadd.f32 v23, v7  }
0x18c: {  	v28 =	vor.u32 $0x3, v21;
	[tilespmem:v27+s16+$0x0] =	vst.idx.msk $0xffff, v12;
	v12 =	vadd.f32 v26, v8;
	v26 =	vld [tilespmem:s28+$0xA0]  }
0x18d: {  	v31 =	vld [tilespmem:s28+$0xC0];
	v27 =	vor.u32 $0x4, v21;
	v18 =	vadd.f32 v18, v8;
	[tilespmem:v29+s16+$0x0] =	vst.idx.msk $0xffff, v23  }
0x18e: {  	v23 =	vor.u32 $0x5, v21;
	v29 =	vld [tilespmem:s28+$0xFFFFFF00];
	[tilespmem:v21+s16+$0x0] =	vst.idx.msk $0xffff, v12;
	v12 =	vadd.f32 v14, v8  }
0x18f: {  	v14 =	vor.u32 $0x6, v21;
	v21 =	vld [tilespmem:s28+$0xFFFFFF30];
	[tilespmem:v19+s16+$0x0] =	vst.idx.msk $0xffff, v18;
	v18 =	vadd.f32 v25, v8  }
0x190: {  	v33 =	vadd.s32 v10, v4;
	v19 =	vld [tilespmem:s28+$0xFFFFFF50];
	v11 =	vadd.f32 v11, v8;
	[tilespmem:v30+s16+$0x0] =	vst.idx.msk $0xffff, v12  }
0x191: {  	v25 =	vor.u32 $0x1, v33;
	v30 =	vld [tilespmem:s28+$0xFFFFFF70];
	[tilespmem:v28+s16+$0x0] =	vst.idx.msk $0xffff, v18;
	v12 =	vadd.f32 v26, v8  }
0x192: {  	v18 =	vor.u32 $0x2, v33;
	v26 =	vld [tilespmem:s28+$0xFFFFFF90];
	[tilespmem:v27+s16+$0x0] =	vst.idx.msk $0xffff, v11;
	v11 =	vadd.f32 v31, v8  }
0x193: {  	v27 =	vor.u32 $0x3, v33;
	v28 =	vadd.f32 v29, v8;
	v29 =	vld [tilespmem:s28+$0xFFFFFFB0];
	[tilespmem:v23+s16+$0x0] =	vst.idx.msk $0xffff, v12  }
0x194: {  	v31 =	vld [tilespmem:s28+$0xFFFFFFD0];
	v23 =	vor.u32 $0x4, v33;
	v21 =	vadd.f32 v21, v7;
	[tilespmem:v14+s16+$0x0] =	vst.idx.msk $0xffff, v11  }
0x195: {  	v34 =	vor.u32 $0x5, v33;
	v35 =	vor.u32 $0x6, v33;
	[tilespmem:v17+s16+$0x0] =	vst.idx.msk $0xffff, v28;
	v14 =	vadd.f32 v19, v7;
	v28 =	vld [tilespmem:s28+$0xFFFFFFF0]  }
0x196: {  	v37 =	vor.u32 $0x7, v33;
	v16 =	vadd.f32 v16, v7;
	v36 =	vld [tilespmem:s28+$0xFFFFFF10];
	[tilespmem:v25+s16+$0x0] =	vst.idx.msk $0xffff, v21;
	v19 =	vadd.f32 v30, v7  }
0x197: {  	v38 =	vld [tilespmem:s28+$0x10];
	v11 =	vor.u32 $0x3, v15;
	v12 =	vor.u32 $0x4, v15;
	[tilespmem:v18+s16+$0x0] =	vst.idx.msk $0xffff, v14;
	v21 =	vadd.f32 v26, v7  }
0x198: {  	v17 =	vadd.f32 v22, v7;
	v25 =	vor.u32 $0x1, v13;
	[tilespmem:v27+s16+$0x0] =	vst.idx.msk $0xffff, v19;
	v22 =	vadd.f32 v29, v7;
	v27 =	vld [tilespmem:s28+$0x30]  }
0x199: {  	v32 =	vld [tilespmem:s28+$0x50];
	v14 =	vor.u32 $0x5, v15;
	v18 =	vadd.f32 v24, v7;
	[tilespmem:v23+s16+$0x0] =	vst.idx.msk $0xffff, v21;
	v21 =	vadd.f32 v31, v7  }
0x19a: {  	v30 =	vld [tilespmem:s28+$0x90];
	v15 =	vor.u32 $0x6, v15;
	v19 =	vadd.f32 v20, v7;
	[tilespmem:v34+s16+$0x0] =	vst.idx.msk $0xffff, v22;
	v20 =	vadd.f32 v28, v7  }
0x19b: {  	v26 =	vor.u32 $0x2, v13;
	v24 =	vor.u32 $0x3, v13;
	v29 =	vld [tilespmem:s28+$0x70];
	v28 =	vadd.f32 v36, v7;
	[tilespmem:v35+s16+$0x0] =	vst.idx.msk $0xffff, v21  }
0x19c: {  	v23 =	vor.u32 $0x4, v13;
	v31 =	vld [tilespmem:s28+$0xB0];
	v22 =	vor.u32 $0x5, v13;
	v34 =	vadd.f32 v38, v7;
	[tilespmem:v37+s16+$0x0] =	vst.idx.msk $0xffff, v20  }
0x19d: {  	s25 =	sadd.s32 $0x200, s28;
	s24 =	simm.s32 $0x10;
	v21 =	vor.u32 $0x6, v13;
	v20 =	vadd.s32 $0x10, v4;
	[tilespmem:v33+s16+$0x0] =	vst.idx.msk $0xffff, v28;
	v33 =	vadd.f32 v27, v7;
	v28 =	vld [tilespmem:s28+$0xD0]  }
.LBB2_12:
0x19e: {  	v27 =	vadd.s32 v9, v20;
	v35 =	vor.u32 $0x8, v20;
	v36 =	vld [tilespmem:s25+$0xE0];
	s24 =	sadd.s32 $0x10, s24;
	[tilespmem:v13+s16+$0x0] =	vst.idx.msk $0xffff, v34;
	v13 =	vadd.f32 v32, v7  }
0x19f: {  	v32 =	vld [tilespmem:s25+$0xFFFFFF20];
	v34 =	vor.u32 $0x1, v27;
	v37 =	vor.u32 $0x2, v27;
	v38 =	vadd.s32 v9, v35;
	p0 =	slt.u32 s24, $0x70;
	[tilespmem:v25+s16+$0x0] =	vst.idx.msk $0xffff, v33  }
0x1a0: {  	v25 =	vld [tilespmem:s25+$0xFFFFFF40];
	v33 =	vor.u32 $0x1, v38;
	v39 =	vor.u32 $0x2, v38;
	v40 =	vor.u32 $0x7, v38;
	[tilespmem:v26+s16+$0x0] =	vst.idx.msk $0xffff, v13  }
0x1a1: {  	v41 =	vor.u32 $0x3, v38;
	v42 =	vor.u32 $0x4, v38;
	v43 =	vor.u32 $0x5, v38;
	v13 =	vld [tilespmem:s25+$0xFFFFFF60];
	[tilespmem:v11+s16+$0x0] =	vst.idx.msk $0xffff, v16;
	v11 =	vmovc v24  }
0x1a2: {  	v44 =	vor.u32 $0x4, v27;
	v45 =	vor.u32 $0x6, v38;
	v24 =	vor.u32 $0x3, v27;
	v26 =	vld [tilespmem:s25+$0xFFFFFF80];
	[tilespmem:v12+s16+$0x0] =	vst.idx.msk $0xffff, v17;
	v12 =	vmovc v23  }
0x1a3: {  	v46 =	vor.u32 $0x5, v27;
	v47 =	vor.u32 $0x6, v27;
	v23 =	vld [tilespmem:s25+$0xFFFFFFA0];
	v17 =	vadd.f32 v36, v8;
	[tilespmem:v14+s16+$0x0] =	vst.idx.msk $0xffff, v18;
	v14 =	vmovc v22  }
0x1a4: {  	v16 =	vadd.f32 v29, v7;
	v18 =	vadd.f32 v32, v8;
	v22 =	vld [tilespmem:s25+$0xFFFFFFC0];
	v32 =	vor.u32 $0x7, v27;
	[tilespmem:v15+s16+$0x0] =	vst.idx.msk $0xffff, v19  }
0x1a5: {  	v15 =	vmov v21;
	v19 =	vadd.f32 v25, v8;
	v29 =	vld [tilespmem:s25+$0xFFFFFFE0];
	[tilespmem:v40+s16+$0x0] =	vst.idx.msk $0xffff, v17;
	v17 =	vadd.f32 v30, v7  }
0x1a6: {  	[tilespmem:v34+s16+$0x0] =	vst.idx.msk $0xffff, v18;
	v21 =	vadd.f32 v13, v8;
	v30 =	vld [tilespmem:s25+$0xF0];
	v18 =	vadd.f32 v31, v7  }
0x1a7: {  	v13 =	vadd.s32 v10, v35;
	[tilespmem:v37+s16+$0x0] =	vst.idx.msk $0xffff, v19;
	v25 =	vadd.f32 v26, v8;
	v31 =	vld [tilespmem:s25+$0x0]  }
0x1a8: {  	v35 =	vor.u32 $0x7, v13;
	v19 =	vadd.f32 v28, v7;
	[tilespmem:v24+s16+$0x0] =	vst.idx.msk $0xffff, v21;
	v21 =	vadd.f32 v23, v8;
	v34 =	vld [tilespmem:s25+$0x20]  }
0x1a9: {  	v28 =	vadd.s32 v10, v20;
	[tilespmem:v44+s16+$0x0] =	vst.idx.msk $0xffff, v25;
	v22 =	vadd.f32 v22, v8;
	v25 =	vor.u32 $0x1, v13;
	v36 =	vld [tilespmem:s25+$0x40]  }
0x1aa: {  	v26 =	vor.u32 $0x2, v13;
	v24 =	vor.u32 $0x3, v13;
	[tilespmem:v46+s16+$0x0] =	vst.idx.msk $0xffff, v21;
	v21 =	vadd.f32 v29, v8;
	v29 =	vld [tilespmem:s25+$0x60]  }
0x1ab: {  	v23 =	vor.u32 $0x4, v13;
	[tilespmem:v47+s16+$0x0] =	vst.idx.msk $0xffff, v22;
	v37 =	vld [tilespmem:s25+$0x80];
	v22 =	vor.u32 $0x5, v13;
	v30 =	vadd.f32 v30, v7  }
0x1ac: {  	v40 =	vor.u32 $0x1, v28;
	[tilespmem:v32+s16+$0x0] =	vst.idx.msk $0xffff, v21;
	v31 =	vadd.f32 v31, v8;
	v32 =	vld [tilespmem:s25+$0xA0];
	v21 =	vor.u32 $0x6, v13  }
0x1ad: {  	v44 =	vor.u32 $0x2, v28;
	v46 =	vor.u32 $0x3, v28;
	v34 =	vadd.f32 v34, v8;
	v47 =	vld [tilespmem:s25+$0xC0];
	[tilespmem:v35+s16+$0x0] =	vst.idx.msk $0xffff, v30  }
0x1ae: {  	v48 =	vor.u32 $0x5, v28;
	v35 =	vor.u32 $0x4, v28;
	v30 =	vld [tilespmem:s25+$0xFFFFFF00];
	[tilespmem:v38+s16+$0x0] =	vst.idx.msk $0xffff, v31;
	v31 =	vadd.f32 v36, v8  }
0x1af: {  	v49 =	vor.u32 $0x7, v28;
	v38 =	vor.u32 $0x6, v28;
	v36 =	vld [tilespmem:s25+$0xFFFFFF30];
	[tilespmem:v33+s16+$0x0] =	vst.idx.msk $0xffff, v34;
	v29 =	vadd.f32 v29, v8  }
0x1b0: {  	v33 =	vld [tilespmem:s25+$0xFFFFFF50];
	[tilespmem:v39+s16+$0x0] =	vst.idx.msk $0xffff, v31;
	v31 =	vadd.f32 v37, v8  }
0x1b1: {  	v34 =	vld [tilespmem:s25+$0xFFFFFF70];
	[tilespmem:v41+s16+$0x0] =	vst.idx.msk $0xffff, v29;
	v29 =	vadd.f32 v32, v8  }
0x1b2: {  	v32 =	vld [tilespmem:s25+$0xFFFFFF90];
	[tilespmem:v42+s16+$0x0] =	vst.idx.msk $0xffff, v31;
	v31 =	vadd.f32 v47, v8  }
0x1b3: {  	v30 =	vadd.f32 v30, v8;
	v37 =	vld [tilespmem:s25+$0xFFFFFFB0];
	[tilespmem:v43+s16+$0x0] =	vst.idx.msk $0xffff, v29  }
0x1b4: {  	v29 =	vadd.f32 v36, v7;
	v36 =	vld [tilespmem:s25+$0xFFFFFFD0];
	[tilespmem:v45+s16+$0x0] =	vst.idx.msk $0xffff, v31  }
0x1b5: {  	[tilespmem:v27+s16+$0x0] =	vst.idx.msk $0xffff, v30;
	v27 =	vadd.f32 v33, v7;
	v30 =	vld [tilespmem:s25+$0xFFFFFFF0]  }
0x1b6: {  	v31 =	vld [tilespmem:s25+$0xFFFFFF10];
	[tilespmem:v40+s16+$0x0] =	vst.idx.msk $0xffff, v29;
	v29 =	vadd.f32 v34, v7  }
0x1b7: {  	[tilespmem:v44+s16+$0x0] =	vst.idx.msk $0xffff, v27;
	v27 =	vadd.f32 v32, v7;
	v33 =	vld [tilespmem:s25+$0x10]  }
0x1b8: {  	[tilespmem:v46+s16+$0x0] =	vst.idx.msk $0xffff, v29;
	v29 =	vadd.f32 v37, v7;
	v37 =	vld [tilespmem:s25+$0x30]  }
.Ltmp4:
0x1b9: {  	[tilespmem:v35+s16+$0x0] =	vst.idx.msk $0xffff, v27;
	v27 =	vadd.f32 v36, v7;
	v32 =	vld [tilespmem:s25+$0x50];
	(pc) =	sbr.rel @p0 .LBB2_12-.Ltmp4, $4  }
0x1ba: {  	[tilespmem:v48+s16+$0x0] =	vst.idx.msk $0xffff, v29;
	v34 =	vadd.f32 v30, v7;
	v29 =	vld [tilespmem:s25+$0x70]  }
0x1bb: {  	v35 =	vadd.f32 v31, v7;
	[tilespmem:v38+s16+$0x0] =	vst.idx.msk $0xffff, v27;
	v30 =	vld [tilespmem:s25+$0x90]  }
0x1bc: {  	[tilespmem:v49+s16+$0x0] =	vst.idx.msk $0xffff, v34;
	v34 =	vadd.f32 v33, v7;
	v31 =	vld [tilespmem:s25+$0xB0]  }
0x1bd: {  	v20 =	vadd.s32 $0x10, v20;
	[tilespmem:v28+s16+$0x0] =	vst.idx.msk $0xffff, v35;
	v33 =	vadd.f32 v37, v7;
	v28 =	vld [tilespmem:s25+$0xD0];
	s25 =	sadd.s32 $0x200, s25  }
0x1be: {  	_ =	sdelay $0x3  }
0x1bf: {  	[tilespmem:v13+s16+$0x0] =	vst.idx.msk $0xffff, v34  }
0x1c0: {  	[tilespmem:v11+s16+$0x0] =	vst.idx.msk $0xffff, v16  }
0x1c1: {  	[tilespmem:v12+s16+$0x0] =	vst.idx.msk $0xffff, v17  }
0x1c2: {  	v8 =	vadd.f32 v32, v7;
	[tilespmem:v14+s16+$0x0] =	vst.idx.msk $0xffff, v18  }
0x1c3: {  	[tilespmem:v15+s16+$0x0] =	vst.idx.msk $0xffff, v19;
	s22 =	sadd.s32 $0x1, s22  }
0x1c4: {  	p0 =	sne.s32 s22, $0x8;
	[tilespmem:v26+s16+$0x0] =	vst.idx.msk $0xffff, v8;
	v8 =	vadd.f32 v29, v7  }
.Ltmp5:
0x1c5: {  	[tilespmem:v25+s16+$0x0] =	vst.idx.msk $0xffff, v33;
	v9 =	vadd.f32 v30, v7;
	(pc) =	sbr.rel @p0 .LBB2_11-.Ltmp5, $4  }
0x1c6: {  	v10 =	vadd.f32 v31, v7;
	[tilespmem:v24+s16+$0x0] =	vst.idx.msk $0xffff, v8  }
0x1c7: {  	v7 =	vadd.f32 v28, v7;
	[tilespmem:v23+s16+$0x0] =	vst.idx.msk $0xffff, v9  }
0x1c8: {  	[tilespmem:v22+s16+$0x0] =	vst.idx.msk $0xffff, v10  }
0x1c9: {  	s23 =	sadd.s32 $0x1000, s23;
	[tilespmem:v21+s16+$0x0] =	vst.idx.msk $0xffff, v7  }
0x1ca: {  	s14 =	sadd.s32 $0x1, s14  }
0x1cb: {  	p0 =	sne.s32 s14, $0xB  }
.Ltmp6:
0x1cc: {  	s21 =	sshll.u32 s21, $0x14;
	(pc) =	sbr.rel @p0 .LBB2_6-.Ltmp6, $4  }
0x1cd: {  	s21 =	sor.u32 s5, s21  }
0x1ce: {  	s21 =	sshrl.u32 s21, $0x3  }
0x1cf: {  	s21 =	sadd.s32 s8, s21  }
0x1d0: {  	[hbm4b:s21+s9] =	stream.strided.scatter [tilespmem:s16], [sflag:$0x5], $0x8000, s7, s9, $0x38;
	[tilespmem:$0x1A100] =	vst v63  }
0x1d1: {  	_ =	swait.ge [sflag:s19], $0x400  }
0x1d2: {  	[sflag:s19] =	ssyncset.done $0x0  }
0x1d3: {  	s4 =	simm.s32 $0x0;
	s14 =	simm.s32 $0x800;
	[sflag:s19] =	ssyncadd.s32 $0xFFFFFC00  }
0x1d4: {  	[tilespmem:s14], [sflag:$0x3] =	stream.indirect.gather [hbm4b:s6+s20], $0x20, s4, s20, $0xb8;
	[tilespmem:$0x1A100] =	vst v63  }
0x1d5: {  	s23 =	simm.s32 $0x1800  }
0x1d6: {  	[tilespmem:s23], [sflag:$0x3] =	stream.indirect.gather [hbm4b:s6+s20], $0x20, s20, s20, $0xb8;
	[tilespmem:$0x1A100] =	vst v63  }
0x1d7: {  	s24 =	simm.s32 $0x100;
	s21 =	simm.s32 $0x2800  }
0x1d8: {  	[tilespmem:s21], [sflag:$0x3] =	stream.indirect.gather [hbm4b:s6+s20], $0x20, s24, s20, $0xb8;
	[tilespmem:$0x1A100] =	vst v63  }
0x1d9: {  	s25 =	simm.s32 $0x180;
	s26 =	simm.s32 $0x3800  }
0x1da: {  	[tilespmem:s26], [sflag:$0x3] =	stream.indirect.gather [hbm4b:s6+s20], $0x20, s25, s20, $0xb8;
	[tilespmem:$0x1A100] =	vst v63  }
0x1db: {  	s28 =	simm.s32 $0x200  }
0x1dc: {  	[tilespmem:s29], [sflag:$0x3] =	stream.indirect.gather [hbm4b:s6+s20], $0x20, s28, s20, $0xb8;
	[tilespmem:$0x1A100] =	vst v63  }
0x1dd: {  	_ = 	snop  }
0x1de: {  	[tilespmem:s31], [sflag:$0x3] =	stream.indirect.gather [hbm4b:s6+s20], $0x20, s30, s20, $0xb8;
	[tilespmem:$0x1A100] =	vst v63  }
0x1df: {  	_ = 	snop  }
0x1e0: {  	[tilespmem:s2], [sflag:$0x3] =	stream.indirect.gather [hbm4b:s6+s20], $0x20, s0, s20, $0xb8;
	[tilespmem:$0x1A100] =	vst v63  }
0x1e1: {  	_ = 	snop  }
0x1e2: {  	[tilespmem:s17], [sflag:$0x3] =	stream.indirect.gather [hbm4b:s6+s20], $0x20, s3, s20, $0xb8;
	[tilespmem:$0x1A100] =	vst v63  }
0x1e3: {  	_ =	swait.ge [sflag:s11], $0x8000  }
0x1e4: {  	[sflag:s11] =	ssyncset.done $0x0  }
0x1e5: {  	[sflag:s11] =	ssyncadd.s32 $0xFFFF8000  }
0x1e6: {  	_ =	swait.ge [sflag:s18], $0x8000  }
0x1e7: {  	[sflag:s18] =	ssyncset.done $0x0  }
0x1e8: {  	s14 =	simm.s32 $0x8900;
	[sflag:s18] =	ssyncadd.s32 $0xFFFF8000  }
.LBB2_16:
0x1e9: {  	v10 =	vld [tilespmem:s14+$0xE0]  }
0x1ea: {  	s22 =	sshll.u32 s4, $0x2;
	v11 =	vld [tilespmem:s14+$0xFFFFFF20]  }
0x1eb: {  	s21 =	sshll.u32 s4, $0x5;
	v13 =	vld [tilespmem:s14+$0xFFFFFF40];
	v8 =	vmov s22  }
0x1ec: {  	v15 =	vld [tilespmem:s14+$0xFFFFFF60];
	s21 =	sand.u32 $0x3FFFFFE0, s21;
	v9 =	vshll.u32 v8, $0xA  }
0x1ed: {  	v7 =	vld [tilespmem:s21+$0x19F00];
	v8 =	vor.u32 v0, v9  }
0x1ee: {  	v16 =	vld [tilespmem:s14+$0xFFFFFF80];
	v12 =	vadd.s32 v8, v3  }
0x1ef: {  	v17 =	vld [tilespmem:s14+$0xFFFFFFA0];
	v18 =	vadd.s32 v8, v2;
	v14 =	vor.u32 $0x7, v12  }
0x1f0: {  	v19 =	vld [tilespmem:s14+$0xFFFFFFC0];
	v20 =	vor.u32 $0x1, v18  }
0x1f1: {  	v21 =	vld [tilespmem:s14+$0xFFFFFFE0]  }
0x1f2: {  	v24 =	vld [tilespmem:s14+$0x0];
	v23 =	vor.u32 $0x3, v18;
	v10 =	vadd.f32 v10, v7  }
0x1f3: {  	v26 =	vld [tilespmem:s14+$0x20];
	v11 =	vadd.f32 v11, v7  }
0x1f4: {  	v6 =	vld [tilespmem:s21+$0x19F10];
	v27 =	vor.u32 $0x5, v18;
	[tilespmem:v14+s16+$0x0] =	vst.idx.msk $0xffff, v10  }
0x1f5: {  	v28 =	vld [tilespmem:s14+$0x40];
	s28 =	sadd.s32 $0x200, s14;
	v10 =	vor.u32 $0x2, v18;
	[tilespmem:v20+s16+$0x0] =	vst.idx.msk $0xffff, v11;
	v11 =	vadd.f32 v15, v7  }
0x1f6: {  	v30 =	vld [tilespmem:s28+$0xFFFFFFE0];
	v20 =	vor.u32 $0x7, v18  }
0x1f7: {  	v25 =	vor.u32 $0x4, v18;
	v15 =	vld [tilespmem:s14+$0x60];
	[tilespmem:v23+s16+$0x0] =	vst.idx.msk $0xffff, v11;
	v11 =	vadd.f32 v17, v7  }
0x1f8: {  	v13 =	vadd.f32 v13, v7;
	v22 =	vld [tilespmem:s14+$0xF0];
	v23 =	vor.u32 $0x1, v12  }
0x1f9: {  	v9 =	vor.u32 v1, v9;
	v29 =	vor.u32 $0x6, v18;
	v17 =	vld [tilespmem:s14+$0xA0];
	[tilespmem:v27+s16+$0x0] =	vst.idx.msk $0xffff, v11;
	v11 =	vadd.f32 v21, v7  }
0x1fa: {  	v14 =	vadd.s32 v9, v3;
	v21 =	vld [tilespmem:s14+$0xFFFFFF00];
	[tilespmem:v10+s16+$0x0] =	vst.idx.msk $0xffff, v13;
	v10 =	vadd.f32 v16, v7  }
0x1fb: {  	v26 =	vadd.f32 v26, v7;
	v13 =	vld [tilespmem:s14+$0x80];
	v16 =	vor.u32 $0x7, v14;
	[tilespmem:v20+s16+$0x0] =	vst.idx.msk $0xffff, v11  }
0x1fc: {  	v20 =	vld [tilespmem:s14+$0xFFFFFF50];
	[tilespmem:v25+s16+$0x0] =	vst.idx.msk $0xffff, v10;
	v10 =	vadd.f32 v19, v7;
	v25 =	vor.u32 $0x2, v12  }
0x1fd: {  	v11 =	vadd.f32 v24, v7;
	v24 =	vor.u32 $0x3, v12;
	v19 =	vld [tilespmem:s14+$0xC0];
	[tilespmem:v23+s16+$0x0] =	vst.idx.msk $0xffff, v26  }
0x1fe: {  	v23 =	vld [tilespmem:s14+$0xFFFFFFB0];
	[tilespmem:v29+s16+$0x0] =	vst.idx.msk $0xffff, v10;
	v10 =	vadd.f32 v22, v6  }
0x1ff: {  	[tilespmem:v12+s16+$0x0] =	vst.idx.msk $0xffff, v11;
	v11 =	vadd.f32 v28, v7;
	v28 =	vor.u32 $0x5, v12;
	v22 =	vld [tilespmem:s14+$0xFFFFFF30]  }
0x200: {  	v15 =	vadd.f32 v15, v7;
	v26 =	vadd.s32 v9, v2;
	v27 =	vld [tilespmem:s14+$0xFFFFFF90];
	[tilespmem:v16+s16+$0x0] =	vst.idx.msk $0xffff, v10;
	v16 =	vor.u32 $0x4, v12  }
0x201: {  	v21 =	vadd.f32 v21, v7;
	v10 =	vld [tilespmem:s14+$0xFFFFFF70];
	[tilespmem:v25+s16+$0x0] =	vst.idx.msk $0xffff, v11;
	v25 =	vor.u32 $0x1, v26  }
0x202: {  	v29 =	vld [tilespmem:s28+$0xFFFFFFA0];
	v12 =	vor.u32 $0x6, v12;
	[tilespmem:v24+s16+$0x0] =	vst.idx.msk $0xffff, v15;
	v15 =	vadd.f32 v17, v7  }
0x203: {  	v13 =	vadd.f32 v13, v7;
	[tilespmem:v18+s16+$0x0] =	vst.idx.msk $0xffff, v21;
	v18 =	vld [tilespmem:s14+$0xFFFFFFF0];
	v24 =	vor.u32 $0x3, v26  }
0x204: {  	v21 =	vor.u32 $0x2, v26;
	v11 =	vld [tilespmem:s14+$0xFFFFFFD0];
	[tilespmem:v28+s16+$0x0] =	vst.idx.msk $0xffff, v15;
	v15 =	vadd.f32 v22, v6  }
0x205: {  	v17 =	vld [tilespmem:s14+$0xFFFFFF10];
	v28 =	vor.u32 $0x5, v26;
	[tilespmem:v16+s16+$0x0] =	vst.idx.msk $0xffff, v13;
	v13 =	vadd.f32 v19, v7  }
0x206: {  	v22 =	vld [tilespmem:s14+$0x30];
	v19 =	vor.u32 $0x4, v26;
	v10 =	vadd.f32 v10, v6;
	[tilespmem:v25+s16+$0x0] =	vst.idx.msk $0xffff, v15  }
0x207: {  	v16 =	vld [tilespmem:s14+$0x10];
	[tilespmem:v12+s16+$0x0] =	vst.idx.msk $0xffff, v13;
	v12 =	vadd.f32 v20, v6;
	v20 =	vor.u32 $0x6, v26  }
0x208: {  	v15 =	vld [tilespmem:s14+$0x70];
	v25 =	vor.u32 $0x7, v26;
	[tilespmem:v24+s16+$0x0] =	vst.idx.msk $0xffff, v10;
	v10 =	vadd.f32 v23, v6  }
0x209: {  	v13 =	vld [tilespmem:s14+$0x50];
	[tilespmem:v21+s16+$0x0] =	vst.idx.msk $0xffff, v12;
	v12 =	vadd.f32 v27, v6  }
0x20a: {  	v11 =	vadd.f32 v11, v6;
	v23 =	vld [tilespmem:s14+$0xB0];
	[tilespmem:v28+s16+$0x0] =	vst.idx.msk $0xffff, v10  }
0x20b: {  	v10 =	vadd.f32 v18, v6;
	v18 =	vld [tilespmem:s28+$0xE0];
	[tilespmem:v19+s16+$0x0] =	vst.idx.msk $0xffff, v12;
	v12 =	vor.u32 $0x1, v14  }
0x20c: {  	v17 =	vadd.f32 v17, v6;
	v24 =	vor.u32 $0x2, v14;
	[tilespmem:v20+s16+$0x0] =	vst.idx.msk $0xffff, v11;
	v11 =	vld [tilespmem:s28+$0xFFFFFF20];
	v20 =	vadd.s32 v8, v5  }
0x20d: {  	[tilespmem:v25+s16+$0x0] =	vst.idx.msk $0xffff, v10;
	v10 =	vadd.f32 v16, v6;
	v16 =	vadd.s32 v8, v4;
	v25 =	vld [tilespmem:s28+$0xFFFFFF40];
	v27 =	vor.u32 $0x7, v20  }
0x20e: {  	[tilespmem:v26+s16+$0x0] =	vst.idx.msk $0xffff, v17;
	v17 =	vadd.f32 v22, v6;
	v26 =	vld [tilespmem:s28+$0xFFFFFF60];
	v22 =	vor.u32 $0x1, v16  }
0x20f: {  	v28 =	vld [tilespmem:s28+$0xFFFFFF80];
	[tilespmem:v14+s16+$0x0] =	vst.idx.msk $0xffff, v10;
	v10 =	vadd.f32 v13, v6;
	v13 =	vor.u32 $0x2, v16  }
0x210: {  	v21 =	vld [tilespmem:s14+$0x90];
	[tilespmem:v12+s16+$0x0] =	vst.idx.msk $0xffff, v17;
	v17 =	vor.u32 $0x3, v16;
	v12 =	vadd.f32 v18, v7  }
0x211: {  	[tilespmem:v24+s16+$0x0] =	vst.idx.msk $0xffff, v10;
	v10 =	vor.u32 $0x4, v16;
	v18 =	vld [tilespmem:s28+$0xFFFFFFC0];
	v11 =	vadd.f32 v11, v7  }
0x212: {  	v19 =	vld [tilespmem:s14+$0xD0];
	v24 =	vor.u32 $0x5, v16;
	v25 =	vadd.f32 v25, v7;
	[tilespmem:v27+s16+$0x0] =	vst.idx.msk $0xffff, v12  }
0x213: {  	v27 =	vor.u32 $0x6, v16;
	[tilespmem:v22+s16+$0x0] =	vst.idx.msk $0xffff, v11;
	v11 =	vadd.f32 v26, v7;
	v22 =	vld [tilespmem:s28+$0xF0]  }
0x214: {  	[tilespmem:v13+s16+$0x0] =	vst.idx.msk $0xffff, v25;
	v13 =	vadd.f32 v28, v7;
	v25 =	vld [tilespmem:s28+$0x0];
	v12 =	vadd.s32 v9, v5;
	v26 =	vor.u32 $0x7, v16  }
0x215: {  	v28 =	vor.u32 $0x7, v12;
	[tilespmem:v17+s16+$0x0] =	vst.idx.msk $0xffff, v11;
	v11 =	vadd.f32 v29, v7;
	v17 =	vld [tilespmem:s28+$0x20]  }
0x216: {  	[tilespmem:v10+s16+$0x0] =	vst.idx.msk $0xffff, v13;
	v13 =	vld [tilespmem:s28+$0x40];
	v10 =	vadd.f32 v18, v7  }
0x217: {  	v18 =	vor.u32 $0x1, v20;
	[tilespmem:v24+s16+$0x0] =	vst.idx.msk $0xffff, v11;
	v11 =	vadd.f32 v30, v7;
	v24 =	vld [tilespmem:s28+$0x60]  }
0x218: {  	v29 =	vor.u32 $0x2, v20;
	[tilespmem:v27+s16+$0x0] =	vst.idx.msk $0xffff, v10;
	v10 =	vld [tilespmem:s28+$0x80];
	v22 =	vadd.f32 v22, v6  }
0x219: {  	v27 =	vor.u32 $0x3, v20;
	[tilespmem:v26+s16+$0x0] =	vst.idx.msk $0xffff, v11;
	v11 =	vadd.f32 v25, v7;
	v25 =	vld [tilespmem:s28+$0xA0]  }
0x21a: {  	v30 =	vld [tilespmem:s28+$0xC0];
	v26 =	vor.u32 $0x4, v20;
	v17 =	vadd.f32 v17, v7;
	[tilespmem:v28+s16+$0x0] =	vst.idx.msk $0xffff, v22  }
0x21b: {  	v22 =	vor.u32 $0x5, v20;
	v28 =	vld [tilespmem:s28+$0xFFFFFF00];
	[tilespmem:v20+s16+$0x0] =	vst.idx.msk $0xffff, v11;
	v11 =	vadd.f32 v13, v7  }
0x21c: {  	v13 =	vor.u32 $0x6, v20;
	v20 =	vld [tilespmem:s28+$0xFFFFFF30];
	[tilespmem:v18+s16+$0x0] =	vst.idx.msk $0xffff, v17;
	v17 =	vadd.f32 v24, v7  }
0x21d: {  	v32 =	vadd.s32 v9, v4;
	v18 =	vld [tilespmem:s28+$0xFFFFFF50];
	v10 =	vadd.f32 v10, v7;
	[tilespmem:v29+s16+$0x0] =	vst.idx.msk $0xffff, v11  }
0x21e: {  	v24 =	vor.u32 $0x1, v32;
	v29 =	vld [tilespmem:s28+$0xFFFFFF70];
	[tilespmem:v27+s16+$0x0] =	vst.idx.msk $0xffff, v17;
	v11 =	vadd.f32 v25, v7  }
0x21f: {  	v17 =	vor.u32 $0x2, v32;
	v25 =	vld [tilespmem:s28+$0xFFFFFF90];
	[tilespmem:v26+s16+$0x0] =	vst.idx.msk $0xffff, v10;
	v10 =	vadd.f32 v30, v7  }
0x220: {  	v26 =	vor.u32 $0x3, v32;
	v27 =	vadd.f32 v28, v7;
	v28 =	vld [tilespmem:s28+$0xFFFFFFB0];
	[tilespmem:v22+s16+$0x0] =	vst.idx.msk $0xffff, v11  }
0x221: {  	v30 =	vld [tilespmem:s28+$0xFFFFFFD0];
	v22 =	vor.u32 $0x4, v32;
	v20 =	vadd.f32 v20, v6;
	[tilespmem:v13+s16+$0x0] =	vst.idx.msk $0xffff, v10  }
0x222: {  	v33 =	vor.u32 $0x5, v32;
	v34 =	vor.u32 $0x6, v32;
	[tilespmem:v16+s16+$0x0] =	vst.idx.msk $0xffff, v27;
	v13 =	vadd.f32 v18, v6;
	v27 =	vld [tilespmem:s28+$0xFFFFFFF0]  }
0x223: {  	v36 =	vor.u32 $0x7, v32;
	v15 =	vadd.f32 v15, v6;
	v35 =	vld [tilespmem:s28+$0xFFFFFF10];
	[tilespmem:v24+s16+$0x0] =	vst.idx.msk $0xffff, v20;
	v18 =	vadd.f32 v29, v6  }
0x224: {  	v37 =	vld [tilespmem:s28+$0x10];
	v10 =	vor.u32 $0x3, v14;
	v11 =	vor.u32 $0x4, v14;
	[tilespmem:v17+s16+$0x0] =	vst.idx.msk $0xffff, v13;
	v20 =	vadd.f32 v25, v6  }
0x225: {  	v16 =	vadd.f32 v21, v6;
	v24 =	vor.u32 $0x1, v12;
	[tilespmem:v26+s16+$0x0] =	vst.idx.msk $0xffff, v18;
	v21 =	vadd.f32 v28, v6;
	v26 =	vld [tilespmem:s28+$0x30]  }
0x226: {  	v31 =	vld [tilespmem:s28+$0x50];
	v13 =	vor.u32 $0x5, v14;
	v17 =	vadd.f32 v23, v6;
	[tilespmem:v22+s16+$0x0] =	vst.idx.msk $0xffff, v20;
	v20 =	vadd.f32 v30, v6  }
0x227: {  	v29 =	vld [tilespmem:s28+$0x90];
	v14 =	vor.u32 $0x6, v14;
	v18 =	vadd.f32 v19, v6;
	[tilespmem:v33+s16+$0x0] =	vst.idx.msk $0xffff, v21;
	v19 =	vadd.f32 v27, v6  }
0x228: {  	v25 =	vor.u32 $0x2, v12;
	v23 =	vor.u32 $0x3, v12;
	v28 =	vld [tilespmem:s28+$0x70];
	v27 =	vadd.f32 v35, v6;
	[tilespmem:v34+s16+$0x0] =	vst.idx.msk $0xffff, v20  }
0x229: {  	v22 =	vor.u32 $0x4, v12;
	v30 =	vld [tilespmem:s28+$0xB0];
	v21 =	vor.u32 $0x5, v12;
	v33 =	vadd.f32 v37, v6;
	[tilespmem:v36+s16+$0x0] =	vst.idx.msk $0xffff, v19  }
0x22a: {  	s22 =	sadd.s32 $0x200, s28;
	s21 =	simm.s32 $0x10;
	v20 =	vor.u32 $0x6, v12;
	v19 =	vadd.s32 $0x10, v4;
	[tilespmem:v32+s16+$0x0] =	vst.idx.msk $0xffff, v27;
	v32 =	vadd.f32 v26, v6;
	v27 =	vld [tilespmem:s28+$0xD0]  }
.LBB2_17:
0x22b: {  	v26 =	vadd.s32 v8, v19;
	v34 =	vor.u32 $0x8, v19;
	v35 =	vld [tilespmem:s22+$0xE0];
	s21 =	sadd.s32 $0x10, s21;
	[tilespmem:v12+s16+$0x0] =	vst.idx.msk $0xffff, v33;
	v12 =	vadd.f32 v31, v6  }
0x22c: {  	v31 =	vld [tilespmem:s22+$0xFFFFFF20];
	v33 =	vor.u32 $0x1, v26;
	v36 =	vor.u32 $0x2, v26;
	v37 =	vadd.s32 v8, v34;
	p0 =	slt.u32 s21, $0x70;
	[tilespmem:v24+s16+$0x0] =	vst.idx.msk $0xffff, v32  }
0x22d: {  	v24 =	vld [tilespmem:s22+$0xFFFFFF40];
	v32 =	vor.u32 $0x1, v37;
	v38 =	vor.u32 $0x2, v37;
	v39 =	vor.u32 $0x7, v37;
	[tilespmem:v25+s16+$0x0] =	vst.idx.msk $0xffff, v12  }
0x22e: {  	v40 =	vor.u32 $0x3, v37;
	v41 =	vor.u32 $0x4, v37;
	v42 =	vor.u32 $0x5, v37;
	v12 =	vld [tilespmem:s22+$0xFFFFFF60];
	[tilespmem:v10+s16+$0x0] =	vst.idx.msk $0xffff, v15;
	v10 =	vmovc v23  }
0x22f: {  	v43 =	vor.u32 $0x4, v26;
	v44 =	vor.u32 $0x6, v37;
	v23 =	vor.u32 $0x3, v26;
	v25 =	vld [tilespmem:s22+$0xFFFFFF80];
	[tilespmem:v11+s16+$0x0] =	vst.idx.msk $0xffff, v16;
	v11 =	vmovc v22  }
0x230: {  	v45 =	vor.u32 $0x5, v26;
	v46 =	vor.u32 $0x6, v26;
	v22 =	vld [tilespmem:s22+$0xFFFFFFA0];
	v16 =	vadd.f32 v35, v7;
	[tilespmem:v13+s16+$0x0] =	vst.idx.msk $0xffff, v17;
	v13 =	vmovc v21  }
0x231: {  	v15 =	vadd.f32 v28, v6;
	v17 =	vadd.f32 v31, v7;
	v21 =	vld [tilespmem:s22+$0xFFFFFFC0];
	v31 =	vor.u32 $0x7, v26;
	[tilespmem:v14+s16+$0x0] =	vst.idx.msk $0xffff, v18  }
0x232: {  	v14 =	vmov v20;
	v18 =	vadd.f32 v24, v7;
	v28 =	vld [tilespmem:s22+$0xFFFFFFE0];
	[tilespmem:v39+s16+$0x0] =	vst.idx.msk $0xffff, v16;
	v16 =	vadd.f32 v29, v6  }
0x233: {  	[tilespmem:v33+s16+$0x0] =	vst.idx.msk $0xffff, v17;
	v20 =	vadd.f32 v12, v7;
	v29 =	vld [tilespmem:s22+$0xF0];
	v17 =	vadd.f32 v30, v6  }
0x234: {  	v12 =	vadd.s32 v9, v34;
	[tilespmem:v36+s16+$0x0] =	vst.idx.msk $0xffff, v18;
	v24 =	vadd.f32 v25, v7;
	v30 =	vld [tilespmem:s22+$0x0]  }
0x235: {  	v34 =	vor.u32 $0x7, v12;
	v18 =	vadd.f32 v27, v6;
	[tilespmem:v23+s16+$0x0] =	vst.idx.msk $0xffff, v20;
	v20 =	vadd.f32 v22, v7;
	v33 =	vld [tilespmem:s22+$0x20]  }
0x236: {  	v27 =	vadd.s32 v9, v19;
	[tilespmem:v43+s16+$0x0] =	vst.idx.msk $0xffff, v24;
	v21 =	vadd.f32 v21, v7;
	v24 =	vor.u32 $0x1, v12;
	v35 =	vld [tilespmem:s22+$0x40]  }
0x237: {  	v25 =	vor.u32 $0x2, v12;
	v23 =	vor.u32 $0x3, v12;
	[tilespmem:v45+s16+$0x0] =	vst.idx.msk $0xffff, v20;
	v20 =	vadd.f32 v28, v7;
	v28 =	vld [tilespmem:s22+$0x60]  }
0x238: {  	v22 =	vor.u32 $0x4, v12;
	[tilespmem:v46+s16+$0x0] =	vst.idx.msk $0xffff, v21;
	v36 =	vld [tilespmem:s22+$0x80];
	v21 =	vor.u32 $0x5, v12;
	v29 =	vadd.f32 v29, v6  }
0x239: {  	v39 =	vor.u32 $0x1, v27;
	[tilespmem:v31+s16+$0x0] =	vst.idx.msk $0xffff, v20;
	v30 =	vadd.f32 v30, v7;
	v31 =	vld [tilespmem:s22+$0xA0];
	v20 =	vor.u32 $0x6, v12  }
0x23a: {  	v43 =	vor.u32 $0x2, v27;
	v45 =	vor.u32 $0x3, v27;
	v33 =	vadd.f32 v33, v7;
	v46 =	vld [tilespmem:s22+$0xC0];
	[tilespmem:v34+s16+$0x0] =	vst.idx.msk $0xffff, v29  }
0x23b: {  	v47 =	vor.u32 $0x5, v27;
	v34 =	vor.u32 $0x4, v27;
	v29 =	vld [tilespmem:s22+$0xFFFFFF00];
	[tilespmem:v37+s16+$0x0] =	vst.idx.msk $0xffff, v30;
	v30 =	vadd.f32 v35, v7  }
0x23c: {  	v48 =	vor.u32 $0x7, v27;
	v37 =	vor.u32 $0x6, v27;
	v35 =	vld [tilespmem:s22+$0xFFFFFF30];
	[tilespmem:v32+s16+$0x0] =	vst.idx.msk $0xffff, v33;
	v28 =	vadd.f32 v28, v7  }
0x23d: {  	v32 =	vld [tilespmem:s22+$0xFFFFFF50];
	[tilespmem:v38+s16+$0x0] =	vst.idx.msk $0xffff, v30;
	v30 =	vadd.f32 v36, v7  }
0x23e: {  	v33 =	vld [tilespmem:s22+$0xFFFFFF70];
	[tilespmem:v40+s16+$0x0] =	vst.idx.msk $0xffff, v28;
	v28 =	vadd.f32 v31, v7  }
0x23f: {  	v31 =	vld [tilespmem:s22+$0xFFFFFF90];
	[tilespmem:v41+s16+$0x0] =	vst.idx.msk $0xffff, v30;
	v30 =	vadd.f32 v46, v7  }
0x240: {  	v29 =	vadd.f32 v29, v7;
	v36 =	vld [tilespmem:s22+$0xFFFFFFB0];
	[tilespmem:v42+s16+$0x0] =	vst.idx.msk $0xffff, v28  }
0x241: {  	v28 =	vadd.f32 v35, v6;
	v35 =	vld [tilespmem:s22+$0xFFFFFFD0];
	[tilespmem:v44+s16+$0x0] =	vst.idx.msk $0xffff, v30  }
0x242: {  	[tilespmem:v26+s16+$0x0] =	vst.idx.msk $0xffff, v29;
	v26 =	vadd.f32 v32, v6;
	v29 =	vld [tilespmem:s22+$0xFFFFFFF0]  }
0x243: {  	v30 =	vld [tilespmem:s22+$0xFFFFFF10];
	[tilespmem:v39+s16+$0x0] =	vst.idx.msk $0xffff, v28;
	v28 =	vadd.f32 v33, v6  }
0x244: {  	[tilespmem:v43+s16+$0x0] =	vst.idx.msk $0xffff, v26;
	v26 =	vadd.f32 v31, v6;
	v32 =	vld [tilespmem:s22+$0x10]  }
0x245: {  	[tilespmem:v45+s16+$0x0] =	vst.idx.msk $0xffff, v28;
	v28 =	vadd.f32 v36, v6;
	v36 =	vld [tilespmem:s22+$0x30]  }
.Ltmp7:
0x246: {  	[tilespmem:v34+s16+$0x0] =	vst.idx.msk $0xffff, v26;
	v26 =	vadd.f32 v35, v6;
	v31 =	vld [tilespmem:s22+$0x50];
	(pc) =	sbr.rel @p0 .LBB2_17-.Ltmp7, $4  }
0x247: {  	[tilespmem:v47+s16+$0x0] =	vst.idx.msk $0xffff, v28;
	v33 =	vadd.f32 v29, v6;
	v28 =	vld [tilespmem:s22+$0x70]  }
0x248: {  	v34 =	vadd.f32 v30, v6;
	[tilespmem:v37+s16+$0x0] =	vst.idx.msk $0xffff, v26;
	v29 =	vld [tilespmem:s22+$0x90]  }
0x249: {  	[tilespmem:v48+s16+$0x0] =	vst.idx.msk $0xffff, v33;
	v33 =	vadd.f32 v32, v6;
	v30 =	vld [tilespmem:s22+$0xB0]  }
0x24a: {  	v19 =	vadd.s32 $0x10, v19;
	[tilespmem:v27+s16+$0x0] =	vst.idx.msk $0xffff, v34;
	v32 =	vadd.f32 v36, v6;
	v27 =	vld [tilespmem:s22+$0xD0];
	s22 =	sadd.s32 $0x200, s22  }
0x24b: {  	_ =	sdelay $0x3  }
0x24c: {  	[tilespmem:v12+s16+$0x0] =	vst.idx.msk $0xffff, v33  }
0x24d: {  	[tilespmem:v10+s16+$0x0] =	vst.idx.msk $0xffff, v15  }
0x24e: {  	[tilespmem:v11+s16+$0x0] =	vst.idx.msk $0xffff, v16  }
0x24f: {  	v7 =	vadd.f32 v31, v6;
	[tilespmem:v13+s16+$0x0] =	vst.idx.msk $0xffff, v17  }
0x250: {  	[tilespmem:v14+s16+$0x0] =	vst.idx.msk $0xffff, v18;
	s4 =	sadd.s32 $0x1, s4  }
0x251: {  	p0 =	sne.s32 s4, $0x8;
	[tilespmem:v25+s16+$0x0] =	vst.idx.msk $0xffff, v7;
	v7 =	vadd.f32 v28, v6  }
.Ltmp8:
0x252: {  	[tilespmem:v24+s16+$0x0] =	vst.idx.msk $0xffff, v32;
	v8 =	vadd.f32 v29, v6;
	(pc) =	sbr.rel @p0 .LBB2_16-.Ltmp8, $4  }
0x253: {  	v9 =	vadd.f32 v30, v6;
	[tilespmem:v23+s16+$0x0] =	vst.idx.msk $0xffff, v7  }
0x254: {  	v6 =	vadd.f32 v27, v6;
	[tilespmem:v22+s16+$0x0] =	vst.idx.msk $0xffff, v8  }
0x255: {  	[tilespmem:v21+s16+$0x0] =	vst.idx.msk $0xffff, v9  }
0x256: {  	s14 =	sadd.s32 $0x1000, s14;
	[tilespmem:v20+s16+$0x0] =	vst.idx.msk $0xffff, v6  }
0x257: {  	s4 =	rddreg [dreg:$0x8]  }
0x258: {  	[hbm4b:s4+s9] =	stream.strided.scatter [tilespmem:s16], [sflag:$0x5], $0x8000, s7, s9, $0x38;
	[tilespmem:$0x1A100] =	vst v63  }
0x259: {  	_ =	swait.ge [sflag:s15], $0x8000  }
0x25a: {  	[sflag:s15] =	ssyncset.done $0x0  }
0x25b: {  	[sflag:s15] =	ssyncadd.s32 $0xFFFF8000  }
0x25c: {  	_ =	swait.ge [sflag:s18], $0x8000  }
0x25d: {  	[sflag:s18] =	ssyncset.done $0x0  }
0x25e: {  	s14 =	simm.s32 $0x900;
	s4 =	simm.s32 $0x0;
	[sflag:s18] =	ssyncadd.s32 $0xFFFF8000  }
.LBB2_20:
0x25f: {  	v10 =	vld [tilespmem:s14+$0xE0]  }
0x260: {  	s22 =	sshll.u32 s4, $0x2;
	v11 =	vld [tilespmem:s14+$0xFFFFFF20]  }
0x261: {  	s21 =	sshll.u32 s4, $0x5;
	v13 =	vld [tilespmem:s14+$0xFFFFFF40];
	v8 =	vmov s22  }
0x262: {  	v15 =	vld [tilespmem:s14+$0xFFFFFF60];
	s21 =	sand.u32 $0x3FFFFFE0, s21;
	v9 =	vshll.u32 v8, $0xA  }
0x263: {  	v7 =	vld [tilespmem:s21+$0x1A000];
	v8 =	vor.u32 v0, v9  }
0x264: {  	v16 =	vld [tilespmem:s14+$0xFFFFFF80];
	v12 =	vadd.s32 v8, v3  }
0x265: {  	v17 =	vld [tilespmem:s14+$0xFFFFFFA0];
	v18 =	vadd.s32 v8, v2;
	v14 =	vor.u32 $0x7, v12  }
0x266: {  	v19 =	vld [tilespmem:s14+$0xFFFFFFC0];
	v20 =	vor.u32 $0x1, v18  }
0x267: {  	v21 =	vld [tilespmem:s14+$0xFFFFFFE0]  }
0x268: {  	v24 =	vld [tilespmem:s14+$0x0];
	v23 =	vor.u32 $0x3, v18;
	v10 =	vadd.f32 v10, v7  }
0x269: {  	v26 =	vld [tilespmem:s14+$0x20];
	v11 =	vadd.f32 v11, v7  }
0x26a: {  	v6 =	vld [tilespmem:s21+$0x1A010];
	v27 =	vor.u32 $0x5, v18;
	[tilespmem:v14+s16+$0x0] =	vst.idx.msk $0xffff, v10  }
0x26b: {  	v28 =	vld [tilespmem:s14+$0x40];
	s28 =	sadd.s32 $0x200, s14;
	v10 =	vor.u32 $0x2, v18;
	[tilespmem:v20+s16+$0x0] =	vst.idx.msk $0xffff, v11;
	v11 =	vadd.f32 v15, v7  }
0x26c: {  	v30 =	vld [tilespmem:s28+$0xFFFFFFE0];
	v20 =	vor.u32 $0x7, v18  }
0x26d: {  	v25 =	vor.u32 $0x4, v18;
	v15 =	vld [tilespmem:s14+$0x60];
	[tilespmem:v23+s16+$0x0] =	vst.idx.msk $0xffff, v11;
	v11 =	vadd.f32 v17, v7  }
0x26e: {  	v13 =	vadd.f32 v13, v7;
	v22 =	vld [tilespmem:s14+$0xF0];
	v23 =	vor.u32 $0x1, v12  }
0x26f: {  	v9 =	vor.u32 v1, v9;
	v29 =	vor.u32 $0x6, v18;
	v17 =	vld [tilespmem:s14+$0xA0];
	[tilespmem:v27+s16+$0x0] =	vst.idx.msk $0xffff, v11;
	v11 =	vadd.f32 v21, v7  }
0x270: {  	v14 =	vadd.s32 v9, v3;
	v21 =	vld [tilespmem:s14+$0xFFFFFF00];
	[tilespmem:v10+s16+$0x0] =	vst.idx.msk $0xffff, v13;
	v10 =	vadd.f32 v16, v7  }
0x271: {  	v26 =	vadd.f32 v26, v7;
	v13 =	vld [tilespmem:s14+$0x80];
	v16 =	vor.u32 $0x7, v14;
	[tilespmem:v20+s16+$0x0] =	vst.idx.msk $0xffff, v11  }
0x272: {  	v20 =	vld [tilespmem:s14+$0xFFFFFF50];
	[tilespmem:v25+s16+$0x0] =	vst.idx.msk $0xffff, v10;
	v10 =	vadd.f32 v19, v7;
	v25 =	vor.u32 $0x2, v12  }
0x273: {  	v11 =	vadd.f32 v24, v7;
	v24 =	vor.u32 $0x3, v12;
	v19 =	vld [tilespmem:s14+$0xC0];
	[tilespmem:v23+s16+$0x0] =	vst.idx.msk $0xffff, v26  }
0x274: {  	v23 =	vld [tilespmem:s14+$0xFFFFFFB0];
	[tilespmem:v29+s16+$0x0] =	vst.idx.msk $0xffff, v10;
	v10 =	vadd.f32 v22, v6  }
0x275: {  	[tilespmem:v12+s16+$0x0] =	vst.idx.msk $0xffff, v11;
	v11 =	vadd.f32 v28, v7;
	v28 =	vor.u32 $0x5, v12;
	v22 =	vld [tilespmem:s14+$0xFFFFFF30]  }
0x276: {  	v15 =	vadd.f32 v15, v7;
	v26 =	vadd.s32 v9, v2;
	v27 =	vld [tilespmem:s14+$0xFFFFFF90];
	[tilespmem:v16+s16+$0x0] =	vst.idx.msk $0xffff, v10;
	v16 =	vor.u32 $0x4, v12  }
0x277: {  	v21 =	vadd.f32 v21, v7;
	v10 =	vld [tilespmem:s14+$0xFFFFFF70];
	[tilespmem:v25+s16+$0x0] =	vst.idx.msk $0xffff, v11;
	v25 =	vor.u32 $0x1, v26  }
0x278: {  	v29 =	vld [tilespmem:s28+$0xFFFFFFA0];
	v12 =	vor.u32 $0x6, v12;
	[tilespmem:v24+s16+$0x0] =	vst.idx.msk $0xffff, v15;
	v15 =	vadd.f32 v17, v7  }
0x279: {  	v13 =	vadd.f32 v13, v7;
	[tilespmem:v18+s16+$0x0] =	vst.idx.msk $0xffff, v21;
	v18 =	vld [tilespmem:s14+$0xFFFFFFF0];
	v24 =	vor.u32 $0x3, v26  }
0x27a: {  	v21 =	vor.u32 $0x2, v26;
	v11 =	vld [tilespmem:s14+$0xFFFFFFD0];
	[tilespmem:v28+s16+$0x0] =	vst.idx.msk $0xffff, v15;
	v15 =	vadd.f32 v22, v6  }
0x27b: {  	v17 =	vld [tilespmem:s14+$0xFFFFFF10];
	v28 =	vor.u32 $0x5, v26;
	[tilespmem:v16+s16+$0x0] =	vst.idx.msk $0xffff, v13;
	v13 =	vadd.f32 v19, v7  }
0x27c: {  	v22 =	vld [tilespmem:s14+$0x30];
	v19 =	vor.u32 $0x4, v26;
	v10 =	vadd.f32 v10, v6;
	[tilespmem:v25+s16+$0x0] =	vst.idx.msk $0xffff, v15  }
0x27d: {  	v16 =	vld [tilespmem:s14+$0x10];
	[tilespmem:v12+s16+$0x0] =	vst.idx.msk $0xffff, v13;
	v12 =	vadd.f32 v20, v6;
	v20 =	vor.u32 $0x6, v26  }
0x27e: {  	v15 =	vld [tilespmem:s14+$0x70];
	v25 =	vor.u32 $0x7, v26;
	[tilespmem:v24+s16+$0x0] =	vst.idx.msk $0xffff, v10;
	v10 =	vadd.f32 v23, v6  }
0x27f: {  	v13 =	vld [tilespmem:s14+$0x50];
	[tilespmem:v21+s16+$0x0] =	vst.idx.msk $0xffff, v12;
	v12 =	vadd.f32 v27, v6  }
0x280: {  	v11 =	vadd.f32 v11, v6;
	v23 =	vld [tilespmem:s14+$0xB0];
	[tilespmem:v28+s16+$0x0] =	vst.idx.msk $0xffff, v10  }
0x281: {  	v10 =	vadd.f32 v18, v6;
	v18 =	vld [tilespmem:s28+$0xE0];
	[tilespmem:v19+s16+$0x0] =	vst.idx.msk $0xffff, v12;
	v12 =	vor.u32 $0x1, v14  }
0x282: {  	v17 =	vadd.f32 v17, v6;
	v24 =	vor.u32 $0x2, v14;
	[tilespmem:v20+s16+$0x0] =	vst.idx.msk $0xffff, v11;
	v11 =	vld [tilespmem:s28+$0xFFFFFF20];
	v20 =	vadd.s32 v8, v5  }
0x283: {  	[tilespmem:v25+s16+$0x0] =	vst.idx.msk $0xffff, v10;
	v10 =	vadd.f32 v16, v6;
	v16 =	vadd.s32 v8, v4;
	v25 =	vld [tilespmem:s28+$0xFFFFFF40];
	v27 =	vor.u32 $0x7, v20  }
0x284: {  	[tilespmem:v26+s16+$0x0] =	vst.idx.msk $0xffff, v17;
	v17 =	vadd.f32 v22, v6;
	v26 =	vld [tilespmem:s28+$0xFFFFFF60];
	v22 =	vor.u32 $0x1, v16  }
0x285: {  	v28 =	vld [tilespmem:s28+$0xFFFFFF80];
	[tilespmem:v14+s16+$0x0] =	vst.idx.msk $0xffff, v10;
	v10 =	vadd.f32 v13, v6;
	v13 =	vor.u32 $0x2, v16  }
0x286: {  	v21 =	vld [tilespmem:s14+$0x90];
	[tilespmem:v12+s16+$0x0] =	vst.idx.msk $0xffff, v17;
	v17 =	vor.u32 $0x3, v16;
	v12 =	vadd.f32 v18, v7  }
0x287: {  	[tilespmem:v24+s16+$0x0] =	vst.idx.msk $0xffff, v10;
	v10 =	vor.u32 $0x4, v16;
	v18 =	vld [tilespmem:s28+$0xFFFFFFC0];
	v11 =	vadd.f32 v11, v7  }
0x288: {  	v19 =	vld [tilespmem:s14+$0xD0];
	v24 =	vor.u32 $0x5, v16;
	v25 =	vadd.f32 v25, v7;
	[tilespmem:v27+s16+$0x0] =	vst.idx.msk $0xffff, v12  }
0x289: {  	v27 =	vor.u32 $0x6, v16;
	[tilespmem:v22+s16+$0x0] =	vst.idx.msk $0xffff, v11;
	v11 =	vadd.f32 v26, v7;
	v22 =	vld [tilespmem:s28+$0xF0]  }
0x28a: {  	[tilespmem:v13+s16+$0x0] =	vst.idx.msk $0xffff, v25;
	v13 =	vadd.f32 v28, v7;
	v25 =	vld [tilespmem:s28+$0x0];
	v12 =	vadd.s32 v9, v5;
	v26 =	vor.u32 $0x7, v16  }
0x28b: {  	v28 =	vor.u32 $0x7, v12;
	[tilespmem:v17+s16+$0x0] =	vst.idx.msk $0xffff, v11;
	v11 =	vadd.f32 v29, v7;
	v17 =	vld [tilespmem:s28+$0x20]  }
0x28c: {  	[tilespmem:v10+s16+$0x0] =	vst.idx.msk $0xffff, v13;
	v13 =	vld [tilespmem:s28+$0x40];
	v10 =	vadd.f32 v18, v7  }
0x28d: {  	v18 =	vor.u32 $0x1, v20;
	[tilespmem:v24+s16+$0x0] =	vst.idx.msk $0xffff, v11;
	v11 =	vadd.f32 v30, v7;
	v24 =	vld [tilespmem:s28+$0x60]  }
0x28e: {  	v29 =	vor.u32 $0x2, v20;
	[tilespmem:v27+s16+$0x0] =	vst.idx.msk $0xffff, v10;
	v10 =	vld [tilespmem:s28+$0x80];
	v22 =	vadd.f32 v22, v6  }
0x28f: {  	v27 =	vor.u32 $0x3, v20;
	[tilespmem:v26+s16+$0x0] =	vst.idx.msk $0xffff, v11;
	v11 =	vadd.f32 v25, v7;
	v25 =	vld [tilespmem:s28+$0xA0]  }
0x290: {  	v30 =	vld [tilespmem:s28+$0xC0];
	v26 =	vor.u32 $0x4, v20;
	v17 =	vadd.f32 v17, v7;
	[tilespmem:v28+s16+$0x0] =	vst.idx.msk $0xffff, v22  }
0x291: {  	v22 =	vor.u32 $0x5, v20;
	v28 =	vld [tilespmem:s28+$0xFFFFFF00];
	[tilespmem:v20+s16+$0x0] =	vst.idx.msk $0xffff, v11;
	v11 =	vadd.f32 v13, v7  }
0x292: {  	v13 =	vor.u32 $0x6, v20;
	v20 =	vld [tilespmem:s28+$0xFFFFFF30];
	[tilespmem:v18+s16+$0x0] =	vst.idx.msk $0xffff, v17;
	v17 =	vadd.f32 v24, v7  }
0x293: {  	v32 =	vadd.s32 v9, v4;
	v18 =	vld [tilespmem:s28+$0xFFFFFF50];
	v10 =	vadd.f32 v10, v7;
	[tilespmem:v29+s16+$0x0] =	vst.idx.msk $0xffff, v11  }
0x294: {  	v24 =	vor.u32 $0x1, v32;
	v29 =	vld [tilespmem:s28+$0xFFFFFF70];
	[tilespmem:v27+s16+$0x0] =	vst.idx.msk $0xffff, v17;
	v11 =	vadd.f32 v25, v7  }
0x295: {  	v17 =	vor.u32 $0x2, v32;
	v25 =	vld [tilespmem:s28+$0xFFFFFF90];
	[tilespmem:v26+s16+$0x0] =	vst.idx.msk $0xffff, v10;
	v10 =	vadd.f32 v30, v7  }
0x296: {  	v26 =	vor.u32 $0x3, v32;
	v27 =	vadd.f32 v28, v7;
	v28 =	vld [tilespmem:s28+$0xFFFFFFB0];
	[tilespmem:v22+s16+$0x0] =	vst.idx.msk $0xffff, v11  }
0x297: {  	v30 =	vld [tilespmem:s28+$0xFFFFFFD0];
	v22 =	vor.u32 $0x4, v32;
	v20 =	vadd.f32 v20, v6;
	[tilespmem:v13+s16+$0x0] =	vst.idx.msk $0xffff, v10  }
0x298: {  	v33 =	vor.u32 $0x5, v32;
	v34 =	vor.u32 $0x6, v32;
	[tilespmem:v16+s16+$0x0] =	vst.idx.msk $0xffff, v27;
	v13 =	vadd.f32 v18, v6;
	v27 =	vld [tilespmem:s28+$0xFFFFFFF0]  }
0x299: {  	v36 =	vor.u32 $0x7, v32;
	v15 =	vadd.f32 v15, v6;
	v35 =	vld [tilespmem:s28+$0xFFFFFF10];
	[tilespmem:v24+s16+$0x0] =	vst.idx.msk $0xffff, v20;
	v18 =	vadd.f32 v29, v6  }
0x29a: {  	v37 =	vld [tilespmem:s28+$0x10];
	v10 =	vor.u32 $0x3, v14;
	v11 =	vor.u32 $0x4, v14;
	[tilespmem:v17+s16+$0x0] =	vst.idx.msk $0xffff, v13;
	v20 =	vadd.f32 v25, v6  }
0x29b: {  	v16 =	vadd.f32 v21, v6;
	v24 =	vor.u32 $0x1, v12;
	[tilespmem:v26+s16+$0x0] =	vst.idx.msk $0xffff, v18;
	v21 =	vadd.f32 v28, v6;
	v26 =	vld [tilespmem:s28+$0x30]  }
0x29c: {  	v31 =	vld [tilespmem:s28+$0x50];
	v13 =	vor.u32 $0x5, v14;
	v17 =	vadd.f32 v23, v6;
	[tilespmem:v22+s16+$0x0] =	vst.idx.msk $0xffff, v20;
	v20 =	vadd.f32 v30, v6  }
0x29d: {  	v29 =	vld [tilespmem:s28+$0x90];
	v14 =	vor.u32 $0x6, v14;
	v18 =	vadd.f32 v19, v6;
	[tilespmem:v33+s16+$0x0] =	vst.idx.msk $0xffff, v21;
	v19 =	vadd.f32 v27, v6  }
0x29e: {  	v25 =	vor.u32 $0x2, v12;
	v23 =	vor.u32 $0x3, v12;
	v28 =	vld [tilespmem:s28+$0x70];
	v27 =	vadd.f32 v35, v6;
	[tilespmem:v34+s16+$0x0] =	vst.idx.msk $0xffff, v20  }
0x29f: {  	v22 =	vor.u32 $0x4, v12;
	v30 =	vld [tilespmem:s28+$0xB0];
	v21 =	vor.u32 $0x5, v12;
	v33 =	vadd.f32 v37, v6;
	[tilespmem:v36+s16+$0x0] =	vst.idx.msk $0xffff, v19  }
0x2a0: {  	s22 =	sadd.s32 $0x200, s28;
	s21 =	simm.s32 $0x10;
	v20 =	vor.u32 $0x6, v12;
	v19 =	vadd.s32 $0x10, v4;
	[tilespmem:v32+s16+$0x0] =	vst.idx.msk $0xffff, v27;
	v32 =	vadd.f32 v26, v6;
	v27 =	vld [tilespmem:s28+$0xD0]  }
.LBB2_21:
0x2a1: {  	v26 =	vadd.s32 v8, v19;
	v34 =	vor.u32 $0x8, v19;
	v35 =	vld [tilespmem:s22+$0xE0];
	s21 =	sadd.s32 $0x10, s21;
	[tilespmem:v12+s16+$0x0] =	vst.idx.msk $0xffff, v33;
	v12 =	vadd.f32 v31, v6  }
0x2a2: {  	v31 =	vld [tilespmem:s22+$0xFFFFFF20];
	v33 =	vor.u32 $0x1, v26;
	v36 =	vor.u32 $0x2, v26;
	v37 =	vadd.s32 v8, v34;
	p0 =	slt.u32 s21, $0x70;
	[tilespmem:v24+s16+$0x0] =	vst.idx.msk $0xffff, v32  }
0x2a3: {  	v24 =	vld [tilespmem:s22+$0xFFFFFF40];
	v32 =	vor.u32 $0x1, v37;
	v38 =	vor.u32 $0x2, v37;
	v39 =	vor.u32 $0x7, v37;
	[tilespmem:v25+s16+$0x0] =	vst.idx.msk $0xffff, v12  }
0x2a4: {  	v40 =	vor.u32 $0x3, v37;
	v41 =	vor.u32 $0x4, v37;
	v42 =	vor.u32 $0x5, v37;
	v12 =	vld [tilespmem:s22+$0xFFFFFF60];
	[tilespmem:v10+s16+$0x0] =	vst.idx.msk $0xffff, v15;
	v10 =	vmovc v23  }
0x2a5: {  	v43 =	vor.u32 $0x4, v26;
	v44 =	vor.u32 $0x6, v37;
	v23 =	vor.u32 $0x3, v26;
	v25 =	vld [tilespmem:s22+$0xFFFFFF80];
	[tilespmem:v11+s16+$0x0] =	vst.idx.msk $0xffff, v16;
	v11 =	vmovc v22  }
0x2a6: {  	v45 =	vor.u32 $0x5, v26;
	v46 =	vor.u32 $0x6, v26;
	v22 =	vld [tilespmem:s22+$0xFFFFFFA0];
	v16 =	vadd.f32 v35, v7;
	[tilespmem:v13+s16+$0x0] =	vst.idx.msk $0xffff, v17;
	v13 =	vmovc v21  }
0x2a7: {  	v15 =	vadd.f32 v28, v6;
	v17 =	vadd.f32 v31, v7;
	v21 =	vld [tilespmem:s22+$0xFFFFFFC0];
	v31 =	vor.u32 $0x7, v26;
	[tilespmem:v14+s16+$0x0] =	vst.idx.msk $0xffff, v18  }
0x2a8: {  	v14 =	vmov v20;
	v18 =	vadd.f32 v24, v7;
	v28 =	vld [tilespmem:s22+$0xFFFFFFE0];
	[tilespmem:v39+s16+$0x0] =	vst.idx.msk $0xffff, v16;
	v16 =	vadd.f32 v29, v6  }
0x2a9: {  	[tilespmem:v33+s16+$0x0] =	vst.idx.msk $0xffff, v17;
	v20 =	vadd.f32 v12, v7;
	v29 =	vld [tilespmem:s22+$0xF0];
	v17 =	vadd.f32 v30, v6  }
0x2aa: {  	v12 =	vadd.s32 v9, v34;
	[tilespmem:v36+s16+$0x0] =	vst.idx.msk $0xffff, v18;
	v24 =	vadd.f32 v25, v7;
	v30 =	vld [tilespmem:s22+$0x0]  }
0x2ab: {  	v34 =	vor.u32 $0x7, v12;
	v18 =	vadd.f32 v27, v6;
	[tilespmem:v23+s16+$0x0] =	vst.idx.msk $0xffff, v20;
	v20 =	vadd.f32 v22, v7;
	v33 =	vld [tilespmem:s22+$0x20]  }
0x2ac: {  	v27 =	vadd.s32 v9, v19;
	[tilespmem:v43+s16+$0x0] =	vst.idx.msk $0xffff, v24;
	v21 =	vadd.f32 v21, v7;
	v24 =	vor.u32 $0x1, v12;
	v35 =	vld [tilespmem:s22+$0x40]  }
0x2ad: {  	v25 =	vor.u32 $0x2, v12;
	v23 =	vor.u32 $0x3, v12;
	[tilespmem:v45+s16+$0x0] =	vst.idx.msk $0xffff, v20;
	v20 =	vadd.f32 v28, v7;
	v28 =	vld [tilespmem:s22+$0x60]  }
0x2ae: {  	v22 =	vor.u32 $0x4, v12;
	[tilespmem:v46+s16+$0x0] =	vst.idx.msk $0xffff, v21;
	v36 =	vld [tilespmem:s22+$0x80];
	v21 =	vor.u32 $0x5, v12;
	v29 =	vadd.f32 v29, v6  }
0x2af: {  	v39 =	vor.u32 $0x1, v27;
	[tilespmem:v31+s16+$0x0] =	vst.idx.msk $0xffff, v20;
	v30 =	vadd.f32 v30, v7;
	v31 =	vld [tilespmem:s22+$0xA0];
	v20 =	vor.u32 $0x6, v12  }
0x2b0: {  	v43 =	vor.u32 $0x2, v27;
	v45 =	vor.u32 $0x3, v27;
	v33 =	vadd.f32 v33, v7;
	v46 =	vld [tilespmem:s22+$0xC0];
	[tilespmem:v34+s16+$0x0] =	vst.idx.msk $0xffff, v29  }
0x2b1: {  	v47 =	vor.u32 $0x5, v27;
	v34 =	vor.u32 $0x4, v27;
	v29 =	vld [tilespmem:s22+$0xFFFFFF00];
	[tilespmem:v37+s16+$0x0] =	vst.idx.msk $0xffff, v30;
	v30 =	vadd.f32 v35, v7  }
0x2b2: {  	v48 =	vor.u32 $0x7, v27;
	v37 =	vor.u32 $0x6, v27;
	v35 =	vld [tilespmem:s22+$0xFFFFFF30];
	[tilespmem:v32+s16+$0x0] =	vst.idx.msk $0xffff, v33;
	v28 =	vadd.f32 v28, v7  }
0x2b3: {  	v32 =	vld [tilespmem:s22+$0xFFFFFF50];
	[tilespmem:v38+s16+$0x0] =	vst.idx.msk $0xffff, v30;
	v30 =	vadd.f32 v36, v7  }
0x2b4: {  	v33 =	vld [tilespmem:s22+$0xFFFFFF70];
	[tilespmem:v40+s16+$0x0] =	vst.idx.msk $0xffff, v28;
	v28 =	vadd.f32 v31, v7  }
0x2b5: {  	v31 =	vld [tilespmem:s22+$0xFFFFFF90];
	[tilespmem:v41+s16+$0x0] =	vst.idx.msk $0xffff, v30;
	v30 =	vadd.f32 v46, v7  }
0x2b6: {  	v29 =	vadd.f32 v29, v7;
	v36 =	vld [tilespmem:s22+$0xFFFFFFB0];
	[tilespmem:v42+s16+$0x0] =	vst.idx.msk $0xffff, v28  }
0x2b7: {  	v28 =	vadd.f32 v35, v6;
	v35 =	vld [tilespmem:s22+$0xFFFFFFD0];
	[tilespmem:v44+s16+$0x0] =	vst.idx.msk $0xffff, v30  }
0x2b8: {  	[tilespmem:v26+s16+$0x0] =	vst.idx.msk $0xffff, v29;
	v26 =	vadd.f32 v32, v6;
	v29 =	vld [tilespmem:s22+$0xFFFFFFF0]  }
0x2b9: {  	v30 =	vld [tilespmem:s22+$0xFFFFFF10];
	[tilespmem:v39+s16+$0x0] =	vst.idx.msk $0xffff, v28;
	v28 =	vadd.f32 v33, v6  }
0x2ba: {  	[tilespmem:v43+s16+$0x0] =	vst.idx.msk $0xffff, v26;
	v26 =	vadd.f32 v31, v6;
	v32 =	vld [tilespmem:s22+$0x10]  }
0x2bb: {  	[tilespmem:v45+s16+$0x0] =	vst.idx.msk $0xffff, v28;
	v28 =	vadd.f32 v36, v6;
	v36 =	vld [tilespmem:s22+$0x30]  }
.Ltmp9:
0x2bc: {  	[tilespmem:v34+s16+$0x0] =	vst.idx.msk $0xffff, v26;
	v26 =	vadd.f32 v35, v6;
	v31 =	vld [tilespmem:s22+$0x50];
	(pc) =	sbr.rel @p0 .LBB2_21-.Ltmp9, $4  }
0x2bd: {  	[tilespmem:v47+s16+$0x0] =	vst.idx.msk $0xffff, v28;
	v33 =	vadd.f32 v29, v6;
	v28 =	vld [tilespmem:s22+$0x70]  }
0x2be: {  	v34 =	vadd.f32 v30, v6;
	[tilespmem:v37+s16+$0x0] =	vst.idx.msk $0xffff, v26;
	v29 =	vld [tilespmem:s22+$0x90]  }
0x2bf: {  	[tilespmem:v48+s16+$0x0] =	vst.idx.msk $0xffff, v33;
	v33 =	vadd.f32 v32, v6;
	v30 =	vld [tilespmem:s22+$0xB0]  }
0x2c0: {  	v19 =	vadd.s32 $0x10, v19;
	[tilespmem:v27+s16+$0x0] =	vst.idx.msk $0xffff, v34;
	v32 =	vadd.f32 v36, v6;
	v27 =	vld [tilespmem:s22+$0xD0];
	s22 =	sadd.s32 $0x200, s22  }
0x2c1: {  	_ =	sdelay $0x3  }
0x2c2: {  	[tilespmem:v12+s16+$0x0] =	vst.idx.msk $0xffff, v33  }
0x2c3: {  	[tilespmem:v10+s16+$0x0] =	vst.idx.msk $0xffff, v15  }
0x2c4: {  	[tilespmem:v11+s16+$0x0] =	vst.idx.msk $0xffff, v16  }
0x2c5: {  	v7 =	vadd.f32 v31, v6;
	[tilespmem:v13+s16+$0x0] =	vst.idx.msk $0xffff, v17  }
0x2c6: {  	[tilespmem:v14+s16+$0x0] =	vst.idx.msk $0xffff, v18;
	s4 =	sadd.s32 $0x1, s4  }
0x2c7: {  	p0 =	sne.s32 s4, $0x8;
	[tilespmem:v25+s16+$0x0] =	vst.idx.msk $0xffff, v7;
	v7 =	vadd.f32 v28, v6  }
.Ltmp10:
0x2c8: {  	[tilespmem:v24+s16+$0x0] =	vst.idx.msk $0xffff, v32;
	v8 =	vadd.f32 v29, v6;
	(pc) =	sbr.rel @p0 .LBB2_20-.Ltmp10, $4  }
0x2c9: {  	v9 =	vadd.f32 v30, v6;
	[tilespmem:v23+s16+$0x0] =	vst.idx.msk $0xffff, v7  }
0x2ca: {  	v6 =	vadd.f32 v27, v6;
	[tilespmem:v22+s16+$0x0] =	vst.idx.msk $0xffff, v8  }
0x2cb: {  	[tilespmem:v21+s16+$0x0] =	vst.idx.msk $0xffff, v9  }
0x2cc: {  	s14 =	sadd.s32 $0x1000, s14;
	[tilespmem:v20+s16+$0x0] =	vst.idx.msk $0xffff, v6  }
0x2cd: {  	s4 =	rddreg [dreg:$0x9]  }
0x2ce: {  	[hbm4b:s4+s9] =	stream.strided.scatter [tilespmem:s16], [sflag:$0x5], $0x8000, s7, s9, $0x38;
	[tilespmem:$0x1A100] =	vst v63  }
0x2cf: {  	_ =	swait.ge [sflag:s18], $0x8000  }
0x2d0: {  	s14 =	rddreg [dreg:$0xb]  }
0x2d1: {  	s28 =	rddreg [dreg:$0xa];
	s14 =	sadd.s32 $0x1, s14  }
0x2d2: {  	p0 =	sne.s32 s14, s28  }
.Ltmp11:
0x2d3: {  	_ = 	snop;
	(pc) =	sbr.rel @p0 .LBB2_1-.Ltmp11, $3  }
0x2d4: {  	_ =	sdelay $0x1  }
0x2d5: {  	[sflag:s18] =	ssyncset.done $0x0  }
0x2d6: {  	[sflag:s18] =	ssyncadd.s32 $0xFFFF8000  }
0x2d7: {  	_ =	sfence.sel $0x180000  }
0x2d8: {  	[bflag:$0x0] =	sbarrier.arrive $0xFFFF  }
0x2d9: {  	_ =	strace $0x90000047  }
0x2da: {  	s0 =	stileid.u32;
	[bflag:$0x2] =	sbarrier.arrive $0xFFFF  }
0x2db: {  	p0 =	sne.s32 s0, $0x0;
	s0 =	rddreg [dreg:$0x3]  }
0x2dc: {  	s0 =	sadd.s32 @!p0 $0x100000, s0  }
0x2dd: {  	[sflag:s0] =	ssyncadd.tile.s32 @!p0 $0x1;
	_ =	shalt  }
.Lfunc_end2:
_tile_overlayer_lowered:
.L_overlay_start_2:
0x2de: {  	(tag) =	ssettag $0x2  }
0x2df: {  	s0 =	rddreg [dreg:$0x0];
	s2 =	stileid.u32  }
0x2e0: {  	s1 =	rddreg [dreg:$0x1];
	p0 =	sne.s32 s2, $0x0  }
0x2e1: {  	s3 =	rddreg [dreg:$0x2];
	[bflag:$0x3] =	sbarrier.arrive $0xFFFF;
	s2 =	simm.s32 @!p0 $0x1C06  }
0x2e2: {  	[timem:s3], [sflag:s2] =	dma.local @!p0 [hbm:s0], s1  }
0x2e3: {  	s0 =	simm.s32 @!p0 $0x6  }
0x2e4: {  	_ =	swait.ge @!p0 [sflag:s0], s1  }
0x2e5: {  	s1 =	ssub.s32 @!p0 $0x0, s1;
	[sflag:s0] =	ssyncset.done @!p0 $0x0  }
0x2e6: {  	[sflag:s0] =	ssyncadd.s32 @!p0 s1  }
0x2e7: {  	[bflag:$0x3] =	sbarrier.arrive $0xFFFF  }
0x2e8: {  	_ =	shalt  }

</sc_bundles>
